<compile_context>
chip_gen: v7x
topology: tpu7x:2x2x1
jax: 0.10.2.dev20260603
libtpu: 0.0.44.dev20260713+nightly
codegen_flags: <defaults>
</compile_context>

<pallas_src>
import dataclasses
import functools

import jax
import jax.numpy as jnp
from jax import lax
from jax.experimental import pallas as pl
from jax.experimental.pallas import tpu as pltpu
from jax.experimental.pallas import tpu_sc as plsc

N = 10000
E = 320000
F_IN = 128
HID = 128
NCLS = 64

NCORE = 2
NSUB = 16
NTILE = NCORE * NSUB

CHUNK = 128
CPT = 80
SLAB = 16
EPAD = NTILE * CPT * CHUNK
TRASH = N
NACC = 10240
RPT = NACC // NSUB

_mesh = plsc.VectorSubcoreMesh(core_axis_name="c", subcore_axis_name="s")

_sc_params = pltpu.CompilerParams()
if "needs_layout_passes" in pltpu.CompilerParams.__dataclass_fields__:
    _sc_params = dataclasses.replace(_sc_params, needs_layout_passes=False)


def _sc_degrees(src_p, dst_p):

    @functools.partial(
        pl.kernel,
        out_type=jax.ShapeDtypeStruct((NCORE, 2, NACC), jnp.float32),
        mesh=_mesh,
        compiler_params=_sc_params,
        scratch_types=[
            pltpu.VMEM((CPT * CHUNK,), jnp.int32),
            pltpu.VMEM((CPT * CHUNK,), jnp.int32),
            pltpu.VMEM((NACC,), jnp.float32),
            pltpu.VMEM((NACC,), jnp.float32),
            pltpu.VMEM((RPT,), jnp.float32),
            pltpu.VMEM_SHARED((NSUB, NACC), jnp.float32),
            pltpu.VMEM_SHARED((NSUB, NACC), jnp.float32),
        ],
    )
    def deg_kernel(src_hbm, dst_hbm, out_hbm,
                   sidx, didx, shist, dhist, tmp, ssh, dsh):
        c = lax.axis_index("c")
        s = lax.axis_index("s")
        t = c * NSUB + s
        zeros16 = jnp.zeros((16,), jnp.float32)
        ones16 = jnp.ones((16,), jnp.float32)

        @pl.loop(0, NACC, step=16)
        def _(i):
            shist[pl.ds(i, 16)] = zeros16
            dhist[pl.ds(i, 16)] = zeros16

        base = t * CPT * CHUNK
        pltpu.sync_copy(src_hbm.at[pl.ds(base, CPT * CHUNK)], sidx)
        pltpu.sync_copy(dst_hbm.at[pl.ds(base, CPT * CHUNK)], didx)

        @pl.loop(0, CPT * CHUNK, step=16)
        def _(j):
            plsc.addupdate_scatter(shist, [sidx[pl.ds(j, 16)]], ones16)
            plsc.addupdate_scatter(dhist, [didx[pl.ds(j, 16)]], ones16)

        pltpu.sync_copy(shist, ssh.at[s])
        pltpu.sync_copy(dhist, dsh.at[s])
        plsc.subcore_barrier()

        for sh, kind, acc in ((ssh, 0, shist), (dsh, 1, dhist)):
            @pl.loop(0, NSUB)
            def _(slot):
                pltpu.sync_copy(sh.at[slot, pl.ds(s * RPT, RPT)], tmp)

                @pl.loop(0, RPT, step=16)
                def _(i):
                    @pl.when(slot == 0)
                    def _():
                        acc[pl.ds(i, 16)] = tmp[pl.ds(i, 16)]

                    @pl.when(slot != 0)
                    def _():
                        acc[pl.ds(i, 16)] = acc[pl.ds(i, 16)] + tmp[pl.ds(i, 16)]

            pltpu.sync_copy(acc.at[pl.ds(0, RPT)],
                            out_hbm.at[c, kind, pl.ds(s * RPT, RPT)])

    return deg_kernel(src_p, dst_p)


def _sc_gather_scatter(feat, src_p, dst_p, zrows, f):

    @functools.partial(
        pl.kernel,
        out_type=jax.ShapeDtypeStruct((NCORE, NACC, f), jnp.float32),
        mesh=_mesh,
        scratch_types=[
            pltpu.VMEM((SLAB, CHUNK), jnp.int32),
            pltpu.VMEM((SLAB, CHUNK), jnp.int32),
            pltpu.VMEM((CHUNK, f), jnp.float32),
            pltpu.VMEM((CHUNK, f), jnp.float32),
            pltpu.VMEM_SHARED((NACC, f), jnp.float32),
            pltpu.SemaphoreType.DMA,
        ],
    )
    def edge_kernel(feat_hbm, src_hbm, dst_hbm, z_hbm, out_hbm,
                    sidx, didx, rows0, rows1, acc, sem):
        c = lax.axis_index("c")
        s = lax.axis_index("s")
        t = c * NSUB + s

        pltpu.sync_copy(z_hbm, acc.at[pl.ds(s * RPT, RPT)])
        plsc.subcore_barrier()

        @pl.loop(0, CPT // SLAB)
        def _(sl):
            pltpu.sync_copy(src_hbm.at[pl.ds(t * CPT + sl * SLAB, SLAB)], sidx)
            pltpu.sync_copy(dst_hbm.at[pl.ds(t * CPT + sl * SLAB, SLAB)], didx)
            pltpu.async_copy(feat_hbm.at[sidx.at[0]], rows0, sem)

            @pl.loop(0, SLAB, step=2)
            def _(j):
                pltpu.make_async_copy(feat_hbm.at[sidx.at[j]], rows0, sem).wait()
                pltpu.async_copy(feat_hbm.at[sidx.at[j + 1]], rows1, sem)
                pltpu.sync_copy(rows0, acc.at[didx.at[j]], add=True)
                pltpu.make_async_copy(feat_hbm.at[sidx.at[j]], rows1, sem).wait()

                @pl.when(j + 2 < SLAB)
                def _():
                    pltpu.async_copy(feat_hbm.at[sidx.at[j + 2]], rows0, sem)

                pltpu.sync_copy(rows1, acc.at[didx.at[j + 1]], add=True)

        plsc.subcore_barrier()
        pltpu.sync_copy(acc.at[pl.ds(s * RPT, RPT)],
                        out_hbm.at[c, pl.ds(s * RPT, RPT)])

    return edge_kernel(feat, src_p, dst_p, zrows)


_R = 1024


def _tc_norms_scale(x_pad, degs):

    def body(deg_ref, x_ref, feat_ref, ns_ref, nd_ref):
        d = deg_ref[...]
        p = d[0] + d[1]
        od = jnp.maximum(p[0], 1.0)
        idg = jnp.maximum(p[1], 1.0)
        ns = lax.rsqrt(od)
        nd = lax.rsqrt(idg)
        ns_ref[...] = ns
        nd_ref[...] = nd
        feat_ref[...] = x_ref[...] * ns

    return pl.pallas_call(
        body,
        grid=(NACC // _R,),
        in_specs=[
            pl.BlockSpec((NCORE, 2, _R, 1), lambda i: (0, 0, i, 0)),
            pl.BlockSpec((_R, F_IN), lambda i: (i, 0)),
        ],
        out_specs=[
            pl.BlockSpec((_R, F_IN), lambda i: (i, 0)),
            pl.BlockSpec((_R, 1), lambda i: (i, 0)),
            pl.BlockSpec((_R, 1), lambda i: (i, 0)),
        ],
        out_shape=[
            jax.ShapeDtypeStruct((NACC, F_IN), jnp.float32),
            jax.ShapeDtypeStruct((NACC, 1), jnp.float32),
            jax.ShapeDtypeStruct((NACC, 1), jnp.float32),
        ],
    )(degs, x_pad)


def _tc_layer1(agg_p, ns, nd, W1, b1, W2):

    def body(agg_ref, ns_ref, nd_ref, w1_ref, b1_ref, w2_ref, out_ref):
        a = (agg_ref[0] + agg_ref[1]) * nd_ref[...]
        h = jnp.dot(a, w1_ref[...], preferred_element_type=jnp.float32)
        h = jnp.maximum(h + b1_ref[...], 0.0)
        h = h * ns_ref[...]
        out_ref[...] = jnp.dot(h, w2_ref[...], preferred_element_type=jnp.float32)

    return pl.pallas_call(
        body,
        grid=(NACC // _R,),
        in_specs=[
            pl.BlockSpec((NCORE, _R, HID), lambda i: (0, i, 0)),
            pl.BlockSpec((_R, 1), lambda i: (i, 0)),
            pl.BlockSpec((_R, 1), lambda i: (i, 0)),
            pl.BlockSpec((HID, HID), lambda i: (0, 0)),
            pl.BlockSpec((1, HID), lambda i: (0, 0)),
            pl.BlockSpec((HID, HID), lambda i: (0, 0)),
        ],
        out_specs=pl.BlockSpec((_R, HID), lambda i: (i, 0)),
        out_shape=jax.ShapeDtypeStruct((NACC, HID), jnp.float32),
    )(agg_p, ns, nd, W1, b1, W2)


def _tc_layer2(agg_p, nd, b2, Wfc, bfc):

    def body(agg_ref, nd_ref, b2_ref, wfc_ref, bfc_ref, out_ref):
        h = (agg_ref[0] + agg_ref[1]) * nd_ref[...] + b2_ref[...]
        out_ref[...] = (
            jnp.dot(h, wfc_ref[...], preferred_element_type=jnp.float32)
            + bfc_ref[...]
        )

    return pl.pallas_call(
        body,
        grid=(NACC // _R,),
        in_specs=[
            pl.BlockSpec((NCORE, _R, HID), lambda i: (0, i, 0)),
            pl.BlockSpec((_R, 1), lambda i: (i, 0)),
            pl.BlockSpec((1, HID), lambda i: (0, 0)),
            pl.BlockSpec((HID, NCLS), lambda i: (0, 0)),
            pl.BlockSpec((1, NCLS), lambda i: (0, 0)),
        ],
        out_specs=pl.BlockSpec((_R, NCLS), lambda i: (i, 0)),
        out_shape=jax.ShapeDtypeStruct((NACC, NCLS), jnp.float32),
    )(agg_p, nd, b2, Wfc, bfc)


def kernel(x, edge_index, W1, b1, W2, b2, Wfc, bfc):
    src = edge_index[0].astype(jnp.int32)
    dst = edge_index[1].astype(jnp.int32)
    pad = TRASH + (jnp.arange(EPAD - E, dtype=jnp.int32) % (NACC - N))
    src_p = jnp.concatenate([src, pad])
    dst_p = jnp.concatenate([dst, pad])

    x_pad = jnp.pad(x, ((0, NACC - N), (0, 0)))

    z128 = jnp.zeros((RPT, F_IN), jnp.float32)

    W2p = jnp.pad(W2, ((0, 0), (0, HID - NCLS)))
    b2p = jnp.pad(b2, (0, HID - NCLS)).reshape(1, HID)
    Wfcp = jnp.pad(Wfc, ((0, HID - NCLS), (0, 0)))

    src2d = src_p.reshape(NTILE * CPT, CHUNK)
    dst2d = dst_p.reshape(NTILE * CPT, CHUNK)

    degs = _sc_degrees(src_p, dst_p).reshape(NCORE, 2, NACC, 1)
    feat1, ns, nd = _tc_norms_scale(x_pad, degs)
    agg1 = _sc_gather_scatter(feat1, src2d, dst2d, z128, F_IN)
    feat2 = _tc_layer1(agg1, ns, nd, W1, b1.reshape(1, HID), W2p)
    agg2 = _sc_gather_scatter(feat2, src2d, dst2d, z128, HID)
    out = _tc_layer2(agg2, nd, b2p, Wfcp, bfc.reshape(1, NCLS))
    return out[:N]

# --- scband reference (transcript-rebuilt; emitter-appended) ---
"""Pipeline reference for scband-gcn-46875273068890 (READ-ONLY COPY).

The authoritative reference and input builder live on the scoring server;
editing this copy changes nothing except your own understanding.
"""

import jax, jax.numpy as jnp
import numpy as np

N_NODES = 10000
N_EDGES = 320000
IN_FEATS = 128
HIDDEN = 128
NUM_CLASSES = 64


def _xavier(key, shape):
    fan_in, fan_out = shape[0], shape[1]
    limit = jnp.sqrt(6.0 / (fan_in + fan_out))
    return jax.random.uniform(key, shape, minval=-limit, maxval=limit, dtype=jnp.float32)


def setup_inputs(seed: int = 0) -> dict:
    key = jax.random.key(seed)
    ks = jax.random.split(key, 10)
    x = jax.random.normal(ks[0], (N_NODES, IN_FEATS), dtype=jnp.float32)
    edge_index = jax.random.randint(ks[1], (2, N_EDGES), 0, N_NODES, dtype=jnp.int64)
    W1 = _xavier(ks[2], (IN_FEATS, HIDDEN))
    b1 = jnp.zeros((HIDDEN,), dtype=jnp.float32)
    W2 = _xavier(ks[3], (HIDDEN, NUM_CLASSES))
    b2 = jnp.zeros((NUM_CLASSES,), dtype=jnp.float32)
    Wfc = _xavier(ks[4], (NUM_CLASSES, NUM_CLASSES))
    bfc = jax.random.uniform(ks[5], (NUM_CLASSES,), minval=-1.0 / jnp.sqrt(NUM_CLASSES), maxval=1.0 / jnp.sqrt(NUM_CLASSES), dtype=jnp.float32)
    return {"x": x, "edge_index": edge_index, "W1": W1, "b1": b1, "W2": W2, "b2": b2, "Wfc": Wfc, "bfc": bfc}


def _graph_conv(x, src, dst, W, b, n_nodes):
    # DGL GraphConv with norm='both', weight=True, bias=True, allow_zero_in_degree=True
    ones = jnp.ones((src.shape[0],), dtype=jnp.float32)
    out_deg = jnp.clip(jax.ops.segment_sum(ones, src, num_segments=n_nodes), 1.0)
    in_deg = jnp.clip(jax.ops.segment_sum(ones, dst, num_segments=n_nodes), 1.0)
    norm_src = jax.lax.rsqrt(out_deg)[:, None]
    norm_dst = jax.lax.rsqrt(in_deg)[:, None]
    feat = x * norm_src
    # mult W first if in > out (DGL optimization); math identical, keep faithful order
    if feat.shape[1] > W.shape[1]:
        feat = feat @ W
        agg = jax.ops.segment_sum(feat[src], dst, num_segments=n_nodes)
        h = agg * norm_dst
    else:
        agg = jax.ops.segment_sum(feat[src], dst, num_segments=n_nodes)
        h = (agg * norm_dst) @ W
    return h + b


def reference(x, edge_index, W1, b1, W2, b2, Wfc, bfc):
    src = edge_index[0]
    dst = edge_index[1]
    n = x.shape[0]
    h = _graph_conv(x, src, dst, W1, b1, n)
    h = jax.nn.relu(h)
    h = _graph_conv(h, src, dst, W2, b2, n)
    h = h @ Wfc + bfc
    return h

if __name__ == "__main__":
    import jax
    _d = setup_inputs()
    print(jax.jit(kernel)(*tuple(_d.values())))

</pallas_src>

<mosaic_0001>
#map = affine_map<(d0, d1) -> (0, 0)>
#map1 = affine_map<(d0, d1) -> (0, 0, 0)>
module attributes {stable_mosaic.version = 14 : i64} {
  func.func @edge_kernel(%arg0: i32, %arg1: i32, %arg2: memref<10240x128xf32, #tpu.memory_space<hbm>>, %arg3: memref<2560x128xi32, #tpu.memory_space<hbm>>, %arg4: memref<2560x128xi32, #tpu.memory_space<hbm>>, %arg5: memref<640x128xf32, #tpu.memory_space<hbm>>, %arg6: memref<2x10240x128xf32, #tpu.memory_space<hbm>>, %arg7: memref<16x128xi32, #tpu.memory_space<vmem>>, %arg8: memref<16x128xi32, #tpu.memory_space<vmem>>, %arg9: memref<128x128xf32, #tpu.memory_space<vmem>>, %arg10: memref<128x128xf32, #tpu.memory_space<vmem>>, %arg11: memref<10240x128xf32, #tpu.memory_space<vmem_shared>>, %arg12: memref<!tpu.dma_semaphore, #tpu.memory_space<semaphore_mem>>) attributes {dimension_semantics = [#tpu.dimension_semantics<core_parallel>, #tpu.dimension_semantics<subcore_parallel>], iteration_bounds = array<i64: 2, 16>, scalar_prefetch = 0 : i64, scratch_operands = 6 : i64, tpu.core_type = #tpu.core_type<sc_vector_subcore>, window_params = [{transform_indices = #map}, {transform_indices = #map}, {transform_indices = #map}, {transform_indices = #map}, {transform_indices = #map1}]} {
    %mul3A = arith.constant 16 : i32
    %mul3A_0 = arith.muli %arg0, %mul3A : i32
    %add3A = arith.addi %mul3A_0, %arg1 : i32
    %mul3A_1 = arith.constant 640 : i32
    %mul3A_2 = arith.muli %arg1, %mul3A_1 : i32
    "tpu.region"() ({
      %run_scoped3A = tpu.sem_alloc : memref<!tpu.dma_semaphore, #tpu.memory_space<semaphore_mem>>
      %dma_start3A = arith.constant 0 : i32
      %dma_start3A_12 = tpu.memref_slice %arg11[%mul3A_2, %dma_start3A] : memref<10240x128xf32, #tpu.memory_space<vmem_shared>> -> memref<640x128xf32, #tpu.memory_space<vmem_shared>>
      tpu.enqueue_dma source(%arg5 : memref<640x128xf32, #tpu.memory_space<hbm>>) target(%dma_start3A_12 : memref<640x128xf32, #tpu.memory_space<vmem_shared>>) target_semaphore(%run_scoped3A : memref<!tpu.dma_semaphore, #tpu.memory_space<semaphore_mem>>)
      %dma_wait3A = arith.constant 0 : i32
      %dma_wait3A_13 = tpu.memref_slice %arg11[%mul3A_2, %dma_wait3A] : memref<10240x128xf32, #tpu.memory_space<vmem_shared>> -> memref<640x128xf32, #tpu.memory_space<vmem_shared>>
      tpu.wait_dma2 semaphore(%run_scoped3A : memref<!tpu.dma_semaphore, #tpu.memory_space<semaphore_mem>>) src(%arg5 : memref<640x128xf32, #tpu.memory_space<hbm>>) dst(%dma_wait3A_13 : memref<640x128xf32, #tpu.memory_space<vmem_shared>>)
      tpu.yield
    }) : () -> ()
    %barrier3A = arith.constant 0 : index
    tpu.barrier barrier_id(%barrier3A)
    %scan3A = arith.constant 0 : i32
    %scan3A_3 = arith.constant 5 : i32
    %scan3A_4 = arith.addi %scan3A, %scan3A_3 : i32
    %scan3A_5 = arith.constant 1 : i32
    scf.for %scan3A_12 = %scan3A to %scan3A_4 step %scan3A_5  : i32 {
      %mul3A_13 = arith.constant 1 : i32
      %mul3A_14 = arith.muli %scan3A_12, %mul3A_13 : i32
      %add3A_15 = arith.constant 0 : i32
      %add3A_16 = arith.addi %add3A_15, %mul3A_14 : i32
      %mul3A_17 = arith.constant 80 : i32
      %mul3A_18 = arith.muli %add3A, %mul3A_17 : i32
      %mul3A_19 = arith.constant 16 : i32
      %mul3A_20 = arith.muli %add3A_16, %mul3A_19 : i32
      %add3A_21 = arith.addi %mul3A_18, %mul3A_20 : i32
      "tpu.region"() ({
        %run_scoped3A = tpu.sem_alloc : memref<!tpu.dma_semaphore, #tpu.memory_space<semaphore_mem>>
        %dma_start3A_38 = arith.constant 0 : i32
        %dma_start3A_39 = tpu.memref_slice %arg3[%add3A_21, %dma_start3A_38] : memref<2560x128xi32, #tpu.memory_space<hbm>> -> memref<16x128xi32, #tpu.memory_space<hbm>>
        %dma_start3A_40 = arith.constant 0 : i32
        %dma_start3A_41 = tpu.memref_slice %arg3[%add3A_21, %dma_start3A_40] : memref<2560x128xi32, #tpu.memory_space<hbm>> -> memref<16x128xi32, #tpu.memory_space<hbm>>
        tpu.enqueue_dma source(%dma_start3A_41 : memref<16x128xi32, #tpu.memory_space<hbm>>) target(%arg7 : memref<16x128xi32, #tpu.memory_space<vmem>>) target_semaphore(%run_scoped3A : memref<!tpu.dma_semaphore, #tpu.memory_space<semaphore_mem>>)
        %dma_wait3A = arith.constant 0 : i32
        %dma_wait3A_42 = tpu.memref_slice %arg3[%add3A_21, %dma_wait3A] : memref<2560x128xi32, #tpu.memory_space<hbm>> -> memref<16x128xi32, #tpu.memory_space<hbm>>
        %dma_wait3A_43 = arith.constant 0 : i32
        %dma_wait3A_44 = tpu.memref_slice %arg3[%add3A_21, %dma_wait3A_43] : memref<2560x128xi32, #tpu.memory_space<hbm>> -> memref<16x128xi32, #tpu.memory_space<hbm>>
        tpu.wait_dma2 semaphore(%run_scoped3A : memref<!tpu.dma_semaphore, #tpu.memory_space<semaphore_mem>>) src(%dma_wait3A_44 : memref<16x128xi32, #tpu.memory_space<hbm>>) dst(%arg7 : memref<16x128xi32, #tpu.memory_space<vmem>>)
        tpu.yield
      }) : () -> ()
      %mul3A_22 = arith.constant 80 : i32
      %mul3A_23 = arith.muli %add3A, %mul3A_22 : i32
      %mul3A_24 = arith.constant 16 : i32
      %mul3A_25 = arith.muli %add3A_16, %mul3A_24 : i32
      %add3A_26 = arith.addi %mul3A_23, %mul3A_25 : i32
      "tpu.region"() ({
        %run_scoped3A = tpu.sem_alloc : memref<!tpu.dma_semaphore, #tpu.memory_space<semaphore_mem>>
        %dma_start3A_38 = arith.constant 0 : i32
        %dma_start3A_39 = tpu.memref_slice %arg4[%add3A_26, %dma_start3A_38] : memref<2560x128xi32, #tpu.memory_space<hbm>> -> memref<16x128xi32, #tpu.memory_space<hbm>>
        %dma_start3A_40 = arith.constant 0 : i32
        %dma_start3A_41 = tpu.memref_slice %arg4[%add3A_26, %dma_start3A_40] : memref<2560x128xi32, #tpu.memory_space<hbm>> -> memref<16x128xi32, #tpu.memory_space<hbm>>
        tpu.enqueue_dma source(%dma_start3A_41 : memref<16x128xi32, #tpu.memory_space<hbm>>) target(%arg8 : memref<16x128xi32, #tpu.memory_space<vmem>>) target_semaphore(%run_scoped3A : memref<!tpu.dma_semaphore, #tpu.memory_space<semaphore_mem>>)
        %dma_wait3A = arith.constant 0 : i32
        %dma_wait3A_42 = tpu.memref_slice %arg4[%add3A_26, %dma_wait3A] : memref<2560x128xi32, #tpu.memory_space<hbm>> -> memref<16x128xi32, #tpu.memory_space<hbm>>
        %dma_wait3A_43 = arith.constant 0 : i32
        %dma_wait3A_44 = tpu.memref_slice %arg4[%add3A_26, %dma_wait3A_43] : memref<2560x128xi32, #tpu.memory_space<hbm>> -> memref<16x128xi32, #tpu.memory_space<hbm>>
        tpu.wait_dma2 semaphore(%run_scoped3A : memref<!tpu.dma_semaphore, #tpu.memory_space<semaphore_mem>>) src(%dma_wait3A_44 : memref<16x128xi32, #tpu.memory_space<hbm>>) dst(%arg8 : memref<16x128xi32, #tpu.memory_space<vmem>>)
        tpu.yield
      }) : () -> ()
      %dma_start3A = arith.constant 0 : i32
      %dma_start3A_27 = arith.constant 0 : i32
      %dma_start3A_28 = tpu.memref_slice %arg7[%dma_start3A, %dma_start3A_27] : memref<16x128xi32, #tpu.memory_space<vmem>> -> memref<1x128xi32, #tpu.memory_space<vmem>>
      %dma_start3A_29 = tpu.memref_squeeze %dma_start3A_28 : memref<1x128xi32, #tpu.memory_space<vmem>> -> memref<128xi32, #tpu.memory_space<vmem>>
      %dma_start3A_30 = arith.constant 0 : i32
      %dma_start3A_31 = arith.constant 0 : i32
      %dma_start3A_32 = tpu.memref_slice %arg2[%dma_start3A_30, %dma_start3A_31] : memref<10240x128xf32, #tpu.memory_space<hbm>> -> memref<10240x128xf32, #tpu.memory_space<hbm>>
      tpu.enqueue_indirect_dma source(%dma_start3A_32 : memref<10240x128xf32, #tpu.memory_space<hbm>>) target(%arg9 : memref<128x128xf32, #tpu.memory_space<vmem>>) offsets(%dma_start3A_29 : memref<128xi32, #tpu.memory_space<vmem>>) semaphore(%arg12 : memref<!tpu.dma_semaphore, #tpu.memory_space<semaphore_mem>>)
      %scan3A_33 = arith.constant 0 : i32
      %scan3A_34 = arith.constant 8 : i32
      %scan3A_35 = arith.addi %scan3A_33, %scan3A_34 : i32
      %scan3A_36 = arith.constant 1 : i32
      scf.for %scan3A_38 = %scan3A_33 to %scan3A_35 step %scan3A_36  : i32 {
        %mul3A_39 = arith.constant 2 : i32
        %mul3A_40 = arith.muli %scan3A_38, %mul3A_39 : i32
        %add3A_41 = arith.constant 0 : i32
        %add3A_42 = arith.addi %add3A_41, %mul3A_40 : i32
        %dma_wait3A = arith.constant 0 : i32
        %dma_wait3A_43 = tpu.memref_slice %arg7[%add3A_42, %dma_wait3A] : memref<16x128xi32, #tpu.memory_space<vmem>> -> memref<1x128xi32, #tpu.memory_space<vmem>>
        %dma_wait3A_44 = tpu.memref_squeeze %dma_wait3A_43 : memref<1x128xi32, #tpu.memory_space<vmem>> -> memref<128xi32, #tpu.memory_space<vmem>>
        %dma_wait3A_45 = arith.constant 0 : i32
        %dma_wait3A_46 = arith.constant 0 : i32
        %dma_wait3A_47 = tpu.memref_slice %arg2[%dma_wait3A_45, %dma_wait3A_46] : memref<10240x128xf32, #tpu.memory_space<hbm>> -> memref<10240x128xf32, #tpu.memory_space<hbm>>
        tpu.wait_indirect_dma semaphore(%arg12 : memref<!tpu.dma_semaphore, #tpu.memory_space<semaphore_mem>>) src(%dma_wait3A_47 : memref<10240x128xf32, #tpu.memory_space<hbm>>) dst(%arg9 : memref<128x128xf32, #tpu.memory_space<vmem>>)
        %add3A_48 = arith.constant 1 : i32
        %add3A_49 = arith.addi %add3A_42, %add3A_48 : i32
        %dma_start3A_50 = arith.constant 0 : i32
        %dma_start3A_51 = tpu.memref_slice %arg7[%add3A_49, %dma_start3A_50] : memref<16x128xi32, #tpu.memory_space<vmem>> -> memref<1x128xi32, #tpu.memory_space<vmem>>
        %dma_start3A_52 = tpu.memref_squeeze %dma_start3A_51 : memref<1x128xi32, #tpu.memory_space<vmem>> -> memref<128xi32, #tpu.memory_space<vmem>>
        %dma_start3A_53 = arith.constant 0 : i32
        %dma_start3A_54 = arith.constant 0 : i32
        %dma_start3A_55 = tpu.memref_slice %arg2[%dma_start3A_53, %dma_start3A_54] : memref<10240x128xf32, #tpu.memory_space<hbm>> -> memref<10240x128xf32, #tpu.memory_space<hbm>>
        tpu.enqueue_indirect_dma source(%dma_start3A_55 : memref<10240x128xf32, #tpu.memory_space<hbm>>) target(%arg10 : memref<128x128xf32, #tpu.memory_space<vmem>>) offsets(%dma_start3A_52 : memref<128xi32, #tpu.memory_space<vmem>>) semaphore(%arg12 : memref<!tpu.dma_semaphore, #tpu.memory_space<semaphore_mem>>)
        "tpu.region"() ({
          %run_scoped3A = tpu.sem_alloc : memref<!tpu.dma_semaphore, #tpu.memory_space<semaphore_mem>>
          %dma_start3A_68 = arith.constant 0 : i32
          %dma_start3A_69 = tpu.memref_slice %arg8[%add3A_42, %dma_start3A_68] : memref<16x128xi32, #tpu.memory_space<vmem>> -> memref<1x128xi32, #tpu.memory_space<vmem>>
          %dma_start3A_70 = tpu.memref_squeeze %dma_start3A_69 : memref<1x128xi32, #tpu.memory_space<vmem>> -> memref<128xi32, #tpu.memory_space<vmem>>
          %dma_start3A_71 = arith.constant 0 : i32
          %dma_start3A_72 = arith.constant 0 : i32
          %dma_start3A_73 = tpu.memref_slice %arg11[%dma_start3A_71, %dma_start3A_72] : memref<10240x128xf32, #tpu.memory_space<vmem_shared>> -> memref<10240x128xf32, #tpu.memory_space<vmem_shared>>
          tpu.enqueue_indirect_dma source(%arg9 : memref<128x128xf32, #tpu.memory_space<vmem>>) target(%dma_start3A_73 : memref<10240x128xf32, #tpu.memory_space<vmem_shared>>) offsets(%dma_start3A_70 : memref<128xi32, #tpu.memory_space<vmem>>) semaphore(%run_scoped3A : memref<!tpu.dma_semaphore, #tpu.memory_space<semaphore_mem>>) {add = true}
          %dma_wait3A_74 = arith.constant 0 : i32
          %dma_wait3A_75 = tpu.memref_slice %arg8[%add3A_42, %dma_wait3A_74] : memref<16x128xi32, #tpu.memory_space<vmem>> -> memref<1x128xi32, #tpu.memory_space<vmem>>
          %dma_wait3A_76 = tpu.memref_squeeze %dma_wait3A_75 : memref<1x128xi32, #tpu.memory_space<vmem>> -> memref<128xi32, #tpu.memory_space<vmem>>
          %dma_wait3A_77 = arith.constant 0 : i32
          %dma_wait3A_78 = arith.constant 0 : i32
          %dma_wait3A_79 = tpu.memref_slice %arg11[%dma_wait3A_77, %dma_wait3A_78] : memref<10240x128xf32, #tpu.memory_space<vmem_shared>> -> memref<10240x128xf32, #tpu.memory_space<vmem_shared>>
          tpu.wait_indirect_dma semaphore(%run_scoped3A : memref<!tpu.dma_semaphore, #tpu.memory_space<semaphore_mem>>) src(%arg9 : memref<128x128xf32, #tpu.memory_space<vmem>>) dst(%dma_wait3A_79 : memref<10240x128xf32, #tpu.memory_space<vmem_shared>>)
          tpu.yield
        }) : () -> ()
        %dma_wait3A_56 = arith.constant 0 : i32
        %dma_wait3A_57 = tpu.memref_slice %arg7[%add3A_42, %dma_wait3A_56] : memref<16x128xi32, #tpu.memory_space<vmem>> -> memref<1x128xi32, #tpu.memory_space<vmem>>
        %dma_wait3A_58 = tpu.memref_squeeze %dma_wait3A_57 : memref<1x128xi32, #tpu.memory_space<vmem>> -> memref<128xi32, #tpu.memory_space<vmem>>
        %dma_wait3A_59 = arith.constant 0 : i32
        %dma_wait3A_60 = arith.constant 0 : i32
        %dma_wait3A_61 = tpu.memref_slice %arg2[%dma_wait3A_59, %dma_wait3A_60] : memref<10240x128xf32, #tpu.memory_space<hbm>> -> memref<10240x128xf32, #tpu.memory_space<hbm>>
        tpu.wait_indirect_dma semaphore(%arg12 : memref<!tpu.dma_semaphore, #tpu.memory_space<semaphore_mem>>) src(%dma_wait3A_61 : memref<10240x128xf32, #tpu.memory_space<hbm>>) dst(%arg10 : memref<128x128xf32, #tpu.memory_space<vmem>>)
        %add3A_62 = arith.constant 2 : i32
        %add3A_63 = arith.addi %add3A_42, %add3A_62 : i32
        %lt3A = arith.constant 16 : i32
        %lt3A_64 = arith.cmpi slt, %add3A_63, %lt3A : i32
        %convert_element_type3A = arith.extui %lt3A_64 : i1 to i32
        %cond3A = arith.constant 0 : i32
        %cond3A_65 = arith.cmpi ne, %convert_element_type3A, %cond3A : i32
        scf.if %cond3A_65 {
          %add3A_68 = arith.constant 2 : i32
          %add3A_69 = arith.addi %add3A_42, %add3A_68 : i32
          %dma_start3A_70 = arith.constant 0 : i32
          %dma_start3A_71 = tpu.memref_slice %arg7[%add3A_69, %dma_start3A_70] : memref<16x128xi32, #tpu.memory_space<vmem>> -> memref<1x128xi32, #tpu.memory_space<vmem>>
          %dma_start3A_72 = tpu.memref_squeeze %dma_start3A_71 : memref<1x128xi32, #tpu.memory_space<vmem>> -> memref<128xi32, #tpu.memory_space<vmem>>
          %dma_start3A_73 = arith.constant 0 : i32
          %dma_start3A_74 = arith.constant 0 : i32
          %dma_start3A_75 = tpu.memref_slice %arg2[%dma_start3A_73, %dma_start3A_74] : memref<10240x128xf32, #tpu.memory_space<hbm>> -> memref<10240x128xf32, #tpu.memory_space<hbm>>
          tpu.enqueue_indirect_dma source(%dma_start3A_75 : memref<10240x128xf32, #tpu.memory_space<hbm>>) target(%arg9 : memref<128x128xf32, #tpu.memory_space<vmem>>) offsets(%dma_start3A_72 : memref<128xi32, #tpu.memory_space<vmem>>) semaphore(%arg12 : memref<!tpu.dma_semaphore, #tpu.memory_space<semaphore_mem>>)
        } else {
        }
        %add3A_66 = arith.constant 1 : i32
        %add3A_67 = arith.addi %add3A_42, %add3A_66 : i32
        "tpu.region"() ({
          %run_scoped3A = tpu.sem_alloc : memref<!tpu.dma_semaphore, #tpu.memory_space<semaphore_mem>>
          %dma_start3A_68 = arith.constant 0 : i32
          %dma_start3A_69 = tpu.memref_slice %arg8[%add3A_67, %dma_start3A_68] : memref<16x128xi32, #tpu.memory_space<vmem>> -> memref<1x128xi32, #tpu.memory_space<vmem>>
          %dma_start3A_70 = tpu.memref_squeeze %dma_start3A_69 : memref<1x128xi32, #tpu.memory_space<vmem>> -> memref<128xi32, #tpu.memory_space<vmem>>
          %dma_start3A_71 = arith.constant 0 : i32
          %dma_start3A_72 = arith.constant 0 : i32
          %dma_start3A_73 = tpu.memref_slice %arg11[%dma_start3A_71, %dma_start3A_72] : memref<10240x128xf32, #tpu.memory_space<vmem_shared>> -> memref<10240x128xf32, #tpu.memory_space<vmem_shared>>
          tpu.enqueue_indirect_dma source(%arg10 : memref<128x128xf32, #tpu.memory_space<vmem>>) target(%dma_start3A_73 : memref<10240x128xf32, #tpu.memory_space<vmem_shared>>) offsets(%dma_start3A_70 : memref<128xi32, #tpu.memory_space<vmem>>) semaphore(%run_scoped3A : memref<!tpu.dma_semaphore, #tpu.memory_space<semaphore_mem>>) {add = true}
          %dma_wait3A_74 = arith.constant 0 : i32
          %dma_wait3A_75 = tpu.memref_slice %arg8[%add3A_67, %dma_wait3A_74] : memref<16x128xi32, #tpu.memory_space<vmem>> -> memref<1x128xi32, #tpu.memory_space<vmem>>
          %dma_wait3A_76 = tpu.memref_squeeze %dma_wait3A_75 : memref<1x128xi32, #tpu.memory_space<vmem>> -> memref<128xi32, #tpu.memory_space<vmem>>
          %dma_wait3A_77 = arith.constant 0 : i32
          %dma_wait3A_78 = arith.constant 0 : i32
          %dma_wait3A_79 = tpu.memref_slice %arg11[%dma_wait3A_77, %dma_wait3A_78] : memref<10240x128xf32, #tpu.memory_space<vmem_shared>> -> memref<10240x128xf32, #tpu.memory_space<vmem_shared>>
          tpu.wait_indirect_dma semaphore(%run_scoped3A : memref<!tpu.dma_semaphore, #tpu.memory_space<semaphore_mem>>) src(%arg10 : memref<128x128xf32, #tpu.memory_space<vmem>>) dst(%dma_wait3A_79 : memref<10240x128xf32, #tpu.memory_space<vmem_shared>>)
          tpu.yield
        }) : () -> ()
      }
      %scan3A_37 = arith.constant 8 : i32
    }
    %scan3A_6 = arith.constant 5 : i32
    %barrier3A_7 = arith.constant 0 : index
    tpu.barrier barrier_id(%barrier3A_7)
    %mul3A_8 = arith.constant 640 : i32
    %mul3A_9 = arith.muli %arg1, %mul3A_8 : i32
    %mul3A_10 = arith.constant 640 : i32
    %mul3A_11 = arith.muli %arg1, %mul3A_10 : i32
    "tpu.region"() ({
      %run_scoped3A = tpu.sem_alloc : memref<!tpu.dma_semaphore, #tpu.memory_space<semaphore_mem>>
      %dma_start3A = arith.constant 0 : i32
      %dma_start3A_12 = tpu.memref_slice %arg6[%arg0, %mul3A_11, %dma_start3A] : memref<2x10240x128xf32, #tpu.memory_space<hbm>> -> memref<1x640x128xf32, #tpu.memory_space<hbm>>
      %dma_start3A_13 = tpu.memref_squeeze %dma_start3A_12 : memref<1x640x128xf32, #tpu.memory_space<hbm>> -> memref<640x128xf32, #tpu.memory_space<hbm>>
      %dma_start3A_14 = arith.constant 0 : i32
      %dma_start3A_15 = tpu.memref_slice %arg11[%mul3A_9, %dma_start3A_14] : memref<10240x128xf32, #tpu.memory_space<vmem_shared>> -> memref<640x128xf32, #tpu.memory_space<vmem_shared>>
      tpu.enqueue_dma source(%dma_start3A_15 : memref<640x128xf32, #tpu.memory_space<vmem_shared>>) target(%dma_start3A_13 : memref<640x128xf32, #tpu.memory_space<hbm>>) target_semaphore(%run_scoped3A : memref<!tpu.dma_semaphore, #tpu.memory_space<semaphore_mem>>)
      %dma_wait3A = arith.constant 0 : i32
      %dma_wait3A_16 = tpu.memref_slice %arg6[%arg0, %mul3A_11, %dma_wait3A] : memref<2x10240x128xf32, #tpu.memory_space<hbm>> -> memref<1x640x128xf32, #tpu.memory_space<hbm>>
      %dma_wait3A_17 = tpu.memref_squeeze %dma_wait3A_16 : memref<1x640x128xf32, #tpu.memory_space<hbm>> -> memref<640x128xf32, #tpu.memory_space<hbm>>
      %dma_wait3A_18 = arith.constant 0 : i32
      %dma_wait3A_19 = tpu.memref_slice %arg11[%mul3A_9, %dma_wait3A_18] : memref<10240x128xf32, #tpu.memory_space<vmem_shared>> -> memref<640x128xf32, #tpu.memory_space<vmem_shared>>
      tpu.wait_dma2 semaphore(%run_scoped3A : memref<!tpu.dma_semaphore, #tpu.memory_space<semaphore_mem>>) src(%dma_wait3A_19 : memref<640x128xf32, #tpu.memory_space<vmem_shared>>) dst(%dma_wait3A_17 : memref<640x128xf32, #tpu.memory_space<hbm>>)
      tpu.yield
    }) : () -> ()
    return
  }
}

#map = affine_map<(d0, d1) -> (0)>
#map1 = affine_map<(d0, d1) -> (0, 0, 0)>
module attributes {stable_mosaic.version = 14 : i64} {
  func.func @deg_kernel(%arg0: i32, %arg1: i32, %arg2: memref<327680xi32, #tpu.memory_space<hbm>>, %arg3: memref<327680xi32, #tpu.memory_space<hbm>>, %arg4: memref<2x2x10240xf32, #tpu.memory_space<hbm>>, %arg5: memref<10240xi32, #tpu.memory_space<vmem>>, %arg6: memref<10240xi32, #tpu.memory_space<vmem>>, %arg7: memref<10240xf32, #tpu.memory_space<vmem>>, %arg8: memref<10240xf32, #tpu.memory_space<vmem>>, %arg9: memref<640xf32, #tpu.memory_space<vmem>>, %arg10: memref<16x10240xf32, #tpu.memory_space<vmem_shared>>, %arg11: memref<16x10240xf32, #tpu.memory_space<vmem_shared>>) attributes {dimension_semantics = [#tpu.dimension_semantics<core_parallel>, #tpu.dimension_semantics<subcore_parallel>], iteration_bounds = array<i64: 2, 16>, scalar_prefetch = 0 : i64, scratch_operands = 7 : i64, tpu.core_type = #tpu.core_type<sc_vector_subcore>, window_params = [{transform_indices = #map}, {transform_indices = #map}, {transform_indices = #map1}]} {
    %mul3A = arith.constant 16 : i32
    %mul3A_0 = arith.muli %arg0, %mul3A : i32
    %add3A = arith.addi %mul3A_0, %arg1 : i32
    %broadcast_in_dim3A = arith.constant 0.000000e+00 : f32
    %broadcast_in_dim3A_1 = vector.broadcast %broadcast_in_dim3A : f32 to vector<16xf32>
    %broadcast_in_dim3A_2 = arith.constant 1.000000e+00 : f32
    %broadcast_in_dim3A_3 = vector.broadcast %broadcast_in_dim3A_2 : f32 to vector<16xf32>
    %scan3A = arith.constant 0 : i32
    %scan3A_4 = arith.constant 640 : i32
    %scan3A_5 = arith.addi %scan3A, %scan3A_4 : i32
    %scan3A_6 = arith.constant 1 : i32
    scf.for %scan3A_32 = %scan3A to %scan3A_5 step %scan3A_6  : i32 {
      %mul3A_33 = arith.constant 16 : i32
      %mul3A_34 = arith.muli %scan3A_32, %mul3A_33 : i32
      %add3A_35 = arith.constant 0 : i32
      %add3A_36 = arith.addi %add3A_35, %mul3A_34 : i32
      %swap3A = arith.index_cast %add3A_36 : i32 to index
      %swap3A_37 = tpu.vector_load %arg7[%swap3A] {strides = array<i32>} : memref<10240xf32, #tpu.memory_space<vmem>>, vector<16xf32>,
      tpu.vector_store %arg7[%swap3A], %broadcast_in_dim3A_1 {strides = array<i32>} : memref<10240xf32, #tpu.memory_space<vmem>>, vector<16xf32>,
      %swap3A_38 = arith.index_cast %add3A_36 : i32 to index
      %swap3A_39 = tpu.vector_load %arg8[%swap3A_38] {strides = array<i32>} : memref<10240xf32, #tpu.memory_space<vmem>>, vector<16xf32>,
      tpu.vector_store %arg8[%swap3A_38], %broadcast_in_dim3A_1 {strides = array<i32>} : memref<10240xf32, #tpu.memory_space<vmem>>, vector<16xf32>,
    }
    %scan3A_7 = arith.constant 640 : i32
    %mul3A_8 = arith.constant 80 : i32
    %mul3A_9 = arith.muli %add3A, %mul3A_8 : i32
    %mul3A_10 = arith.constant 128 : i32
    %mul3A_11 = arith.muli %mul3A_9, %mul3A_10 : i32
    "tpu.region"() ({
      %run_scoped3A_32 = tpu.sem_alloc : memref<!tpu.dma_semaphore, #tpu.memory_space<semaphore_mem>>
      %dma_start3A = tpu.memref_slice %arg2[%mul3A_11] : memref<327680xi32, #tpu.memory_space<hbm>> -> memref<10240xi32, #tpu.memory_space<hbm>>
      %dma_start3A_33 = tpu.memref_slice %arg2[%mul3A_11] : memref<327680xi32, #tpu.memory_space<hbm>> -> memref<10240xi32, #tpu.memory_space<hbm>>
      tpu.enqueue_dma source(%dma_start3A_33 : memref<10240xi32, #tpu.memory_space<hbm>>) target(%arg5 : memref<10240xi32, #tpu.memory_space<vmem>>) target_semaphore(%run_scoped3A_32 : memref<!tpu.dma_semaphore, #tpu.memory_space<semaphore_mem>>)
      %dma_wait3A = tpu.memref_slice %arg2[%mul3A_11] : memref<327680xi32, #tpu.memory_space<hbm>> -> memref<10240xi32, #tpu.memory_space<hbm>>
      %dma_wait3A_34 = tpu.memref_slice %arg2[%mul3A_11] : memref<327680xi32, #tpu.memory_space<hbm>> -> memref<10240xi32, #tpu.memory_space<hbm>>
      tpu.wait_dma2 semaphore(%run_scoped3A_32 : memref<!tpu.dma_semaphore, #tpu.memory_space<semaphore_mem>>) src(%dma_wait3A_34 : memref<10240xi32, #tpu.memory_space<hbm>>) dst(%arg5 : memref<10240xi32, #tpu.memory_space<vmem>>)
      tpu.yield
    }) : () -> ()
    "tpu.region"() ({
      %run_scoped3A_32 = tpu.sem_alloc : memref<!tpu.dma_semaphore, #tpu.memory_space<semaphore_mem>>
      %dma_start3A = tpu.memref_slice %arg3[%mul3A_11] : memref<327680xi32, #tpu.memory_space<hbm>> -> memref<10240xi32, #tpu.memory_space<hbm>>
      %dma_start3A_33 = tpu.memref_slice %arg3[%mul3A_11] : memref<327680xi32, #tpu.memory_space<hbm>> -> memref<10240xi32, #tpu.memory_space<hbm>>
      tpu.enqueue_dma source(%dma_start3A_33 : memref<10240xi32, #tpu.memory_space<hbm>>) target(%arg6 : memref<10240xi32, #tpu.memory_space<vmem>>) target_semaphore(%run_scoped3A_32 : memref<!tpu.dma_semaphore, #tpu.memory_space<semaphore_mem>>)
      %dma_wait3A = tpu.memref_slice %arg3[%mul3A_11] : memref<327680xi32, #tpu.memory_space<hbm>> -> memref<10240xi32, #tpu.memory_space<hbm>>
      %dma_wait3A_34 = tpu.memref_slice %arg3[%mul3A_11] : memref<327680xi32, #tpu.memory_space<hbm>> -> memref<10240xi32, #tpu.memory_space<hbm>>
      tpu.wait_dma2 semaphore(%run_scoped3A_32 : memref<!tpu.dma_semaphore, #tpu.memory_space<semaphore_mem>>) src(%dma_wait3A_34 : memref<10240xi32, #tpu.memory_space<hbm>>) dst(%arg6 : memref<10240xi32, #tpu.memory_space<vmem>>)
      tpu.yield
    }) : () -> ()
    %scan3A_12 = arith.constant 0 : i32
    %scan3A_13 = arith.constant 640 : i32
    %scan3A_14 = arith.addi %scan3A_12, %scan3A_13 : i32
    %scan3A_15 = arith.constant 1 : i32
    scf.for %scan3A_32 = %scan3A_12 to %scan3A_14 step %scan3A_15  : i32 {
      %mul3A_33 = arith.constant 16 : i32
      %mul3A_34 = arith.muli %scan3A_32, %mul3A_33 : i32
      %add3A_35 = arith.constant 0 : i32
      %add3A_36 = arith.addi %add3A_35, %mul3A_34 : i32
      %get3A = arith.index_cast %add3A_36 : i32 to index
      %get3A_37 = tpu.vector_load %arg5[%get3A] {strides = array<i32>} : memref<10240xi32, #tpu.memory_space<vmem>>, vector<16xi32>,
      tpu.vector_store_idx %arg7[%get3A_37], %broadcast_in_dim3A_3 {add = true} : memref<10240xf32, #tpu.memory_space<vmem>>[vector<16xi32>], vector<16xf32>,
      %get3A_38 = arith.index_cast %add3A_36 : i32 to index
      %get3A_39 = tpu.vector_load %arg6[%get3A_38] {strides = array<i32>} : memref<10240xi32, #tpu.memory_space<vmem>>, vector<16xi32>,
      tpu.vector_store_idx %arg8[%get3A_39], %broadcast_in_dim3A_3 {add = true} : memref<10240xf32, #tpu.memory_space<vmem>>[vector<16xi32>], vector<16xf32>,
    }
    %scan3A_16 = arith.constant 640 : i32
    "tpu.region"() ({
      %run_scoped3A_32 = tpu.sem_alloc : memref<!tpu.dma_semaphore, #tpu.memory_space<semaphore_mem>>
      %dma_start3A = arith.constant 0 : i32
      %dma_start3A_33 = tpu.memref_slice %arg10[%arg1, %dma_start3A] : memref<16x10240xf32, #tpu.memory_space<vmem_shared>> -> memref<1x10240xf32, #tpu.memory_space<vmem_shared>>
      %dma_start3A_34 = tpu.memref_squeeze %dma_start3A_33 : memref<1x10240xf32, #tpu.memory_space<vmem_shared>> -> memref<10240xf32, #tpu.memory_space<vmem_shared>>
      %dma_start3A_35 = arith.constant 0 : i32
      %dma_start3A_36 = tpu.memref_slice %arg10[%arg1, %dma_start3A_35] : memref<16x10240xf32, #tpu.memory_space<vmem_shared>> -> memref<1x10240xf32, #tpu.memory_space<vmem_shared>>
      %dma_start3A_37 = tpu.memref_squeeze %dma_start3A_36 : memref<1x10240xf32, #tpu.memory_space<vmem_shared>> -> memref<10240xf32, #tpu.memory_space<vmem_shared>>
      tpu.enqueue_dma source(%arg7 : memref<10240xf32, #tpu.memory_space<vmem>>) target(%dma_start3A_37 : memref<10240xf32, #tpu.memory_space<vmem_shared>>) target_semaphore(%run_scoped3A_32 : memref<!tpu.dma_semaphore, #tpu.memory_space<semaphore_mem>>)
      %dma_wait3A = arith.constant 0 : i32
      %dma_wait3A_38 = tpu.memref_slice %arg10[%arg1, %dma_wait3A] : memref<16x10240xf32, #tpu.memory_space<vmem_shared>> -> memref<1x10240xf32, #tpu.memory_space<vmem_shared>>
      %dma_wait3A_39 = tpu.memref_squeeze %dma_wait3A_38 : memref<1x10240xf32, #tpu.memory_space<vmem_shared>> -> memref<10240xf32, #tpu.memory_space<vmem_shared>>
      %dma_wait3A_40 = arith.constant 0 : i32
      %dma_wait3A_41 = tpu.memref_slice %arg10[%arg1, %dma_wait3A_40] : memref<16x10240xf32, #tpu.memory_space<vmem_shared>> -> memref<1x10240xf32, #tpu.memory_space<vmem_shared>>
      %dma_wait3A_42 = tpu.memref_squeeze %dma_wait3A_41 : memref<1x10240xf32, #tpu.memory_space<vmem_shared>> -> memref<10240xf32, #tpu.memory_space<vmem_shared>>
      tpu.wait_dma2 semaphore(%run_scoped3A_32 : memref<!tpu.dma_semaphore, #tpu.memory_space<semaphore_mem>>) src(%arg7 : memref<10240xf32, #tpu.memory_space<vmem>>) dst(%dma_wait3A_42 : memref<10240xf32, #tpu.memory_space<vmem_shared>>)
      tpu.yield
    }) : () -> ()
    "tpu.region"() ({
      %run_scoped3A_32 = tpu.sem_alloc : memref<!tpu.dma_semaphore, #tpu.memory_space<semaphore_mem>>
      %dma_start3A = arith.constant 0 : i32
      %dma_start3A_33 = tpu.memref_slice %arg11[%arg1, %dma_start3A] : memref<16x10240xf32, #tpu.memory_space<vmem_shared>> -> memref<1x10240xf32, #tpu.memory_space<vmem_shared>>
      %dma_start3A_34 = tpu.memref_squeeze %dma_start3A_33 : memref<1x10240xf32, #tpu.memory_space<vmem_shared>> -> memref<10240xf32, #tpu.memory_space<vmem_shared>>
      %dma_start3A_35 = arith.constant 0 : i32
      %dma_start3A_36 = tpu.memref_slice %arg11[%arg1, %dma_start3A_35] : memref<16x10240xf32, #tpu.memory_space<vmem_shared>> -> memref<1x10240xf32, #tpu.memory_space<vmem_shared>>
      %dma_start3A_37 = tpu.memref_squeeze %dma_start3A_36 : memref<1x10240xf32, #tpu.memory_space<vmem_shared>> -> memref<10240xf32, #tpu.memory_space<vmem_shared>>
      tpu.enqueue_dma source(%arg8 : memref<10240xf32, #tpu.memory_space<vmem>>) target(%dma_start3A_37 : memref<10240xf32, #tpu.memory_space<vmem_shared>>) target_semaphore(%run_scoped3A_32 : memref<!tpu.dma_semaphore, #tpu.memory_space<semaphore_mem>>)
      %dma_wait3A = arith.constant 0 : i32
      %dma_wait3A_38 = tpu.memref_slice %arg11[%arg1, %dma_wait3A] : memref<16x10240xf32, #tpu.memory_space<vmem_shared>> -> memref<1x10240xf32, #tpu.memory_space<vmem_shared>>
      %dma_wait3A_39 = tpu.memref_squeeze %dma_wait3A_38 : memref<1x10240xf32, #tpu.memory_space<vmem_shared>> -> memref<10240xf32, #tpu.memory_space<vmem_shared>>
      %dma_wait3A_40 = arith.constant 0 : i32
      %dma_wait3A_41 = tpu.memref_slice %arg11[%arg1, %dma_wait3A_40] : memref<16x10240xf32, #tpu.memory_space<vmem_shared>> -> memref<1x10240xf32, #tpu.memory_space<vmem_shared>>
      %dma_wait3A_42 = tpu.memref_squeeze %dma_wait3A_41 : memref<1x10240xf32, #tpu.memory_space<vmem_shared>> -> memref<10240xf32, #tpu.memory_space<vmem_shared>>
      tpu.wait_dma2 semaphore(%run_scoped3A_32 : memref<!tpu.dma_semaphore, #tpu.memory_space<semaphore_mem>>) src(%arg8 : memref<10240xf32, #tpu.memory_space<vmem>>) dst(%dma_wait3A_42 : memref<10240xf32, #tpu.memory_space<vmem_shared>>)
      tpu.yield
    }) : () -> ()
    %barrier3A = arith.constant 0 : index
    tpu.barrier barrier_id(%barrier3A)
    %scan3A_17 = arith.constant 0 : i32
    %scan3A_18 = arith.constant 16 : i32
    %scan3A_19 = arith.addi %scan3A_17, %scan3A_18 : i32
    %scan3A_20 = arith.constant 1 : i32
    scf.for %scan3A_32 = %scan3A_17 to %scan3A_19 step %scan3A_20  : i32 {
      %mul3A_33 = arith.constant 1 : i32
      %mul3A_34 = arith.muli %scan3A_32, %mul3A_33 : i32
      %add3A_35 = arith.constant 0 : i32
      %add3A_36 = arith.addi %add3A_35, %mul3A_34 : i32
      %mul3A_37 = arith.constant 640 : i32
      %mul3A_38 = arith.muli %arg1, %mul3A_37 : i32
      "tpu.region"() ({
        %run_scoped3A_44 = tpu.sem_alloc : memref<!tpu.dma_semaphore, #tpu.memory_space<semaphore_mem>>
        %dma_start3A = tpu.memref_slice %arg10[%add3A_36, %mul3A_38] : memref<16x10240xf32, #tpu.memory_space<vmem_shared>> -> memref<1x640xf32, #tpu.memory_space<vmem_shared>>
        %dma_start3A_45 = tpu.memref_squeeze %dma_start3A : memref<1x640xf32, #tpu.memory_space<vmem_shared>> -> memref<640xf32, #tpu.memory_space<vmem_shared>>
        %dma_start3A_46 = tpu.memref_slice %arg10[%add3A_36, %mul3A_38] : memref<16x10240xf32, #tpu.memory_space<vmem_shared>> -> memref<1x640xf32, #tpu.memory_space<vmem_shared>>
        %dma_start3A_47 = tpu.memref_squeeze %dma_start3A_46 : memref<1x640xf32, #tpu.memory_space<vmem_shared>> -> memref<640xf32, #tpu.memory_space<vmem_shared>>
        tpu.enqueue_dma source(%dma_start3A_47 : memref<640xf32, #tpu.memory_space<vmem_shared>>) target(%arg9 : memref<640xf32, #tpu.memory_space<vmem>>) target_semaphore(%run_scoped3A_44 : memref<!tpu.dma_semaphore, #tpu.memory_space<semaphore_mem>>)
        %dma_wait3A = tpu.memref_slice %arg10[%add3A_36, %mul3A_38] : memref<16x10240xf32, #tpu.memory_space<vmem_shared>> -> memref<1x640xf32, #tpu.memory_space<vmem_shared>>
        %dma_wait3A_48 = tpu.memref_squeeze %dma_wait3A : memref<1x640xf32, #tpu.memory_space<vmem_shared>> -> memref<640xf32, #tpu.memory_space<vmem_shared>>
        %dma_wait3A_49 = tpu.memref_slice %arg10[%add3A_36, %mul3A_38] : memref<16x10240xf32, #tpu.memory_space<vmem_shared>> -> memref<1x640xf32, #tpu.memory_space<vmem_shared>>
        %dma_wait3A_50 = tpu.memref_squeeze %dma_wait3A_49 : memref<1x640xf32, #tpu.memory_space<vmem_shared>> -> memref<640xf32, #tpu.memory_space<vmem_shared>>
        tpu.wait_dma2 semaphore(%run_scoped3A_44 : memref<!tpu.dma_semaphore, #tpu.memory_space<semaphore_mem>>) src(%dma_wait3A_50 : memref<640xf32, #tpu.memory_space<vmem_shared>>) dst(%arg9 : memref<640xf32, #tpu.memory_space<vmem>>)
        tpu.yield
      }) : () -> ()
      %scan3A_39 = arith.constant 0 : i32
      %scan3A_40 = arith.constant 40 : i32
      %scan3A_41 = arith.addi %scan3A_39, %scan3A_40 : i32
      %scan3A_42 = arith.constant 1 : i32
      scf.for %scan3A_44 = %scan3A_39 to %scan3A_41 step %scan3A_42  : i32 {
        %mul3A_45 = arith.constant 16 : i32
        %mul3A_46 = arith.muli %scan3A_44, %mul3A_45 : i32
        %add3A_47 = arith.constant 0 : i32
        %add3A_48 = arith.addi %add3A_47, %mul3A_46 : i32
        %eq3A = arith.constant 0 : i32
        %eq3A_49 = arith.cmpi eq, %add3A_36, %eq3A : i32
        %convert_element_type3A = arith.extui %eq3A_49 : i1 to i32
        %cond3A = arith.constant 0 : i32
        %cond3A_50 = arith.cmpi ne, %convert_element_type3A, %cond3A : i32
        scf.if %cond3A_50 {
          %get3A = arith.index_cast %add3A_48 : i32 to index
          %get3A_55 = tpu.vector_load %arg9[%get3A] {strides = array<i32>} : memref<640xf32, #tpu.memory_space<vmem>>, vector<16xf32>,
          %swap3A = arith.index_cast %add3A_48 : i32 to index
          %swap3A_56 = tpu.vector_load %arg7[%swap3A] {strides = array<i32>} : memref<10240xf32, #tpu.memory_space<vmem>>, vector<16xf32>,
          tpu.vector_store %arg7[%swap3A], %get3A_55 {strides = array<i32>} : memref<10240xf32, #tpu.memory_space<vmem>>, vector<16xf32>,
        } else {
        }
        %ne3A = arith.constant 0 : i32
        %ne3A_51 = arith.cmpi ne, %add3A_36, %ne3A : i32
        %convert_element_type3A_52 = arith.extui %ne3A_51 : i1 to i32
        %cond3A_53 = arith.constant 0 : i32
        %cond3A_54 = arith.cmpi ne, %convert_element_type3A_52, %cond3A_53 : i32
        scf.if %cond3A_54 {
          %get3A = arith.index_cast %add3A_48 : i32 to index
          %get3A_55 = tpu.vector_load %arg7[%get3A] {strides = array<i32>} : memref<10240xf32, #tpu.memory_space<vmem>>, vector<16xf32>,
          %get3A_56 = arith.index_cast %add3A_48 : i32 to index
          %get3A_57 = tpu.vector_load %arg9[%get3A_56] {strides = array<i32>} : memref<640xf32, #tpu.memory_space<vmem>>, vector<16xf32>,
          %add3A_58 = arith.addf %get3A_55, %get3A_57 : vector<16xf32>
          %swap3A = arith.index_cast %add3A_48 : i32 to index
          %swap3A_59 = tpu.vector_load %arg7[%swap3A] {strides = array<i32>} : memref<10240xf32, #tpu.memory_space<vmem>>, vector<16xf32>,
          tpu.vector_store %arg7[%swap3A], %add3A_58 {strides = array<i32>} : memref<10240xf32, #tpu.memory_space<vmem>>, vector<16xf32>,
        } else {
        }
      }
      %scan3A_43 = arith.constant 40 : i32
    }
    %scan3A_21 = arith.constant 16 : i32
    %mul3A_22 = arith.constant 640 : i32
    %mul3A_23 = arith.muli %arg1, %mul3A_22 : i32
    %run_scoped3A = arith.constant 0 : i32
    "tpu.region"() ({
      %run_scoped3A_32 = tpu.sem_alloc : memref<!tpu.dma_semaphore, #tpu.memory_space<semaphore_mem>>
      %dma_start3A = arith.constant 0 : i32
      %dma_start3A_33 = tpu.memref_slice %arg7[%dma_start3A] : memref<10240xf32, #tpu.memory_space<vmem>> -> memref<640xf32, #tpu.memory_space<vmem>>
      %dma_start3A_34 = tpu.memref_slice %arg4[%arg0, %run_scoped3A, %mul3A_23] : memref<2x2x10240xf32, #tpu.memory_space<hbm>> -> memref<1x1x640xf32, #tpu.memory_space<hbm>>
      %dma_start3A_35 = tpu.memref_squeeze %dma_start3A_34 : memref<1x1x640xf32, #tpu.memory_space<hbm>> -> memref<640xf32, #tpu.memory_space<hbm>>
      %dma_start3A_36 = tpu.memref_slice %arg4[%arg0, %run_scoped3A, %mul3A_23] : memref<2x2x10240xf32, #tpu.memory_space<hbm>> -> memref<1x1x640xf32, #tpu.memory_space<hbm>>
      %dma_start3A_37 = tpu.memref_squeeze %dma_start3A_36 : memref<1x1x640xf32, #tpu.memory_space<hbm>> -> memref<640xf32, #tpu.memory_space<hbm>>
      %dma_start3A_38 = arith.constant 0 : i32
      %dma_start3A_39 = tpu.memref_slice %arg7[%dma_start3A_38] : memref<10240xf32, #tpu.memory_space<vmem>> -> memref<640xf32, #tpu.memory_space<vmem>>
      tpu.enqueue_dma source(%dma_start3A_39 : memref<640xf32, #tpu.memory_space<vmem>>) target(%dma_start3A_37 : memref<640xf32, #tpu.memory_space<hbm>>) target_semaphore(%run_scoped3A_32 : memref<!tpu.dma_semaphore, #tpu.memory_space<semaphore_mem>>)
      %dma_wait3A = arith.constant 0 : i32
      %dma_wait3A_40 = tpu.memref_slice %arg7[%dma_wait3A] : memref<10240xf32, #tpu.memory_space<vmem>> -> memref<640xf32, #tpu.memory_space<vmem>>
      %dma_wait3A_41 = tpu.memref_slice %arg4[%arg0, %run_scoped3A, %mul3A_23] : memref<2x2x10240xf32, #tpu.memory_space<hbm>> -> memref<1x1x640xf32, #tpu.memory_space<hbm>>
      %dma_wait3A_42 = tpu.memref_squeeze %dma_wait3A_41 : memref<1x1x640xf32, #tpu.memory_space<hbm>> -> memref<640xf32, #tpu.memory_space<hbm>>
      %dma_wait3A_43 = tpu.memref_slice %arg4[%arg0, %run_scoped3A, %mul3A_23] : memref<2x2x10240xf32, #tpu.memory_space<hbm>> -> memref<1x1x640xf32, #tpu.memory_space<hbm>>
      %dma_wait3A_44 = tpu.memref_squeeze %dma_wait3A_43 : memref<1x1x640xf32, #tpu.memory_space<hbm>> -> memref<640xf32, #tpu.memory_space<hbm>>
      %dma_wait3A_45 = arith.constant 0 : i32
      %dma_wait3A_46 = tpu.memref_slice %arg7[%dma_wait3A_45] : memref<10240xf32, #tpu.memory_space<vmem>> -> memref<640xf32, #tpu.memory_space<vmem>>
      tpu.wait_dma2 semaphore(%run_scoped3A_32 : memref<!tpu.dma_semaphore, #tpu.memory_space<semaphore_mem>>) src(%dma_wait3A_46 : memref<640xf32, #tpu.memory_space<vmem>>) dst(%dma_wait3A_44 : memref<640xf32, #tpu.memory_space<hbm>>)
      tpu.yield
    }) : () -> ()
    %scan3A_24 = arith.constant 0 : i32
    %scan3A_25 = arith.constant 16 : i32
    %scan3A_26 = arith.addi %scan3A_24, %scan3A_25 : i32
    %scan3A_27 = arith.constant 1 : i32
    scf.for %scan3A_32 = %scan3A_24 to %scan3A_26 step %scan3A_27  : i32 {
      %mul3A_33 = arith.constant 1 : i32
      %mul3A_34 = arith.muli %scan3A_32, %mul3A_33 : i32
      %add3A_35 = arith.constant 0 : i32
      %add3A_36 = arith.addi %add3A_35, %mul3A_34 : i32
      %mul3A_37 = arith.constant 640 : i32
      %mul3A_38 = arith.muli %arg1, %mul3A_37 : i32
      "tpu.region"() ({
        %run_scoped3A_44 = tpu.sem_alloc : memref<!tpu.dma_semaphore, #tpu.memory_space<semaphore_mem>>
        %dma_start3A = tpu.memref_slice %arg11[%add3A_36, %mul3A_38] : memref<16x10240xf32, #tpu.memory_space<vmem_shared>> -> memref<1x640xf32, #tpu.memory_space<vmem_shared>>
        %dma_start3A_45 = tpu.memref_squeeze %dma_start3A : memref<1x640xf32, #tpu.memory_space<vmem_shared>> -> memref<640xf32, #tpu.memory_space<vmem_shared>>
        %dma_start3A_46 = tpu.memref_slice %arg11[%add3A_36, %mul3A_38] : memref<16x10240xf32, #tpu.memory_space<vmem_shared>> -> memref<1x640xf32, #tpu.memory_space<vmem_shared>>
        %dma_start3A_47 = tpu.memref_squeeze %dma_start3A_46 : memref<1x640xf32, #tpu.memory_space<vmem_shared>> -> memref<640xf32, #tpu.memory_space<vmem_shared>>
        tpu.enqueue_dma source(%dma_start3A_47 : memref<640xf32, #tpu.memory_space<vmem_shared>>) target(%arg9 : memref<640xf32, #tpu.memory_space<vmem>>) target_semaphore(%run_scoped3A_44 : memref<!tpu.dma_semaphore, #tpu.memory_space<semaphore_mem>>)
        %dma_wait3A = tpu.memref_slice %arg11[%add3A_36, %mul3A_38] : memref<16x10240xf32, #tpu.memory_space<vmem_shared>> -> memref<1x640xf32, #tpu.memory_space<vmem_shared>>
        %dma_wait3A_48 = tpu.memref_squeeze %dma_wait3A : memref<1x640xf32, #tpu.memory_space<vmem_shared>> -> memref<640xf32, #tpu.memory_space<vmem_shared>>
        %dma_wait3A_49 = tpu.memref_slice %arg11[%add3A_36, %mul3A_38] : memref<16x10240xf32, #tpu.memory_space<vmem_shared>> -> memref<1x640xf32, #tpu.memory_space<vmem_shared>>
        %dma_wait3A_50 = tpu.memref_squeeze %dma_wait3A_49 : memref<1x640xf32, #tpu.memory_space<vmem_shared>> -> memref<640xf32, #tpu.memory_space<vmem_shared>>
        tpu.wait_dma2 semaphore(%run_scoped3A_44 : memref<!tpu.dma_semaphore, #tpu.memory_space<semaphore_mem>>) src(%dma_wait3A_50 : memref<640xf32, #tpu.memory_space<vmem_shared>>) dst(%arg9 : memref<640xf32, #tpu.memory_space<vmem>>)
        tpu.yield
      }) : () -> ()
      %scan3A_39 = arith.constant 0 : i32
      %scan3A_40 = arith.constant 40 : i32
      %scan3A_41 = arith.addi %scan3A_39, %scan3A_40 : i32
      %scan3A_42 = arith.constant 1 : i32
      scf.for %scan3A_44 = %scan3A_39 to %scan3A_41 step %scan3A_42  : i32 {
        %mul3A_45 = arith.constant 16 : i32
        %mul3A_46 = arith.muli %scan3A_44, %mul3A_45 : i32
        %add3A_47 = arith.constant 0 : i32
        %add3A_48 = arith.addi %add3A_47, %mul3A_46 : i32
        %eq3A = arith.constant 0 : i32
        %eq3A_49 = arith.cmpi eq, %add3A_36, %eq3A : i32
        %convert_element_type3A = arith.extui %eq3A_49 : i1 to i32
        %cond3A = arith.constant 0 : i32
        %cond3A_50 = arith.cmpi ne, %convert_element_type3A, %cond3A : i32
        scf.if %cond3A_50 {
          %get3A = arith.index_cast %add3A_48 : i32 to index
          %get3A_55 = tpu.vector_load %arg9[%get3A] {strides = array<i32>} : memref<640xf32, #tpu.memory_space<vmem>>, vector<16xf32>,
          %swap3A = arith.index_cast %add3A_48 : i32 to index
          %swap3A_56 = tpu.vector_load %arg8[%swap3A] {strides = array<i32>} : memref<10240xf32, #tpu.memory_space<vmem>>, vector<16xf32>,
          tpu.vector_store %arg8[%swap3A], %get3A_55 {strides = array<i32>} : memref<10240xf32, #tpu.memory_space<vmem>>, vector<16xf32>,
        } else {
        }
        %ne3A = arith.constant 0 : i32
        %ne3A_51 = arith.cmpi ne, %add3A_36, %ne3A : i32
        %convert_element_type3A_52 = arith.extui %ne3A_51 : i1 to i32
        %cond3A_53 = arith.constant 0 : i32
        %cond3A_54 = arith.cmpi ne, %convert_element_type3A_52, %cond3A_53 : i32
        scf.if %cond3A_54 {
          %get3A = arith.index_cast %add3A_48 : i32 to index
          %get3A_55 = tpu.vector_load %arg8[%get3A] {strides = array<i32>} : memref<10240xf32, #tpu.memory_space<vmem>>, vector<16xf32>,
          %get3A_56 = arith.index_cast %add3A_48 : i32 to index
          %get3A_57 = tpu.vector_load %arg9[%get3A_56] {strides = array<i32>} : memref<640xf32, #tpu.memory_space<vmem>>, vector<16xf32>,
          %add3A_58 = arith.addf %get3A_55, %get3A_57 : vector<16xf32>
          %swap3A = arith.index_cast %add3A_48 : i32 to index
          %swap3A_59 = tpu.vector_load %arg8[%swap3A] {strides = array<i32>} : memref<10240xf32, #tpu.memory_space<vmem>>, vector<16xf32>,
          tpu.vector_store %arg8[%swap3A], %add3A_58 {strides = array<i32>} : memref<10240xf32, #tpu.memory_space<vmem>>, vector<16xf32>,
        } else {
        }
      }
      %scan3A_43 = arith.constant 40 : i32
    }
    %scan3A_28 = arith.constant 16 : i32
    %mul3A_29 = arith.constant 640 : i32
    %mul3A_30 = arith.muli %arg1, %mul3A_29 : i32
    %run_scoped3A_31 = arith.constant 1 : i32
    "tpu.region"() ({
      %run_scoped3A_32 = tpu.sem_alloc : memref<!tpu.dma_semaphore, #tpu.memory_space<semaphore_mem>>
      %dma_start3A = arith.constant 0 : i32
      %dma_start3A_33 = tpu.memref_slice %arg8[%dma_start3A] : memref<10240xf32, #tpu.memory_space<vmem>> -> memref<640xf32, #tpu.memory_space<vmem>>
      %dma_start3A_34 = tpu.memref_slice %arg4[%arg0, %run_scoped3A_31, %mul3A_30] : memref<2x2x10240xf32, #tpu.memory_space<hbm>> -> memref<1x1x640xf32, #tpu.memory_space<hbm>>
      %dma_start3A_35 = tpu.memref_squeeze %dma_start3A_34 : memref<1x1x640xf32, #tpu.memory_space<hbm>> -> memref<640xf32, #tpu.memory_space<hbm>>
      %dma_start3A_36 = tpu.memref_slice %arg4[%arg0, %run_scoped3A_31, %mul3A_30] : memref<2x2x10240xf32, #tpu.memory_space<hbm>> -> memref<1x1x640xf32, #tpu.memory_space<hbm>>
      %dma_start3A_37 = tpu.memref_squeeze %dma_start3A_36 : memref<1x1x640xf32, #tpu.memory_space<hbm>> -> memref<640xf32, #tpu.memory_space<hbm>>
      %dma_start3A_38 = arith.constant 0 : i32
      %dma_start3A_39 = tpu.memref_slice %arg8[%dma_start3A_38] : memref<10240xf32, #tpu.memory_space<vmem>> -> memref<640xf32, #tpu.memory_space<vmem>>
      tpu.enqueue_dma source(%dma_start3A_39 : memref<640xf32, #tpu.memory_space<vmem>>) target(%dma_start3A_37 : memref<640xf32, #tpu.memory_space<hbm>>) target_semaphore(%run_scoped3A_32 : memref<!tpu.dma_semaphore, #tpu.memory_space<semaphore_mem>>)
      %dma_wait3A = arith.constant 0 : i32
      %dma_wait3A_40 = tpu.memref_slice %arg8[%dma_wait3A] : memref<10240xf32, #tpu.memory_space<vmem>> -> memref<640xf32, #tpu.memory_space<vmem>>
      %dma_wait3A_41 = tpu.memref_slice %arg4[%arg0, %run_scoped3A_31, %mul3A_30] : memref<2x2x10240xf32, #tpu.memory_space<hbm>> -> memref<1x1x640xf32, #tpu.memory_space<hbm>>
      %dma_wait3A_42 = tpu.memref_squeeze %dma_wait3A_41 : memref<1x1x640xf32, #tpu.memory_space<hbm>> -> memref<640xf32, #tpu.memory_space<hbm>>
      %dma_wait3A_43 = tpu.memref_slice %arg4[%arg0, %run_scoped3A_31, %mul3A_30] : memref<2x2x10240xf32, #tpu.memory_space<hbm>> -> memref<1x1x640xf32, #tpu.memory_space<hbm>>
      %dma_wait3A_44 = tpu.memref_squeeze %dma_wait3A_43 : memref<1x1x640xf32, #tpu.memory_space<hbm>> -> memref<640xf32, #tpu.memory_space<hbm>>
      %dma_wait3A_45 = arith.constant 0 : i32
      %dma_wait3A_46 = tpu.memref_slice %arg8[%dma_wait3A_45] : memref<10240xf32, #tpu.memory_space<vmem>> -> memref<640xf32, #tpu.memory_space<vmem>>
      tpu.wait_dma2 semaphore(%run_scoped3A_32 : memref<!tpu.dma_semaphore, #tpu.memory_space<semaphore_mem>>) src(%dma_wait3A_46 : memref<640xf32, #tpu.memory_space<vmem>>) dst(%dma_wait3A_44 : memref<640xf32, #tpu.memory_space<hbm>>)
      tpu.yield
    }) : () -> ()
    return
  }
}

#map = affine_map<(d0, d1) -> (0, 0)>
#map1 = affine_map<(d0, d1) -> (0, 0, 0)>
module attributes {stable_mosaic.version = 14 : i64} {
  func.func @edge_kernel(%arg0: i32, %arg1: i32, %arg2: memref<10240x128xf32, #tpu.memory_space<hbm>>, %arg3: memref<2560x128xi32, #tpu.memory_space<hbm>>, %arg4: memref<2560x128xi32, #tpu.memory_space<hbm>>, %arg5: memref<640x128xf32, #tpu.memory_space<hbm>>, %arg6: memref<2x10240x128xf32, #tpu.memory_space<hbm>>, %arg7: memref<16x128xi32, #tpu.memory_space<vmem>>, %arg8: memref<16x128xi32, #tpu.memory_space<vmem>>, %arg9: memref<128x128xf32, #tpu.memory_space<vmem>>, %arg10: memref<128x128xf32, #tpu.memory_space<vmem>>, %arg11: memref<10240x128xf32, #tpu.memory_space<vmem_shared>>, %arg12: memref<!tpu.dma_semaphore, #tpu.memory_space<semaphore_mem>>) attributes {dimension_semantics = [#tpu.dimension_semantics<core_parallel>, #tpu.dimension_semantics<subcore_parallel>], iteration_bounds = array<i64: 2, 16>, scalar_prefetch = 0 : i64, scratch_operands = 6 : i64, tpu.core_type = #tpu.core_type<sc_vector_subcore>, window_params = [{transform_indices = #map}, {transform_indices = #map}, {transform_indices = #map}, {transform_indices = #map}, {transform_indices = #map1}]} {
    %mul3A = arith.constant 16 : i32
    %mul3A_0 = arith.muli %arg0, %mul3A : i32
    %add3A = arith.addi %mul3A_0, %arg1 : i32
    %mul3A_1 = arith.constant 640 : i32
    %mul3A_2 = arith.muli %arg1, %mul3A_1 : i32
    "tpu.region"() ({
      %run_scoped3A = tpu.sem_alloc : memref<!tpu.dma_semaphore, #tpu.memory_space<semaphore_mem>>
      %dma_start3A = arith.constant 0 : i32
      %dma_start3A_12 = tpu.memref_slice %arg11[%mul3A_2, %dma_start3A] : memref<10240x128xf32, #tpu.memory_space<vmem_shared>> -> memref<640x128xf32, #tpu.memory_space<vmem_shared>>
      tpu.enqueue_dma source(%arg5 : memref<640x128xf32, #tpu.memory_space<hbm>>) target(%dma_start3A_12 : memref<640x128xf32, #tpu.memory_space<vmem_shared>>) target_semaphore(%run_scoped3A : memref<!tpu.dma_semaphore, #tpu.memory_space<semaphore_mem>>)
      %dma_wait3A = arith.constant 0 : i32
      %dma_wait3A_13 = tpu.memref_slice %arg11[%mul3A_2, %dma_wait3A] : memref<10240x128xf32, #tpu.memory_space<vmem_shared>> -> memref<640x128xf32, #tpu.memory_space<vmem_shared>>
      tpu.wait_dma2 semaphore(%run_scoped3A : memref<!tpu.dma_semaphore, #tpu.memory_space<semaphore_mem>>) src(%arg5 : memref<640x128xf32, #tpu.memory_space<hbm>>) dst(%dma_wait3A_13 : memref<640x128xf32, #tpu.memory_space<vmem_shared>>)
      tpu.yield
    }) : () -> ()
    %barrier3A = arith.constant 0 : index
    tpu.barrier barrier_id(%barrier3A)
    %scan3A = arith.constant 0 : i32
    %scan3A_3 = arith.constant 5 : i32
    %scan3A_4 = arith.addi %scan3A, %scan3A_3 : i32
    %scan3A_5 = arith.constant 1 : i32
    scf.for %scan3A_12 = %scan3A to %scan3A_4 step %scan3A_5  : i32 {
      %mul3A_13 = arith.constant 1 : i32
      %mul3A_14 = arith.muli %scan3A_12, %mul3A_13 : i32
      %add3A_15 = arith.constant 0 : i32
      %add3A_16 = arith.addi %add3A_15, %mul3A_14 : i32
      %mul3A_17 = arith.constant 80 : i32
      %mul3A_18 = arith.muli %add3A, %mul3A_17 : i32
      %mul3A_19 = arith.constant 16 : i32
      %mul3A_20 = arith.muli %add3A_16, %mul3A_19 : i32
      %add3A_21 = arith.addi %mul3A_18, %mul3A_20 : i32
      "tpu.region"() ({
        %run_scoped3A = tpu.sem_alloc : memref<!tpu.dma_semaphore, #tpu.memory_space<semaphore_mem>>
        %dma_start3A_38 = arith.constant 0 : i32
        %dma_start3A_39 = tpu.memref_slice %arg3[%add3A_21, %dma_start3A_38] : memref<2560x128xi32, #tpu.memory_space<hbm>> -> memref<16x128xi32, #tpu.memory_space<hbm>>
        %dma_start3A_40 = arith.constant 0 : i32
        %dma_start3A_41 = tpu.memref_slice %arg3[%add3A_21, %dma_start3A_40] : memref<2560x128xi32, #tpu.memory_space<hbm>> -> memref<16x128xi32, #tpu.memory_space<hbm>>
        tpu.enqueue_dma source(%dma_start3A_41 : memref<16x128xi32, #tpu.memory_space<hbm>>) target(%arg7 : memref<16x128xi32, #tpu.memory_space<vmem>>) target_semaphore(%run_scoped3A : memref<!tpu.dma_semaphore, #tpu.memory_space<semaphore_mem>>)
        %dma_wait3A = arith.constant 0 : i32
        %dma_wait3A_42 = tpu.memref_slice %arg3[%add3A_21, %dma_wait3A] : memref<2560x128xi32, #tpu.memory_space<hbm>> -> memref<16x128xi32, #tpu.memory_space<hbm>>
        %dma_wait3A_43 = arith.constant 0 : i32
        %dma_wait3A_44 = tpu.memref_slice %arg3[%add3A_21, %dma_wait3A_43] : memref<2560x128xi32, #tpu.memory_space<hbm>> -> memref<16x128xi32, #tpu.memory_space<hbm>>
        tpu.wait_dma2 semaphore(%run_scoped3A : memref<!tpu.dma_semaphore, #tpu.memory_space<semaphore_mem>>) src(%dma_wait3A_44 : memref<16x128xi32, #tpu.memory_space<hbm>>) dst(%arg7 : memref<16x128xi32, #tpu.memory_space<vmem>>)
        tpu.yield
      }) : () -> ()
      %mul3A_22 = arith.constant 80 : i32
      %mul3A_23 = arith.muli %add3A, %mul3A_22 : i32
      %mul3A_24 = arith.constant 16 : i32
      %mul3A_25 = arith.muli %add3A_16, %mul3A_24 : i32
      %add3A_26 = arith.addi %mul3A_23, %mul3A_25 : i32
      "tpu.region"() ({
        %run_scoped3A = tpu.sem_alloc : memref<!tpu.dma_semaphore, #tpu.memory_space<semaphore_mem>>
        %dma_start3A_38 = arith.constant 0 : i32
        %dma_start3A_39 = tpu.memref_slice %arg4[%add3A_26, %dma_start3A_38] : memref<2560x128xi32, #tpu.memory_space<hbm>> -> memref<16x128xi32, #tpu.memory_space<hbm>>
        %dma_start3A_40 = arith.constant 0 : i32
        %dma_start3A_41 = tpu.memref_slice %arg4[%add3A_26, %dma_start3A_40] : memref<2560x128xi32, #tpu.memory_space<hbm>> -> memref<16x128xi32, #tpu.memory_space<hbm>>
        tpu.enqueue_dma source(%dma_start3A_41 : memref<16x128xi32, #tpu.memory_space<hbm>>) target(%arg8 : memref<16x128xi32, #tpu.memory_space<vmem>>) target_semaphore(%run_scoped3A : memref<!tpu.dma_semaphore, #tpu.memory_space<semaphore_mem>>)
        %dma_wait3A = arith.constant 0 : i32
        %dma_wait3A_42 = tpu.memref_slice %arg4[%add3A_26, %dma_wait3A] : memref<2560x128xi32, #tpu.memory_space<hbm>> -> memref<16x128xi32, #tpu.memory_space<hbm>>
        %dma_wait3A_43 = arith.constant 0 : i32
        %dma_wait3A_44 = tpu.memref_slice %arg4[%add3A_26, %dma_wait3A_43] : memref<2560x128xi32, #tpu.memory_space<hbm>> -> memref<16x128xi32, #tpu.memory_space<hbm>>
        tpu.wait_dma2 semaphore(%run_scoped3A : memref<!tpu.dma_semaphore, #tpu.memory_space<semaphore_mem>>) src(%dma_wait3A_44 : memref<16x128xi32, #tpu.memory_space<hbm>>) dst(%arg8 : memref<16x128xi32, #tpu.memory_space<vmem>>)
        tpu.yield
      }) : () -> ()
      %dma_start3A = arith.constant 0 : i32
      %dma_start3A_27 = arith.constant 0 : i32
      %dma_start3A_28 = tpu.memref_slice %arg7[%dma_start3A, %dma_start3A_27] : memref<16x128xi32, #tpu.memory_space<vmem>> -> memref<1x128xi32, #tpu.memory_space<vmem>>
      %dma_start3A_29 = tpu.memref_squeeze %dma_start3A_28 : memref<1x128xi32, #tpu.memory_space<vmem>> -> memref<128xi32, #tpu.memory_space<vmem>>
      %dma_start3A_30 = arith.constant 0 : i32
      %dma_start3A_31 = arith.constant 0 : i32
      %dma_start3A_32 = tpu.memref_slice %arg2[%dma_start3A_30, %dma_start3A_31] : memref<10240x128xf32, #tpu.memory_space<hbm>> -> memref<10240x128xf32, #tpu.memory_space<hbm>>
      tpu.enqueue_indirect_dma source(%dma_start3A_32 : memref<10240x128xf32, #tpu.memory_space<hbm>>) target(%arg9 : memref<128x128xf32, #tpu.memory_space<vmem>>) offsets(%dma_start3A_29 : memref<128xi32, #tpu.memory_space<vmem>>) semaphore(%arg12 : memref<!tpu.dma_semaphore, #tpu.memory_space<semaphore_mem>>)
      %scan3A_33 = arith.constant 0 : i32
      %scan3A_34 = arith.constant 8 : i32
      %scan3A_35 = arith.addi %scan3A_33, %scan3A_34 : i32
      %scan3A_36 = arith.constant 1 : i32
      scf.for %scan3A_38 = %scan3A_33 to %scan3A_35 step %scan3A_36  : i32 {
        %mul3A_39 = arith.constant 2 : i32
        %mul3A_40 = arith.muli %scan3A_38, %mul3A_39 : i32
        %add3A_41 = arith.constant 0 : i32
        %add3A_42 = arith.addi %add3A_41, %mul3A_40 : i32
        %dma_wait3A = arith.constant 0 : i32
        %dma_wait3A_43 = tpu.memref_slice %arg7[%add3A_42, %dma_wait3A] : memref<16x128xi32, #tpu.memory_space<vmem>> -> memref<1x128xi32, #tpu.memory_space<vmem>>
        %dma_wait3A_44 = tpu.memref_squeeze %dma_wait3A_43 : memref<1x128xi32, #tpu.memory_space<vmem>> -> memref<128xi32, #tpu.memory_space<vmem>>
        %dma_wait3A_45 = arith.constant 0 : i32
        %dma_wait3A_46 = arith.constant 0 : i32
        %dma_wait3A_47 = tpu.memref_slice %arg2[%dma_wait3A_45, %dma_wait3A_46] : memref<10240x128xf32, #tpu.memory_space<hbm>> -> memref<10240x128xf32, #tpu.memory_space<hbm>>
        tpu.wait_indirect_dma semaphore(%arg12 : memref<!tpu.dma_semaphore, #tpu.memory_space<semaphore_mem>>) src(%dma_wait3A_47 : memref<10240x128xf32, #tpu.memory_space<hbm>>) dst(%arg9 : memref<128x128xf32, #tpu.memory_space<vmem>>)
        %add3A_48 = arith.constant 1 : i32
        %add3A_49 = arith.addi %add3A_42, %add3A_48 : i32
        %dma_start3A_50 = arith.constant 0 : i32
        %dma_start3A_51 = tpu.memref_slice %arg7[%add3A_49, %dma_start3A_50] : memref<16x128xi32, #tpu.memory_space<vmem>> -> memref<1x128xi32, #tpu.memory_space<vmem>>
        %dma_start3A_52 = tpu.memref_squeeze %dma_start3A_51 : memref<1x128xi32, #tpu.memory_space<vmem>> -> memref<128xi32, #tpu.memory_space<vmem>>
        %dma_start3A_53 = arith.constant 0 : i32
        %dma_start3A_54 = arith.constant 0 : i32
        %dma_start3A_55 = tpu.memref_slice %arg2[%dma_start3A_53, %dma_start3A_54] : memref<10240x128xf32, #tpu.memory_space<hbm>> -> memref<10240x128xf32, #tpu.memory_space<hbm>>
        tpu.enqueue_indirect_dma source(%dma_start3A_55 : memref<10240x128xf32, #tpu.memory_space<hbm>>) target(%arg10 : memref<128x128xf32, #tpu.memory_space<vmem>>) offsets(%dma_start3A_52 : memref<128xi32, #tpu.memory_space<vmem>>) semaphore(%arg12 : memref<!tpu.dma_semaphore, #tpu.memory_space<semaphore_mem>>)
        "tpu.region"() ({
          %run_scoped3A = tpu.sem_alloc : memref<!tpu.dma_semaphore, #tpu.memory_space<semaphore_mem>>
          %dma_start3A_68 = arith.constant 0 : i32
          %dma_start3A_69 = tpu.memref_slice %arg8[%add3A_42, %dma_start3A_68] : memref<16x128xi32, #tpu.memory_space<vmem>> -> memref<1x128xi32, #tpu.memory_space<vmem>>
          %dma_start3A_70 = tpu.memref_squeeze %dma_start3A_69 : memref<1x128xi32, #tpu.memory_space<vmem>> -> memref<128xi32, #tpu.memory_space<vmem>>
          %dma_start3A_71 = arith.constant 0 : i32
          %dma_start3A_72 = arith.constant 0 : i32
          %dma_start3A_73 = tpu.memref_slice %arg11[%dma_start3A_71, %dma_start3A_72] : memref<10240x128xf32, #tpu.memory_space<vmem_shared>> -> memref<10240x128xf32, #tpu.memory_space<vmem_shared>>
          tpu.enqueue_indirect_dma source(%arg9 : memref<128x128xf32, #tpu.memory_space<vmem>>) target(%dma_start3A_73 : memref<10240x128xf32, #tpu.memory_space<vmem_shared>>) offsets(%dma_start3A_70 : memref<128xi32, #tpu.memory_space<vmem>>) semaphore(%run_scoped3A : memref<!tpu.dma_semaphore, #tpu.memory_space<semaphore_mem>>) {add = true}
          %dma_wait3A_74 = arith.constant 0 : i32
          %dma_wait3A_75 = tpu.memref_slice %arg8[%add3A_42, %dma_wait3A_74] : memref<16x128xi32, #tpu.memory_space<vmem>> -> memref<1x128xi32, #tpu.memory_space<vmem>>
          %dma_wait3A_76 = tpu.memref_squeeze %dma_wait3A_75 : memref<1x128xi32, #tpu.memory_space<vmem>> -> memref<128xi32, #tpu.memory_space<vmem>>
          %dma_wait3A_77 = arith.constant 0 : i32
          %dma_wait3A_78 = arith.constant 0 : i32
          %dma_wait3A_79 = tpu.memref_slice %arg11[%dma_wait3A_77, %dma_wait3A_78] : memref<10240x128xf32, #tpu.memory_space<vmem_shared>> -> memref<10240x128xf32, #tpu.memory_space<vmem_shared>>
          tpu.wait_indirect_dma semaphore(%run_scoped3A : memref<!tpu.dma_semaphore, #tpu.memory_space<semaphore_mem>>) src(%arg9 : memref<128x128xf32, #tpu.memory_space<vmem>>) dst(%dma_wait3A_79 : memref<10240x128xf32, #tpu.memory_space<vmem_shared>>)
          tpu.yield
        }) : () -> ()
        %dma_wait3A_56 = arith.constant 0 : i32
        %dma_wait3A_57 = tpu.memref_slice %arg7[%add3A_42, %dma_wait3A_56] : memref<16x128xi32, #tpu.memory_space<vmem>> -> memref<1x128xi32, #tpu.memory_space<vmem>>
        %dma_wait3A_58 = tpu.memref_squeeze %dma_wait3A_57 : memref<1x128xi32, #tpu.memory_space<vmem>> -> memref<128xi32, #tpu.memory_space<vmem>>
        %dma_wait3A_59 = arith.constant 0 : i32
        %dma_wait3A_60 = arith.constant 0 : i32
        %dma_wait3A_61 = tpu.memref_slice %arg2[%dma_wait3A_59, %dma_wait3A_60] : memref<10240x128xf32, #tpu.memory_space<hbm>> -> memref<10240x128xf32, #tpu.memory_space<hbm>>
        tpu.wait_indirect_dma semaphore(%arg12 : memref<!tpu.dma_semaphore, #tpu.memory_space<semaphore_mem>>) src(%dma_wait3A_61 : memref<10240x128xf32, #tpu.memory_space<hbm>>) dst(%arg10 : memref<128x128xf32, #tpu.memory_space<vmem>>)
        %add3A_62 = arith.constant 2 : i32
        %add3A_63 = arith.addi %add3A_42, %add3A_62 : i32
        %lt3A = arith.constant 16 : i32
        %lt3A_64 = arith.cmpi slt, %add3A_63, %lt3A : i32
        %convert_element_type3A = arith.extui %lt3A_64 : i1 to i32
        %cond3A = arith.constant 0 : i32
        %cond3A_65 = arith.cmpi ne, %convert_element_type3A, %cond3A : i32
        scf.if %cond3A_65 {
          %add3A_68 = arith.constant 2 : i32
          %add3A_69 = arith.addi %add3A_42, %add3A_68 : i32
          %dma_start3A_70 = arith.constant 0 : i32
          %dma_start3A_71 = tpu.memref_slice %arg7[%add3A_69, %dma_start3A_70] : memref<16x128xi32, #tpu.memory_space<vmem>> -> memref<1x128xi32, #tpu.memory_space<vmem>>
          %dma_start3A_72 = tpu.memref_squeeze %dma_start3A_71 : memref<1x128xi32, #tpu.memory_space<vmem>> -> memref<128xi32, #tpu.memory_space<vmem>>
          %dma_start3A_73 = arith.constant 0 : i32
          %dma_start3A_74 = arith.constant 0 : i32
          %dma_start3A_75 = tpu.memref_slice %arg2[%dma_start3A_73, %dma_start3A_74] : memref<10240x128xf32, #tpu.memory_space<hbm>> -> memref<10240x128xf32, #tpu.memory_space<hbm>>
          tpu.enqueue_indirect_dma source(%dma_start3A_75 : memref<10240x128xf32, #tpu.memory_space<hbm>>) target(%arg9 : memref<128x128xf32, #tpu.memory_space<vmem>>) offsets(%dma_start3A_72 : memref<128xi32, #tpu.memory_space<vmem>>) semaphore(%arg12 : memref<!tpu.dma_semaphore, #tpu.memory_space<semaphore_mem>>)
        } else {
        }
        %add3A_66 = arith.constant 1 : i32
        %add3A_67 = arith.addi %add3A_42, %add3A_66 : i32
        "tpu.region"() ({
          %run_scoped3A = tpu.sem_alloc : memref<!tpu.dma_semaphore, #tpu.memory_space<semaphore_mem>>
          %dma_start3A_68 = arith.constant 0 : i32
          %dma_start3A_69 = tpu.memref_slice %arg8[%add3A_67, %dma_start3A_68] : memref<16x128xi32, #tpu.memory_space<vmem>> -> memref<1x128xi32, #tpu.memory_space<vmem>>
          %dma_start3A_70 = tpu.memref_squeeze %dma_start3A_69 : memref<1x128xi32, #tpu.memory_space<vmem>> -> memref<128xi32, #tpu.memory_space<vmem>>
          %dma_start3A_71 = arith.constant 0 : i32
          %dma_start3A_72 = arith.constant 0 : i32
          %dma_start3A_73 = tpu.memref_slice %arg11[%dma_start3A_71, %dma_start3A_72] : memref<10240x128xf32, #tpu.memory_space<vmem_shared>> -> memref<10240x128xf32, #tpu.memory_space<vmem_shared>>
          tpu.enqueue_indirect_dma source(%arg10 : memref<128x128xf32, #tpu.memory_space<vmem>>) target(%dma_start3A_73 : memref<10240x128xf32, #tpu.memory_space<vmem_shared>>) offsets(%dma_start3A_70 : memref<128xi32, #tpu.memory_space<vmem>>) semaphore(%run_scoped3A : memref<!tpu.dma_semaphore, #tpu.memory_space<semaphore_mem>>) {add = true}
          %dma_wait3A_74 = arith.constant 0 : i32
          %dma_wait3A_75 = tpu.memref_slice %arg8[%add3A_67, %dma_wait3A_74] : memref<16x128xi32, #tpu.memory_space<vmem>> -> memref<1x128xi32, #tpu.memory_space<vmem>>
          %dma_wait3A_76 = tpu.memref_squeeze %dma_wait3A_75 : memref<1x128xi32, #tpu.memory_space<vmem>> -> memref<128xi32, #tpu.memory_space<vmem>>
          %dma_wait3A_77 = arith.constant 0 : i32
          %dma_wait3A_78 = arith.constant 0 : i32
          %dma_wait3A_79 = tpu.memref_slice %arg11[%dma_wait3A_77, %dma_wait3A_78] : memref<10240x128xf32, #tpu.memory_space<vmem_shared>> -> memref<10240x128xf32, #tpu.memory_space<vmem_shared>>
          tpu.wait_indirect_dma semaphore(%run_scoped3A : memref<!tpu.dma_semaphore, #tpu.memory_space<semaphore_mem>>) src(%arg10 : memref<128x128xf32, #tpu.memory_space<vmem>>) dst(%dma_wait3A_79 : memref<10240x128xf32, #tpu.memory_space<vmem_shared>>)
          tpu.yield
        }) : () -> ()
      }
      %scan3A_37 = arith.constant 8 : i32
    }
    %scan3A_6 = arith.constant 5 : i32
    %barrier3A_7 = arith.constant 0 : index
    tpu.barrier barrier_id(%barrier3A_7)
    %mul3A_8 = arith.constant 640 : i32
    %mul3A_9 = arith.muli %arg1, %mul3A_8 : i32
    %mul3A_10 = arith.constant 640 : i32
    %mul3A_11 = arith.muli %arg1, %mul3A_10 : i32
    "tpu.region"() ({
      %run_scoped3A = tpu.sem_alloc : memref<!tpu.dma_semaphore, #tpu.memory_space<semaphore_mem>>
      %dma_start3A = arith.constant 0 : i32
      %dma_start3A_12 = tpu.memref_slice %arg6[%arg0, %mul3A_11, %dma_start3A] : memref<2x10240x128xf32, #tpu.memory_space<hbm>> -> memref<1x640x128xf32, #tpu.memory_space<hbm>>
      %dma_start3A_13 = tpu.memref_squeeze %dma_start3A_12 : memref<1x640x128xf32, #tpu.memory_space<hbm>> -> memref<640x128xf32, #tpu.memory_space<hbm>>
      %dma_start3A_14 = arith.constant 0 : i32
      %dma_start3A_15 = tpu.memref_slice %arg11[%mul3A_9, %dma_start3A_14] : memref<10240x128xf32, #tpu.memory_space<vmem_shared>> -> memref<640x128xf32, #tpu.memory_space<vmem_shared>>
      tpu.enqueue_dma source(%dma_start3A_15 : memref<640x128xf32, #tpu.memory_space<vmem_shared>>) target(%dma_start3A_13 : memref<640x128xf32, #tpu.memory_space<hbm>>) target_semaphore(%run_scoped3A : memref<!tpu.dma_semaphore, #tpu.memory_space<semaphore_mem>>)
      %dma_wait3A = arith.constant 0 : i32
      %dma_wait3A_16 = tpu.memref_slice %arg6[%arg0, %mul3A_11, %dma_wait3A] : memref<2x10240x128xf32, #tpu.memory_space<hbm>> -> memref<1x640x128xf32, #tpu.memory_space<hbm>>
      %dma_wait3A_17 = tpu.memref_squeeze %dma_wait3A_16 : memref<1x640x128xf32, #tpu.memory_space<hbm>> -> memref<640x128xf32, #tpu.memory_space<hbm>>
      %dma_wait3A_18 = arith.constant 0 : i32
      %dma_wait3A_19 = tpu.memref_slice %arg11[%mul3A_9, %dma_wait3A_18] : memref<10240x128xf32, #tpu.memory_space<vmem_shared>> -> memref<640x128xf32, #tpu.memory_space<vmem_shared>>
      tpu.wait_dma2 semaphore(%run_scoped3A : memref<!tpu.dma_semaphore, #tpu.memory_space<semaphore_mem>>) src(%dma_wait3A_19 : memref<640x128xf32, #tpu.memory_space<vmem_shared>>) dst(%dma_wait3A_17 : memref<640x128xf32, #tpu.memory_space<hbm>>)
      tpu.yield
    }) : () -> ()
    return
  }
}

module attributes {stable_mosaic.version = 14 : i64} {
  func.func @body(%arg0: i32, %arg1: memref<2x2x1024x1xf32, #tpu.memory_space<vmem>>, %arg2: memref<1024x128xf32, #tpu.memory_space<vmem>>, %arg3: memref<1024x128xf32, #tpu.memory_space<vmem>>, %arg4: memref<1024x1xf32, #tpu.memory_space<vmem>>, %arg5: memref<1024x1xf32, #tpu.memory_space<vmem>>) attributes {dimension_semantics = [#tpu.dimension_semantics<arbitrary>], iteration_bounds = array<i64: 10>, scalar_prefetch = 0 : i64, scratch_operands = 0 : i64, tpu.core_type = #tpu.core_type<tc>, window_params = [{transform_indices = @transform_0, window_bounds = array<i64: 2, 2, 1024, 1>}, {transform_indices = @transform_1, window_bounds = array<i64: 1024, 128>}, {transform_indices = @transform_2, window_bounds = array<i64: 1024, 128>}, {transform_indices = @transform_3, window_bounds = array<i64: 1024, 1>}, {transform_indices = @transform_4, window_bounds = array<i64: 1024, 1>}]} {
    %get3A = arith.constant 0 : index
    %get3A_0 = arith.constant 0 : index
    %get3A_1 = arith.constant 0 : index
    %get3A_2 = arith.constant 0 : index
    %get3A_3 = vector.load %arg1[%get3A, %get3A_0, %get3A_1, %get3A_2] : memref<2x2x1024x1xf32, #tpu.memory_space<vmem>>, vector<2x2x1024x1xf32>
    %slice3A = vector.extract_strided_slice %get3A_3 {offsets = [0, 0, 0, 0], sizes = [1, 2, 1024, 1], strides = [1, 1, 1, 1]} : vector<2x2x1024x1xf32> to vector<1x2x1024x1xf32>
    %squeeze3A = vector.shape_cast %slice3A : vector<1x2x1024x1xf32> to vector<2x1024x1xf32>
    %slice3A_4 = vector.extract_strided_slice %get3A_3 {offsets = [1, 0, 0, 0], sizes = [1, 2, 1024, 1], strides = [1, 1, 1, 1]} : vector<2x2x1024x1xf32> to vector<1x2x1024x1xf32>
    %squeeze3A_5 = vector.shape_cast %slice3A_4 : vector<1x2x1024x1xf32> to vector<2x1024x1xf32>
    %add3A = arith.addf %squeeze3A, %squeeze3A_5 : vector<2x1024x1xf32>
    %slice3A_6 = vector.extract_strided_slice %add3A {offsets = [0, 0, 0], sizes = [1, 1024, 1], strides = [1, 1, 1]} : vector<2x1024x1xf32> to vector<1x1024x1xf32>
    %squeeze3A_7 = vector.shape_cast %slice3A_6 : vector<1x1024x1xf32> to vector<1024x1xf32>
    %max3A = arith.constant 1.000000e+00 : f32
    %max3A_8 = vector.broadcast %max3A : f32 to vector<1024x1xf32>
    %max3A_9 = arith.maximumf %squeeze3A_7, %max3A_8 : vector<1024x1xf32>
    %slice3A_10 = vector.extract_strided_slice %add3A {offsets = [1, 0, 0], sizes = [1, 1024, 1], strides = [1, 1, 1]} : vector<2x1024x1xf32> to vector<1x1024x1xf32>
    %squeeze3A_11 = vector.shape_cast %slice3A_10 : vector<1x1024x1xf32> to vector<1024x1xf32>
    %max3A_12 = arith.constant 1.000000e+00 : f32
    %max3A_13 = vector.broadcast %max3A_12 : f32 to vector<1024x1xf32>
    %max3A_14 = arith.maximumf %squeeze3A_11, %max3A_13 : vector<1024x1xf32>
    %rsqrt3A = math.rsqrt %max3A_9 : vector<1024x1xf32>
    %rsqrt3A_15 = math.rsqrt %max3A_14 : vector<1024x1xf32>
    %swap3A = arith.constant 0 : index
    %swap3A_16 = arith.constant 0 : index
    %swap3A_17 = vector.load %arg4[%swap3A, %swap3A_16] : memref<1024x1xf32, #tpu.memory_space<vmem>>, vector<1024x1xf32>
    tpu.vector_store %arg4[%swap3A, %swap3A_16], %rsqrt3A {strides = array<i32>} : memref<1024x1xf32, #tpu.memory_space<vmem>>, vector<1024x1xf32>,
    %swap3A_18 = arith.constant 0 : index
    %swap3A_19 = arith.constant 0 : index
    %swap3A_20 = vector.load %arg5[%swap3A_18, %swap3A_19] : memref<1024x1xf32, #tpu.memory_space<vmem>>, vector<1024x1xf32>
    tpu.vector_store %arg5[%swap3A_18, %swap3A_19], %rsqrt3A_15 {strides = array<i32>} : memref<1024x1xf32, #tpu.memory_space<vmem>>, vector<1024x1xf32>,
    %get3A_21 = arith.constant 0 : index
    %get3A_22 = arith.constant 0 : index
    %get3A_23 = vector.load %arg2[%get3A_21, %get3A_22] : memref<1024x128xf32, #tpu.memory_space<vmem>>, vector<1024x128xf32>
    %mul3A = vector.broadcast %rsqrt3A : vector<1024x1xf32> to vector<1024x128xf32>
    %mul3A_24 = arith.mulf %get3A_23, %mul3A : vector<1024x128xf32>
    %swap3A_25 = arith.constant 0 : index
    %swap3A_26 = arith.constant 0 : index
    %swap3A_27 = vector.load %arg3[%swap3A_25, %swap3A_26] : memref<1024x128xf32, #tpu.memory_space<vmem>>, vector<1024x128xf32>
    tpu.vector_store %arg3[%swap3A_25, %swap3A_26], %mul3A_24 {strides = array<i32>} : memref<1024x128xf32, #tpu.memory_space<vmem>>, vector<1024x128xf32>,
    return
  }
  func.func @transform_0(%arg0: i32) -> (i32, i32, i32, i32) {
    %c0_i32 = arith.constant 0 : i32
    %c0_i32_0 = arith.constant 0 : i32
    %c0_i32_1 = arith.constant 0 : i32
    %c0_i32_2 = arith.constant 0 : i32
    return %c0_i32, %c0_i32_0, %arg0, %c0_i32_1 : i32, i32, i32, i32
  }
  func.func @transform_1(%arg0: i32) -> (i32, i32) {
    %c0_i32 = arith.constant 0 : i32
    %c0_i32_0 = arith.constant 0 : i32
    return %arg0, %c0_i32 : i32, i32
  }
  func.func @transform_2(%arg0: i32) -> (i32, i32) {
    %c0_i32 = arith.constant 0 : i32
    %c0_i32_0 = arith.constant 0 : i32
    return %arg0, %c0_i32 : i32, i32
  }
  func.func @transform_3(%arg0: i32) -> (i32, i32) {
    %c0_i32 = arith.constant 0 : i32
    %c0_i32_0 = arith.constant 0 : i32
    return %arg0, %c0_i32 : i32, i32
  }
  func.func @transform_4(%arg0: i32) -> (i32, i32) {
    %c0_i32 = arith.constant 0 : i32
    %c0_i32_0 = arith.constant 0 : i32
    return %arg0, %c0_i32 : i32, i32
  }
}

module attributes {stable_mosaic.version = 14 : i64} {
  func.func @body(%arg0: i32, %arg1: memref<2x1024x128xf32, #tpu.memory_space<vmem>>, %arg2: memref<1024x1xf32, #tpu.memory_space<vmem>>, %arg3: memref<1024x1xf32, #tpu.memory_space<vmem>>, %arg4: memref<128x128xf32, #tpu.memory_space<vmem>>, %arg5: memref<1x128xf32, #tpu.memory_space<vmem>>, %arg6: memref<128x128xf32, #tpu.memory_space<vmem>>, %arg7: memref<1024x128xf32, #tpu.memory_space<vmem>>) attributes {dimension_semantics = [#tpu.dimension_semantics<arbitrary>], iteration_bounds = array<i64: 10>, scalar_prefetch = 0 : i64, scratch_operands = 0 : i64, tpu.core_type = #tpu.core_type<tc>, window_params = [{transform_indices = @transform_0, window_bounds = array<i64: 2, 1024, 128>}, {transform_indices = @transform_1, window_bounds = array<i64: 1024, 1>}, {transform_indices = @transform_2, window_bounds = array<i64: 1024, 1>}, {pipeline_mode = #tpu.pipeline_mode<synchronous>, transform_indices = @transform_3, window_bounds = array<i64: 128, 128>}, {pipeline_mode = #tpu.pipeline_mode<synchronous>, transform_indices = @transform_4, window_bounds = array<i64: 1, 128>}, {pipeline_mode = #tpu.pipeline_mode<synchronous>, transform_indices = @transform_5, window_bounds = array<i64: 128, 128>}, {transform_indices = @transform_6, window_bounds = array<i64: 1024, 128>}]} {
    %get3A = arith.constant 0 : index
    %get3A_0 = arith.constant 0 : index
    %get3A_1 = arith.constant 0 : index
    %get3A_2 = vector.load %arg1[%get3A, %get3A_0, %get3A_1] : memref<2x1024x128xf32, #tpu.memory_space<vmem>>, vector<1x1024x128xf32>
    %get3A_3 = vector.shape_cast %get3A_2 : vector<1x1024x128xf32> to vector<1024x128xf32>
    %get3A_4 = arith.constant 1 : index
    %get3A_5 = arith.constant 0 : index
    %get3A_6 = arith.constant 0 : index
    %get3A_7 = vector.load %arg1[%get3A_4, %get3A_5, %get3A_6] : memref<2x1024x128xf32, #tpu.memory_space<vmem>>, vector<1x1024x128xf32>
    %get3A_8 = vector.shape_cast %get3A_7 : vector<1x1024x128xf32> to vector<1024x128xf32>
    %add3A = arith.addf %get3A_3, %get3A_8 : vector<1024x128xf32>
    %get3A_9 = arith.constant 0 : index
    %get3A_10 = arith.constant 0 : index
    %get3A_11 = vector.load %arg3[%get3A_9, %get3A_10] : memref<1024x1xf32, #tpu.memory_space<vmem>>, vector<1024x1xf32>
    %mul3A = vector.broadcast %get3A_11 : vector<1024x1xf32> to vector<1024x128xf32>
    %mul3A_12 = arith.mulf %add3A, %mul3A : vector<1024x128xf32>
    %get3A_13 = arith.constant 0 : index
    %get3A_14 = arith.constant 0 : index
    %get3A_15 = vector.load %arg4[%get3A_13, %get3A_14] : memref<128x128xf32, #tpu.memory_space<vmem>>, vector<128x128xf32>
    %dot_general3A = arith.constant dense<0.000000e+00> : vector<1024x128xf32>
    %dot_general3A_16 = tpu.matmul %mul3A_12, %get3A_15, %dot_general3A {dimension_numbers = #tpu.dot_dimension_numbers<[1], [0], [0], [1], [0, 0, 1, 1], [], []>, transpose_lhs_hint = false} : vector<1024x128xf32>, vector<128x128xf32>, vector<1024x128xf32> -> vector<1024x128xf32>
    %get3A_17 = arith.constant 0 : index
    %get3A_18 = arith.constant 0 : index
    %get3A_19 = vector.load %arg5[%get3A_17, %get3A_18] : memref<1x128xf32, #tpu.memory_space<vmem>>, vector<1x128xf32>
    %add3A_20 = vector.broadcast %get3A_19 : vector<1x128xf32> to vector<1024x128xf32>
    %add3A_21 = arith.addf %dot_general3A_16, %add3A_20 : vector<1024x128xf32>
    %max3A = arith.constant 0.000000e+00 : f32
    %max3A_22 = vector.broadcast %max3A : f32 to vector<1024x128xf32>
    %max3A_23 = arith.maximumf %add3A_21, %max3A_22 : vector<1024x128xf32>
    %get3A_24 = arith.constant 0 : index
    %get3A_25 = arith.constant 0 : index
    %get3A_26 = vector.load %arg2[%get3A_24, %get3A_25] : memref<1024x1xf32, #tpu.memory_space<vmem>>, vector<1024x1xf32>
    %mul3A_27 = vector.broadcast %get3A_26 : vector<1024x1xf32> to vector<1024x128xf32>
    %mul3A_28 = arith.mulf %max3A_23, %mul3A_27 : vector<1024x128xf32>
    %get3A_29 = arith.constant 0 : index
    %get3A_30 = arith.constant 0 : index
    %get3A_31 = vector.load %arg6[%get3A_29, %get3A_30] : memref<128x128xf32, #tpu.memory_space<vmem>>, vector<128x128xf32>
    %dot_general3A_32 = arith.constant dense<0.000000e+00> : vector<1024x128xf32>
    %dot_general3A_33 = tpu.matmul %mul3A_28, %get3A_31, %dot_general3A_32 {dimension_numbers = #tpu.dot_dimension_numbers<[1], [0], [0], [1], [0, 0, 1, 1], [], []>, transpose_lhs_hint = false} : vector<1024x128xf32>, vector<128x128xf32>, vector<1024x128xf32> -> vector<1024x128xf32>
    %swap3A = arith.constant 0 : index
    %swap3A_34 = arith.constant 0 : index
    %swap3A_35 = vector.load %arg7[%swap3A, %swap3A_34] : memref<1024x128xf32, #tpu.memory_space<vmem>>, vector<1024x128xf32>
    tpu.vector_store %arg7[%swap3A, %swap3A_34], %dot_general3A_33 {strides = array<i32>} : memref<1024x128xf32, #tpu.memory_space<vmem>>, vector<1024x128xf32>,
    return
  }
  func.func @transform_0(%arg0: i32) -> (i32, i32, i32) {
    %c0_i32 = arith.constant 0 : i32
    %c0_i32_0 = arith.constant 0 : i32
    %c0_i32_1 = arith.constant 0 : i32
    return %c0_i32, %arg0, %c0_i32_0 : i32, i32, i32
  }
  func.func @transform_1(%arg0: i32) -> (i32, i32) {
    %c0_i32 = arith.constant 0 : i32
    %c0_i32_0 = arith.constant 0 : i32
    return %arg0, %c0_i32 : i32, i32
  }
  func.func @transform_2(%arg0: i32) -> (i32, i32) {
    %c0_i32 = arith.constant 0 : i32
    %c0_i32_0 = arith.constant 0 : i32
    return %arg0, %c0_i32 : i32, i32
  }
  func.func @transform_3(%arg0: i32) -> (i32, i32) {
    %c0_i32 = arith.constant 0 : i32
    %c0_i32_0 = arith.constant 0 : i32
    %c0_i32_1 = arith.constant 0 : i32
    return %c0_i32, %c0_i32_0 : i32, i32
  }
  func.func @transform_4(%arg0: i32) -> (i32, i32) {
    %c0_i32 = arith.constant 0 : i32
    %c0_i32_0 = arith.constant 0 : i32
    %c0_i32_1 = arith.constant 0 : i32
    return %c0_i32, %c0_i32_0 : i32, i32
  }
  func.func @transform_5(%arg0: i32) -> (i32, i32) {
    %c0_i32 = arith.constant 0 : i32
    %c0_i32_0 = arith.constant 0 : i32
    %c0_i32_1 = arith.constant 0 : i32
    return %c0_i32, %c0_i32_0 : i32, i32
  }
  func.func @transform_6(%arg0: i32) -> (i32, i32) {
    %c0_i32 = arith.constant 0 : i32
    %c0_i32_0 = arith.constant 0 : i32
    return %arg0, %c0_i32 : i32, i32
  }
}

module attributes {stable_mosaic.version = 14 : i64} {
  func.func @body(%arg0: i32, %arg1: memref<2x1024x128xf32, #tpu.memory_space<vmem>>, %arg2: memref<1024x1xf32, #tpu.memory_space<vmem>>, %arg3: memref<1x128xf32, #tpu.memory_space<vmem>>, %arg4: memref<128x64xf32, #tpu.memory_space<vmem>>, %arg5: memref<1x64xf32, #tpu.memory_space<vmem>>, %arg6: memref<1024x64xf32, #tpu.memory_space<vmem>>) attributes {dimension_semantics = [#tpu.dimension_semantics<arbitrary>], iteration_bounds = array<i64: 10>, scalar_prefetch = 0 : i64, scratch_operands = 0 : i64, tpu.core_type = #tpu.core_type<tc>, window_params = [{transform_indices = @transform_0, window_bounds = array<i64: 2, 1024, 128>}, {transform_indices = @transform_1, window_bounds = array<i64: 1024, 1>}, {pipeline_mode = #tpu.pipeline_mode<synchronous>, transform_indices = @transform_2, window_bounds = array<i64: 1, 128>}, {pipeline_mode = #tpu.pipeline_mode<synchronous>, transform_indices = @transform_3, window_bounds = array<i64: 128, 64>}, {pipeline_mode = #tpu.pipeline_mode<synchronous>, transform_indices = @transform_4, window_bounds = array<i64: 1, 64>}, {transform_indices = @transform_5, window_bounds = array<i64: 1024, 64>}]} {
    %get3A = arith.constant 0 : index
    %get3A_0 = arith.constant 0 : index
    %get3A_1 = arith.constant 0 : index
    %get3A_2 = vector.load %arg1[%get3A, %get3A_0, %get3A_1] : memref<2x1024x128xf32, #tpu.memory_space<vmem>>, vector<1x1024x128xf32>
    %get3A_3 = vector.shape_cast %get3A_2 : vector<1x1024x128xf32> to vector<1024x128xf32>
    %get3A_4 = arith.constant 1 : index
    %get3A_5 = arith.constant 0 : index
    %get3A_6 = arith.constant 0 : index
    %get3A_7 = vector.load %arg1[%get3A_4, %get3A_5, %get3A_6] : memref<2x1024x128xf32, #tpu.memory_space<vmem>>, vector<1x1024x128xf32>
    %get3A_8 = vector.shape_cast %get3A_7 : vector<1x1024x128xf32> to vector<1024x128xf32>
    %add3A = arith.addf %get3A_3, %get3A_8 : vector<1024x128xf32>
    %get3A_9 = arith.constant 0 : index
    %get3A_10 = arith.constant 0 : index
    %get3A_11 = vector.load %arg2[%get3A_9, %get3A_10] : memref<1024x1xf32, #tpu.memory_space<vmem>>, vector<1024x1xf32>
    %mul3A = vector.broadcast %get3A_11 : vector<1024x1xf32> to vector<1024x128xf32>
    %mul3A_12 = arith.mulf %add3A, %mul3A : vector<1024x128xf32>
    %get3A_13 = arith.constant 0 : index
    %get3A_14 = arith.constant 0 : index
    %get3A_15 = vector.load %arg3[%get3A_13, %get3A_14] : memref<1x128xf32, #tpu.memory_space<vmem>>, vector<1x128xf32>
    %add3A_16 = vector.broadcast %get3A_15 : vector<1x128xf32> to vector<1024x128xf32>
    %add3A_17 = arith.addf %mul3A_12, %add3A_16 : vector<1024x128xf32>
    %get3A_18 = arith.constant 0 : index
    %get3A_19 = arith.constant 0 : index
    %get3A_20 = vector.load %arg4[%get3A_18, %get3A_19] : memref<128x64xf32, #tpu.memory_space<vmem>>, vector<128x64xf32>
    %dot_general3A = arith.constant dense<0.000000e+00> : vector<1024x64xf32>
    %dot_general3A_21 = tpu.matmul %add3A_17, %get3A_20, %dot_general3A {dimension_numbers = #tpu.dot_dimension_numbers<[1], [0], [0], [1], [0, 0, 1, 1], [], []>, transpose_lhs_hint = false} : vector<1024x128xf32>, vector<128x64xf32>, vector<1024x64xf32> -> vector<1024x64xf32>
    %get3A_22 = arith.constant 0 : index
    %get3A_23 = arith.constant 0 : index
    %get3A_24 = vector.load %arg5[%get3A_22, %get3A_23] : memref<1x64xf32, #tpu.memory_space<vmem>>, vector<1x64xf32>
    %add3A_25 = vector.broadcast %get3A_24 : vector<1x64xf32> to vector<1024x64xf32>
    %add3A_26 = arith.addf %dot_general3A_21, %add3A_25 : vector<1024x64xf32>
    %swap3A = arith.constant 0 : index
    %swap3A_27 = arith.constant 0 : index
    %swap3A_28 = vector.load %arg6[%swap3A, %swap3A_27] : memref<1024x64xf32, #tpu.memory_space<vmem>>, vector<1024x64xf32>
    tpu.vector_store %arg6[%swap3A, %swap3A_27], %add3A_26 {strides = array<i32>} : memref<1024x64xf32, #tpu.memory_space<vmem>>, vector<1024x64xf32>,
    return
  }
  func.func @transform_0(%arg0: i32) -> (i32, i32, i32) {
    %c0_i32 = arith.constant 0 : i32
    %c0_i32_0 = arith.constant 0 : i32
    %c0_i32_1 = arith.constant 0 : i32
    return %c0_i32, %arg0, %c0_i32_0 : i32, i32, i32
  }
  func.func @transform_1(%arg0: i32) -> (i32, i32) {
    %c0_i32 = arith.constant 0 : i32
    %c0_i32_0 = arith.constant 0 : i32
    return %arg0, %c0_i32 : i32, i32
  }
  func.func @transform_2(%arg0: i32) -> (i32, i32) {
    %c0_i32 = arith.constant 0 : i32
    %c0_i32_0 = arith.constant 0 : i32
    %c0_i32_1 = arith.constant 0 : i32
    return %c0_i32, %c0_i32_0 : i32, i32
  }
  func.func @transform_3(%arg0: i32) -> (i32, i32) {
    %c0_i32 = arith.constant 0 : i32
    %c0_i32_0 = arith.constant 0 : i32
    %c0_i32_1 = arith.constant 0 : i32
    return %c0_i32, %c0_i32_0 : i32, i32
  }
  func.func @transform_4(%arg0: i32) -> (i32, i32) {
    %c0_i32 = arith.constant 0 : i32
    %c0_i32_0 = arith.constant 0 : i32
    %c0_i32_1 = arith.constant 0 : i32
    return %c0_i32, %c0_i32_0 : i32, i32
  }
  func.func @transform_5(%arg0: i32) -> (i32, i32) {
    %c0_i32 = arith.constant 0 : i32
    %c0_i32_0 = arith.constant 0 : i32
    return %arg0, %c0_i32 : i32, i32
  }
}

</mosaic_0001>

<sc_bundles>
// kernel: kernel.11.cloned.1.call-start
scs
__scs_entry_jumppad:
0x0: {  	(pc) =	sbr.rel $0x88, $3  }
0x1: {  	(tag) =	ssettag $0x0;
	lr =	simm.s32 $0x1  }
0x2: {  	[smem:$0x3F99] =	sst lr;
	_ =	strace $0xD0000000  }
0x3: {  	_ = 	snop  }
0x4: {  	_ = 	snop  }
0x5: {  	_ = 	snop  }
0x6: {  	_ = 	snop  }
0x7: {  	_ = 	snop  }
__scs_overlays_trampoline_lowered:
0x8: {  	[smem:$0x3FA8] =	sst s0  }
0x9: {  	[smem:$0x3FA9] =	sst s1  }
0xa: {  	[smem:$0x3FAA] =	sst s2  }
0xb: {  	[smem:$0x3FAB] =	sst s3  }
0xc: {  	[smem:$0x3FAC] =	sst s4  }
0xd: {  	[smem:$0x3FAD] =	sst s5  }
0xe: {  	[smem:$0x3FAE] =	sst s6  }
0xf: {  	[smem:$0x3FAF] =	sst s7  }
0x10: {  	[smem:$0x3FB0] =	sst s8  }
0x11: {  	[smem:$0x3FB1] =	sst s9;
	s0 =	simm.s32 @!p0 $0x0  }
0x12: {  	s1 =	sld [smem:$0x3F97];
	s0 =	simm.s32 @p0 $0x1  }
0x13: {  	[smem:$0x3FB2] =	sst s0;
	s0 =	simm.s32 @!p1 $0x0  }
0x14: {  	s2 =	sld [smem:$0x3F96];
	s0 =	simm.s32 @p1 $0x1  }
0x15: {  	[smem:$0x3FB3] =	sst s0;
	s0 =	simm.s32 @!p2 $0x0  }
0x16: {  	s3 =	sld [smem:$0x3FDB];
	s0 =	simm.s32 @p2 $0x1  }
0x17: {  	s4 =	simm.s32 $0x1BF5;
	[smem:$0x3FB5] =	sst s0  }
0x18: {  	s0 =	sld [smem:$0x3F98];
	_ =	swait.ge [sflag:s4], $0x0  }
0x19: {  	s7 =	sld [smem:$0x3F99]  }
0x1a: {  	s8 =	sadd.s32 $0xFFFFE003, lr  }
0x1b: {  	s9 =	sadd.s32 $0xFFFFFEF7, lr;
	s5 =	simm.s32 $0xFFFFFFFF;
	p2 =	slt.u32 s8, $0xFFFFF086  }
0x1c: {  	p1 =	slt.u32 s9, $0xF7A;
	s5 =	simm.s32 @!p2 $0x0  }
0x1d: {  	s5 =	simm.s32 @p1 $0x1;
	p0 =	seq.s32 s7, s2  }
0x1e: {  	s7 =	smul.u32 @!p0 $0xF7A, s2;
	p2 =	seq.s32 @!p0 s5, $0x0  }
0x1f: {  	s9 =	smul.u32 $0xF7A, s1;
	s8 =	simm.s32 @!p0 $0x1BF5;
	p2 =	por !p2, p0  }
0x20: {  	[sflag:s8] =	ssyncset.s32 @!p0 $0xFFFFF086;
	s6 =	sadd.s32 @!p0 s3, s7;
	s7 =	simm.s32 @!p0 $0x108  }
0x21: {  	s3 =	sadd.s32 s3, s9;
	s6 =	sadd.s32 @!p0 $0x88, s6;
	s7 =	simm.s32 @p2 $0x1082  }
0x22: {  	[simem:s7], [sflag:s8] =	dma.local @!p0 [hbm:s6], $0xF7A  }
0x23: {  	s9 =	sor.u32 $0xD0000000, s2;
	s6 =	simm.s32 $0x108;
	_ =	swait.ge @!p0 [sflag:s8], $0x0  }
0x24: {  	s3 =	sadd.s32 $0x88, s3;
	s6 =	simm.s32 @!p1 $0x1082;
	[sflag:s4] =	ssyncset.s32 $0xFFFFF086  }
0x25: {  	[simem:s6], [sflag:s4] =	dma.local [hbm:s3], $0xF7A  }
0x26: {  	[smem:$0x3F99] =	sst s1;
	(tag) =	ssettag s2;
	_ =	strace s9  }
0x27: {  	s1 =	sld [smem:$0x3FA9]  }
0x28: {  	s2 =	sld [smem:$0x3FAA]  }
0x29: {  	s4 =	sld [smem:$0x3FAC]  }
0x2a: {  	p0 =	seq.s32 s5, $0x0;
	s5 =	sld [smem:$0x3FAD]  }
0x2b: {  	s6 =	sld [smem:$0x3FAE]  }
0x2c: {  	s7 =	sld [smem:$0x3FAF]  }
0x2d: {  	s3 =	simm.s32 $0x108;
	s8 =	sld [smem:$0x3FB0]  }
0x2e: {  	s3 =	simm.s32 @!p0 $0x1082;
	s9 =	sld [smem:$0x3FB1]  }
0x2f: {  	lr =	sadd.s32 s0, s3;
	s0 =	sld [smem:$0x3FA8]  }
0x30: {  	s3 =	sld [smem:$0x3FAB]  }
0x31: {  	[smem:$0x3FB4] =	sst s10  }
0x32: {  	s10 =	sld [smem:$0x3FB2];
	_ =	sdelay $0x3  }
0x33: {  	p0 =	seq.s32 s10, $0x1;
	s10 =	sld [smem:$0x3FB4];
	_ =	sdelay $0x3  }
0x34: {  	[smem:$0x3FB4] =	sst s10  }
0x35: {  	s10 =	sld [smem:$0x3FB3];
	_ =	sdelay $0x3  }
0x36: {  	p1 =	seq.s32 s10, $0x1;
	s10 =	sld [smem:$0x3FB4];
	_ =	sdelay $0x3  }
0x37: {  	[smem:$0x3FB4] =	sst s10  }
0x38: {  	s10 =	sld [smem:$0x3FB5]  }
0x39: {  	_ = 	snop;
	(pc) =	sbr.ind lr, $3  }
0x3a: {  	_ = 	snop  }
0x3b: {  	_ = 	snop  }
0x3c: {  	p2 =	seq.s32 s10, $0x1;
	s10 =	sld [smem:$0x3FB4]  }
0x3d: {  	_ =	shalt  }
0x3e: {  	_ =	shalt  }
0x3f: {  	_ =	shalt  }
0x40: {  	_ =	shalt  }
0x41: {  	_ =	shalt  }
0x42: {  	_ =	shalt  }
0x43: {  	_ =	shalt  }
0x44: {  	_ =	shalt  }
0x45: {  	_ =	shalt  }
0x46: {  	_ =	shalt  }
0x47: {  	_ =	shalt  }
0x48: {  	_ =	shalt  }
0x49: {  	_ =	shalt  }
0x4a: {  	_ =	shalt  }
0x4b: {  	_ =	shalt  }
0x4c: {  	_ =	shalt  }
0x4d: {  	_ =	shalt  }
0x4e: {  	_ =	shalt  }
0x4f: {  	_ =	shalt  }
0x50: {  	_ =	shalt  }
0x51: {  	_ =	shalt  }
0x52: {  	_ =	shalt  }
0x53: {  	_ =	shalt  }
0x54: {  	_ =	shalt  }
0x55: {  	_ =	shalt  }
0x56: {  	_ =	shalt  }
0x57: {  	_ =	shalt  }
0x58: {  	_ =	shalt  }
0x59: {  	_ =	shalt  }
0x5a: {  	_ =	shalt  }
0x5b: {  	_ =	shalt  }
0x5c: {  	_ =	shalt  }
0x5d: {  	_ =	shalt  }
0x5e: {  	_ =	shalt  }
0x5f: {  	_ =	shalt  }
0x60: {  	_ =	shalt  }
0x61: {  	_ =	shalt  }
0x62: {  	_ =	shalt  }
0x63: {  	_ =	shalt  }
0x64: {  	_ =	shalt  }
0x65: {  	_ =	shalt  }
0x66: {  	_ =	shalt  }
0x67: {  	_ =	shalt  }
0x68: {  	_ =	shalt  }
0x69: {  	_ =	shalt  }
0x6a: {  	_ =	shalt  }
0x6b: {  	_ =	shalt  }
0x6c: {  	_ =	shalt  }
0x6d: {  	_ =	shalt  }
0x6e: {  	_ =	shalt  }
0x6f: {  	_ =	shalt  }
0x70: {  	_ =	shalt  }
0x71: {  	_ =	shalt  }
0x72: {  	_ =	shalt  }
0x73: {  	_ =	shalt  }
0x74: {  	_ =	shalt  }
0x75: {  	_ =	shalt  }
0x76: {  	_ =	shalt  }
0x77: {  	_ =	shalt  }
0x78: {  	_ =	shalt  }
0x79: {  	_ =	shalt  }
0x7a: {  	_ =	shalt  }
0x7b: {  	_ =	shalt  }
0x7c: {  	_ =	shalt  }
0x7d: {  	_ =	shalt  }
0x7e: {  	_ =	shalt  }
0x7f: {  	_ =	shalt  }
0x80: {  	_ =	shalt  }
0x81: {  	_ =	shalt  }
0x82: {  	_ =	shalt  }
0x83: {  	_ =	shalt  }
0x84: {  	_ =	shalt  }
0x85: {  	_ =	shalt  }
0x86: {  	_ =	shalt  }
0x87: {  	_ =	shalt  }
.Lfunc_end0:
.L_simem_size_0:
called_computation.1_lowered:
.L_overlay_start_0:
0x88: {  	s2 =	sld [smem:$0x3FD9]  }
0x89: {  	s3 =	sld [smem:$0x3FFE];
	_ =	sdelay $0x1  }
0x8a: {  	s1 =	srdreg.scid  }
0x8b: {  	s0 =	sand.u32 $0x1, s1  }
0x8c: {  	s17 =	sshll.u32 s0, $0xA;
	s2 =	sadd.s32 s3, s2  }
0x8d: {  	s2 =	sadd.s32 s2, s17  }
0x8e: {  	[smem:$0x3FC0] =	sst s2  }
0x8f: {  	_ = 	snop  }
0x90: {  	s2 =	sld [smem:$0x3FD0];
	(tm) =	ssettm $0x1  }
0x91: {  	s18 =	sld [smem:$0x3FFB];
	_ =	sdelay $0x3  }
0x92: {  	_ =	strace s18  }
0x93: {  	s3 =	sld [smem:$0x3FFC];
	_ =	sdelay $0x3  }
0x94: {  	_ =	strace s3  }
0x95: {  	s3 =	sld [smem:$0x3FFD];
	_ =	sdelay $0x3  }
0x96: {  	_ =	strace s3  }
0x97: {  	_ =	strace $0x8FFFFFFF  }
0x98: {  	s19 =	sld [smem:$0x3FDB];
	_ =	sdelay $0x1  }
0x99: {  	s4 =	simm.s32 $_scs_section_size  }
0x9a: {  	s5 =	simm.s32 $_size__tile_overlayer_lowered;
	s6 =	simm.s32 $_tile_overlayer_lowered  }
0x9b: {  	s22 =	simm.s32 $0x1BFF;
	s21 =	sshll.u32 s6, $0x1;
	s3 =	sadd.s32 s4, s19  }
0x9c: {  	s7 =	simm.s32 $0x0;
	s20 =	sshll.u32 s5, $0x1;
	s5 =	sadd.s32 s21, s3  }
0x9d: {  	[timem:s7], [sflag:s22] =	dma.local [hbm:s5], s20  }
0x9e: {  	_ =	swait.ge [sflag:s22], s20  }
0x9f: {  	s4 =	ssub.s32 $0x0, s20;
	[sflag:s22] =	ssyncset.done $0x0  }
0xa0: {  	[sflag:s22] =	ssyncadd.s32 s4;
	_ =	sdelay $0x1  }
0xa1: {  	s23 =	simm.s32 $0x1B8B  }
0xa2: {  	_ =	swait.ge [sflag:s23], $0x1  }
0xa3: {  	[sflag:s23] =	ssyncset.done $0x0  }
0xa4: {  	s25 =	simm.s32 $0x1B8E;
	s24 =	sld [smem:$0x3FFE];
	[sflag:s23] =	ssyncadd.s32 $0xFFFFFFFF  }
0xa5: {  	s26 =	simm.s32 $execute0_lowered;
	[smem:$0x3FD2] =	sst s25  }
0xa6: {  	s5 =	sshll.u32 s26, $0x1;
	_ =	strace $0x80000049;
	[dreg:$0x1] =	wrdreg $0xFFFFFFFF  }
0xa7: {  	s28 =	simm.s32 $_size_execute0_lowered;
	s3 =	sadd.s32 s3, s5;
	[dreg:$0x0] =	wrdreg $0x0  }
0xa8: {  	s5 =	sshll.u32 s28, $0x1;
	[dreg:$0x2] =	wrdreg s3  }
0xa9: {  	[dreg:$0x3] =	wrdreg s5  }
0xaa: {  	[dreg:$0x4] =	wrdreg $0xC0  }
0xab: {  	_ =	task [dreg:s7], $0x5FFFF  }
0xac: {  	[dreg:$0x1] =	wrdreg $0xFFFFFFFF  }
0xad: {  	[dreg:$0x0] =	wrdreg $0x60  }
0xae: {  	[dreg:$0x2] =	wrdreg s24  }
0xaf: {  	[dreg:$0x3] =	wrdreg s2  }
0xb0: {  	[dreg:$0x4] =	wrdreg $0x90000  }
0xb1: {  	[dreg:$0x5] =	wrdreg $0x9  }
0xb2: {  	_ =	task.clear_ibuf [dreg:s7], $0x6FFFF;
	_ =	strace $0x90000049  }
0xb3: {  	s29 =	simm.s32 $0x9;
	_ =	strace $0x8000004B  }
0xb4: {  	_ =	swait.ge [sflag:s29], $0x1  }
0xb5: {  	[sflag:s29] =	ssyncadd.s32 $0xFFFFFFFF  }
0xb6: {  	_ =	strace $0x9000004B  }
0xb7: {  	_ =	sfence  }
0xb8: {  	s30 =	sld [smem:$0x0];
	_ =	sdelay $0x2  }
0xb9: {  	s31 =	sshll.u32 s1, $0xD;
	s1 =	sshrl.u32 s1, $0x2  }
0xba: {  	s3 =	sand.u32 $0x4000, s31;
	s1 =	sadd.s32 s1, s30  }
0xbb: {  	s0 =	sor.u32 s3, s0;
	s1 =	sshll.u32 s1, $0x11  }
0xbc: {  	s0 =	sor.u32 s1, s0  }
0xbd: {  	s0 =	sadd.s32 $0x8F2B, s0  }
0xbe: {  	[sflag:s0] =	ssyncadd.remote.s32 $0x1  }
0xbf: {  	_ =	sfence.sel $0xFFFF  }
0xc0: {  	[dreg:$0x0] =	wrdreg $0xFFFFFFFF;
	(pc) =	sbr.abs _section_cstart, $3  }
0xc1: {  	[dreg:$0x1] =	wrdreg $0xFFFFFFFF  }
0xc2: {  	_ =	task.clear_ibuf [dreg:s7], $0x2FFFF;
	_ =	strace $0x9FFFFFFF  }
0xc3: {  	(tm) =	ssettm $0x7FFFFFFF  }
tec
execute0_lowered:
.L_overlay_start_1:
0x0: {  	(tag) =	ssettag $0x1  }
0x1: {  	s0 =	rddreg [dreg:$0x0];
	s1 =	srdreg.scid  }
0x2: {  	s5 =	rddreg [dreg:$0x1];
	s11 =	stileid.u32  }
0x3: {  	s2 =	rddreg [dreg:$0x2];
	s3 =	simm.s32 $0x0;
	s15 =	simm.s32 $0x100  }
0x4: {  	s17 =	simm.s32 $0x880;
	[smem:$0x7FF] =	sst s3;
	s10 =	sadd.s32 $0x34200, s0  }
0x5: {  	s18 =	simm.s32 $0x180;
	_ =	strace $0x8000004A;
	[dreg:$0x11] =	wrdreg s10  }
0x6: {  	s19 =	simm.s32 $0x900;
	s20 =	simm.s32 $0x200;
	[dreg:$0x6] =	wrdreg s15  }
0x7: {  	s21 =	simm.s32 $0x980;
	s22 =	simm.s32 $0x280;
	[dreg:$0x7] =	wrdreg s17  }
0x8: {  	s23 =	simm.s32 $0xA00;
	s24 =	simm.s32 $0x300;
	[dreg:$0x8] =	wrdreg s18  }
0x9: {  	s25 =	simm.s32 $0xA80;
	s28 =	simm.s32 $0x680;
	[dreg:$0x9] =	wrdreg s19  }
0xa: {  	s29 =	simm.s32 $0xE00;
	s30 =	simm.s32 $0x700;
	[dreg:$0xa] =	wrdreg s20  }
0xb: {  	s31 =	simm.s32 $0xE80;
	s6 =	smul.u32 $0x2800, s11;
	[dreg:$0xb] =	wrdreg s21  }
0xc: {  	s1 =	sand.u32 $0x1, s1;
	s8 =	smul.u32 $0x14000, s11;
	[dreg:$0xc] =	wrdreg s22  }
0xd: {  	s12 =	smul.u32 $0x50000, s11;
	s16 =	sshll.u32 s11, $0x6;
	[dreg:$0xd] =	wrdreg s23  }
0xe: {  	s11 =	simm.s32 $0x800;
	s4 =	smul.u32 $0x28000, s1;
	[dreg:$0xe] =	wrdreg s24  }
0xf: {  	s26 =	smul.u32 $0x140000, s1;
	s1 =	ssub.s32 $0x2, s1;
	[dreg:$0xf] =	wrdreg s25  }
0x10: {  	s15 =	simm.s32 $0x5000;
	s17 =	simm.s32 $0x400;
	s18 =	simm.s32 $0xB80  }
0x11: {  	s19 =	simm.s32 $0x480;
	s20 =	simm.s32 $0xC00;
	s21 =	simm.s32 $0x500  }
0x12: {  	s22 =	simm.s32 $0xC80;
	s23 =	simm.s32 $0x580;
	s24 =	simm.s32 $0xD00  }
0x13: {  	s25 =	simm.s32 $0x600;
	s10 =	sshrl.u32 s1, $0x1;
	s13 =	sshrl.u32 s12, $0x2  }
0x14: {  	s12 =	simm.s32 $0x80;
	s4 =	sadd.s32 s6, s4;
	s6 =	sadd.s32 s8, s26  }
0x15: {  	s1 =	ssub.s32 s1, s10;
	s10 =	simm.s32 $0x2;
	s26 =	simm.s32 $0x380  }
0x16: {  	s7 =	sshrl.u32 s4, $0x3;
	s4 =	sadd.s32 $0xC200, s0;
	s6 =	sshrl.u32 s6, $0x3  }
0x17: {  	s1 =	smax.u32 s1, $0x1;
	[dreg:$0x10] =	wrdreg s26;
	s26 =	simm.s32 $0xD80  }
0x18: {  	s9 =	sadd.s32 s7, s0;
	s0 =	sadd.s32 s6, s0;
	s5 =	sadd.s32 s7, s5  }
0x19: {  	s6 =	sadd.s32 s13, s2;
	s7 =	sor.u32 $0x1C02, s16;
	[dreg:$0x14] =	wrdreg s1  }
0x1a: {  	s13 =	simm.s32 $0x1000;
	s16 =	simm.s32 $0xB00;
	[dreg:$0x4] =	wrdreg s5  }
0x1b: {  	s1 =	simm.s32 $0x780;
	s14 =	sadd.s32 $0x2200, s9;
	[dreg:$0x12] =	wrdreg s7  }
0x1c: {  	s0 =	sadd.s32 $0x36A00, s0;
	s8 =	sshrl.u32 s6, $0x3;
	[dreg:$0x5] =	wrdreg s14  }
0x1d: {  	s5 =	simm.s32 $0xF80;
	s9 =	simm.s32 $0x0;
	[dreg:$0x13] =	wrdreg s0  }
0x1e: {  	s14 =	simm.s32 $0x1;
	s0 =	simm.s32 $0xF00;
	[dreg:$0x15] =	wrdreg s8  }
.LBB2_1:
0x1f: {  	[dreg:$0x16] =	wrdreg s9  }
0x20: {  	s6 =	rddreg [dreg:$0x11]  }
0x21: {  	[spmem:s8], [sflag:s7] =	dma.local [hbm:s6], $0x2800  }
0x22: {  	_ =	swait.ge [sflag:s10], $0x2800  }
0x23: {  	[sflag:s10] =	ssyncset.done $0x0  }
0x24: {  	[sflag:s10] =	ssyncadd.s32 $0xFFFFD800  }
0x25: {  	[bflag:$0x0] =	sbarrier.arrive $0xFFFF  }
0x26: {  	s7 =	rddreg [dreg:$0x5]  }
0x27: {  	s6 =	sadd.s32 $0x0, s7  }
0x28: {  	[tilespmem:s3], [sflag:$0x2] =	stream.linear.gather [hbm4b:s6+s3], $0x800, $0x38;
	[tilespmem:$0x1D000] =	vst v63  }
0x29: {  	_ =	swait.ge [sflag:s10], $0x800  }
0x2a: {  	s8 =	rddreg [dreg:$0x4];
	[sflag:s10] =	ssyncset.done $0x0  }
0x2b: {  	[sflag:s10] =	ssyncadd.s32 $0xFFFFF800;
	s6 =	sadd.s32 $0x0, s8  }
0x2c: {  	[tilespmem:s11], [sflag:$0x2] =	stream.linear.gather [hbm4b:s6+s3], $0x800, $0x38;
	[tilespmem:$0x1D000] =	vst v63  }
0x2d: {  	_ =	swait.ge [sflag:s10], $0x800  }
0x2e: {  	[sflag:s10] =	ssyncset.done $0x0  }
0x2f: {  	[sflag:s10] =	ssyncadd.s32 $0xFFFFF800  }
0x30: {  	[tilespmem:s13], [sflag:$0x1] =	stream.indirect.gather [hbm4b:s4+s12], $0x80, s3, s12, $0xb8;
	[tilespmem:$0x1D000] =	vst v63  }
0x31: {  	_ =	swait.ge [sflag:s14], $0x4000  }
0x32: {  	[sflag:s14] =	ssyncset.done $0x0  }
0x33: {  	[sflag:s14] =	ssyncadd.s32 $0xFFFFC000  }
0x34: {  	[tilespmem:s15], [sflag:$0x1] =	stream.indirect.gather [hbm4b:s4+s12], $0x80, s12, s12, $0xb8;
	[tilespmem:$0x1D000] =	vst v63  }
0x35: {  	_ = 	snop  }
0x36: {  	[spmem:s2] =	stream.indirect.scatter.add.f32 [tilespmem:s13], [sflag:$0x2], $0x80, s11, s12, $0xb8;
	[tilespmem:$0x1D000] =	vst v63  }
0x37: {  	_ =	swait.ge [sflag:s10], $0x4000  }
0x38: {  	[sflag:s10] =	ssyncset.done $0x0  }
0x39: {  	[sflag:s10] =	ssyncadd.s32 $0xFFFFC000  }
0x3a: {  	_ =	swait.ge [sflag:s14], $0x4000  }
0x3b: {  	[sflag:s14] =	ssyncset.done $0x0  }
0x3c: {  	s9 =	rddreg [dreg:$0x6];
	[sflag:s14] =	ssyncadd.s32 $0xFFFFC000  }
0x3d: {  	[tilespmem:s13], [sflag:$0x1] =	stream.indirect.gather [hbm4b:s4+s12], $0x80, s9, s12, $0xb8;
	[tilespmem:$0x1D000] =	vst v63  }
0x3e: {  	s7 =	rddreg [dreg:$0x7]  }
0x3f: {  	[spmem:s2] =	stream.indirect.scatter.add.f32 [tilespmem:s15], [sflag:$0x2], $0x80, s7, s12, $0xb8;
	[tilespmem:$0x1D000] =	vst v63  }
0x40: {  	_ =	swait.ge [sflag:s10], $0x4000  }
0x41: {  	[sflag:s10] =	ssyncset.done $0x0  }
0x42: {  	[sflag:s10] =	ssyncadd.s32 $0xFFFFC000  }
0x43: {  	_ =	swait.ge [sflag:s14], $0x4000  }
0x44: {  	[sflag:s14] =	ssyncset.done $0x0  }
0x45: {  	s9 =	rddreg [dreg:$0x8];
	[sflag:s14] =	ssyncadd.s32 $0xFFFFC000  }
0x46: {  	[tilespmem:s15], [sflag:$0x1] =	stream.indirect.gather [hbm4b:s4+s12], $0x80, s9, s12, $0xb8;
	[tilespmem:$0x1D000] =	vst v63  }
0x47: {  	s7 =	rddreg [dreg:$0x9]  }
0x48: {  	[spmem:s2] =	stream.indirect.scatter.add.f32 [tilespmem:s13], [sflag:$0x2], $0x80, s7, s12, $0xb8;
	[tilespmem:$0x1D000] =	vst v63  }
0x49: {  	_ =	swait.ge [sflag:s10], $0x4000  }
0x4a: {  	[sflag:s10] =	ssyncset.done $0x0  }
0x4b: {  	[sflag:s10] =	ssyncadd.s32 $0xFFFFC000  }
0x4c: {  	_ =	swait.ge [sflag:s14], $0x4000  }
0x4d: {  	[sflag:s14] =	ssyncset.done $0x0  }
0x4e: {  	s9 =	rddreg [dreg:$0xa];
	[sflag:s14] =	ssyncadd.s32 $0xFFFFC000  }
0x4f: {  	[tilespmem:s13], [sflag:$0x1] =	stream.indirect.gather [hbm4b:s4+s12], $0x80, s9, s12, $0xb8;
	[tilespmem:$0x1D000] =	vst v63  }
0x50: {  	s7 =	rddreg [dreg:$0xb]  }
0x51: {  	[spmem:s2] =	stream.indirect.scatter.add.f32 [tilespmem:s15], [sflag:$0x2], $0x80, s7, s12, $0xb8;
	[tilespmem:$0x1D000] =	vst v63  }
0x52: {  	_ =	swait.ge [sflag:s10], $0x4000  }
0x53: {  	[sflag:s10] =	ssyncset.done $0x0  }
0x54: {  	[sflag:s10] =	ssyncadd.s32 $0xFFFFC000  }
0x55: {  	_ =	swait.ge [sflag:s14], $0x4000  }
0x56: {  	[sflag:s14] =	ssyncset.done $0x0  }
0x57: {  	s9 =	rddreg [dreg:$0xc];
	[sflag:s14] =	ssyncadd.s32 $0xFFFFC000  }
0x58: {  	[tilespmem:s15], [sflag:$0x1] =	stream.indirect.gather [hbm4b:s4+s12], $0x80, s9, s12, $0xb8;
	[tilespmem:$0x1D000] =	vst v63  }
0x59: {  	s7 =	rddreg [dreg:$0xd]  }
0x5a: {  	[spmem:s2] =	stream.indirect.scatter.add.f32 [tilespmem:s13], [sflag:$0x2], $0x80, s7, s12, $0xb8;
	[tilespmem:$0x1D000] =	vst v63  }
0x5b: {  	_ =	swait.ge [sflag:s10], $0x4000  }
0x5c: {  	[sflag:s10] =	ssyncset.done $0x0  }
0x5d: {  	[sflag:s10] =	ssyncadd.s32 $0xFFFFC000  }
0x5e: {  	_ =	swait.ge [sflag:s14], $0x4000  }
0x5f: {  	[sflag:s14] =	ssyncset.done $0x0  }
0x60: {  	s9 =	rddreg [dreg:$0xe];
	[sflag:s14] =	ssyncadd.s32 $0xFFFFC000  }
0x61: {  	[tilespmem:s13], [sflag:$0x1] =	stream.indirect.gather [hbm4b:s4+s12], $0x80, s9, s12, $0xb8;
	[tilespmem:$0x1D000] =	vst v63  }
0x62: {  	s7 =	rddreg [dreg:$0xf]  }
0x63: {  	[spmem:s2] =	stream.indirect.scatter.add.f32 [tilespmem:s15], [sflag:$0x2], $0x80, s7, s12, $0xb8;
	[tilespmem:$0x1D000] =	vst v63  }
0x64: {  	_ =	swait.ge [sflag:s10], $0x4000  }
0x65: {  	[sflag:s10] =	ssyncset.done $0x0  }
0x66: {  	[sflag:s10] =	ssyncadd.s32 $0xFFFFC000  }
0x67: {  	_ =	swait.ge [sflag:s14], $0x4000  }
0x68: {  	[sflag:s14] =	ssyncset.done $0x0  }
0x69: {  	s9 =	rddreg [dreg:$0x10];
	[sflag:s14] =	ssyncadd.s32 $0xFFFFC000  }
0x6a: {  	[tilespmem:s15], [sflag:$0x1] =	stream.indirect.gather [hbm4b:s4+s12], $0x80, s9, s12, $0xb8;
	[tilespmem:$0x1D000] =	vst v63  }
0x6b: {  	_ = 	snop  }
0x6c: {  	[spmem:s2] =	stream.indirect.scatter.add.f32 [tilespmem:s13], [sflag:$0x2], $0x80, s16, s12, $0xb8;
	[tilespmem:$0x1D000] =	vst v63  }
0x6d: {  	_ =	swait.ge [sflag:s10], $0x4000  }
0x6e: {  	[sflag:s10] =	ssyncset.done $0x0  }
0x6f: {  	[sflag:s10] =	ssyncadd.s32 $0xFFFFC000  }
0x70: {  	_ =	swait.ge [sflag:s14], $0x4000  }
0x71: {  	[sflag:s14] =	ssyncset.done $0x0  }
0x72: {  	[sflag:s14] =	ssyncadd.s32 $0xFFFFC000  }
0x73: {  	[tilespmem:s13], [sflag:$0x1] =	stream.indirect.gather [hbm4b:s4+s12], $0x80, s17, s12, $0xb8;
	[tilespmem:$0x1D000] =	vst v63  }
0x74: {  	_ = 	snop  }
0x75: {  	[spmem:s2] =	stream.indirect.scatter.add.f32 [tilespmem:s15], [sflag:$0x2], $0x80, s18, s12, $0xb8;
	[tilespmem:$0x1D000] =	vst v63  }
0x76: {  	_ =	swait.ge [sflag:s10], $0x4000  }
0x77: {  	[sflag:s10] =	ssyncset.done $0x0  }
0x78: {  	[sflag:s10] =	ssyncadd.s32 $0xFFFFC000  }
0x79: {  	_ =	swait.ge [sflag:s14], $0x4000  }
0x7a: {  	[sflag:s14] =	ssyncset.done $0x0  }
0x7b: {  	[sflag:s14] =	ssyncadd.s32 $0xFFFFC000  }
0x7c: {  	[tilespmem:s15], [sflag:$0x1] =	stream.indirect.gather [hbm4b:s4+s12], $0x80, s19, s12, $0xb8;
	[tilespmem:$0x1D000] =	vst v63  }
0x7d: {  	_ = 	snop  }
0x7e: {  	[spmem:s2] =	stream.indirect.scatter.add.f32 [tilespmem:s13], [sflag:$0x2], $0x80, s20, s12, $0xb8;
	[tilespmem:$0x1D000] =	vst v63  }
0x7f: {  	_ =	swait.ge [sflag:s10], $0x4000  }
0x80: {  	[sflag:s10] =	ssyncset.done $0x0  }
0x81: {  	[sflag:s10] =	ssyncadd.s32 $0xFFFFC000  }
0x82: {  	_ =	swait.ge [sflag:s14], $0x4000  }
0x83: {  	[sflag:s14] =	ssyncset.done $0x0  }
0x84: {  	[sflag:s14] =	ssyncadd.s32 $0xFFFFC000  }
0x85: {  	[tilespmem:s13], [sflag:$0x1] =	stream.indirect.gather [hbm4b:s4+s12], $0x80, s21, s12, $0xb8;
	[tilespmem:$0x1D000] =	vst v63  }
0x86: {  	_ = 	snop  }
0x87: {  	[spmem:s2] =	stream.indirect.scatter.add.f32 [tilespmem:s15], [sflag:$0x2], $0x80, s22, s12, $0xb8;
	[tilespmem:$0x1D000] =	vst v63  }
0x88: {  	_ =	swait.ge [sflag:s10], $0x4000  }
0x89: {  	[sflag:s10] =	ssyncset.done $0x0  }
0x8a: {  	[sflag:s10] =	ssyncadd.s32 $0xFFFFC000  }
0x8b: {  	_ =	swait.ge [sflag:s14], $0x4000  }
0x8c: {  	[sflag:s14] =	ssyncset.done $0x0  }
0x8d: {  	[sflag:s14] =	ssyncadd.s32 $0xFFFFC000  }
0x8e: {  	[tilespmem:s15], [sflag:$0x1] =	stream.indirect.gather [hbm4b:s4+s12], $0x80, s23, s12, $0xb8;
	[tilespmem:$0x1D000] =	vst v63  }
0x8f: {  	_ = 	snop  }
0x90: {  	[spmem:s2] =	stream.indirect.scatter.add.f32 [tilespmem:s13], [sflag:$0x2], $0x80, s24, s12, $0xb8;
	[tilespmem:$0x1D000] =	vst v63  }
0x91: {  	_ =	swait.ge [sflag:s10], $0x4000  }
0x92: {  	[sflag:s10] =	ssyncset.done $0x0  }
0x93: {  	[sflag:s10] =	ssyncadd.s32 $0xFFFFC000  }
0x94: {  	_ =	swait.ge [sflag:s14], $0x4000  }
0x95: {  	[sflag:s14] =	ssyncset.done $0x0  }
0x96: {  	[sflag:s14] =	ssyncadd.s32 $0xFFFFC000  }
0x97: {  	[tilespmem:s13], [sflag:$0x1] =	stream.indirect.gather [hbm4b:s4+s12], $0x80, s25, s12, $0xb8;
	[tilespmem:$0x1D000] =	vst v63  }
0x98: {  	_ = 	snop  }
0x99: {  	[spmem:s2] =	stream.indirect.scatter.add.f32 [tilespmem:s15], [sflag:$0x2], $0x80, s26, s12, $0xb8;
	[tilespmem:$0x1D000] =	vst v63  }
0x9a: {  	_ =	swait.ge [sflag:s10], $0x4000  }
0x9b: {  	[sflag:s10] =	ssyncset.done $0x0  }
0x9c: {  	[sflag:s10] =	ssyncadd.s32 $0xFFFFC000  }
0x9d: {  	_ =	swait.ge [sflag:s14], $0x4000  }
0x9e: {  	[sflag:s14] =	ssyncset.done $0x0  }
0x9f: {  	[sflag:s14] =	ssyncadd.s32 $0xFFFFC000  }
0xa0: {  	[tilespmem:s15], [sflag:$0x1] =	stream.indirect.gather [hbm4b:s4+s12], $0x80, s28, s12, $0xb8;
	[tilespmem:$0x1D000] =	vst v63  }
0xa1: {  	_ = 	snop  }
0xa2: {  	[spmem:s2] =	stream.indirect.scatter.add.f32 [tilespmem:s13], [sflag:$0x2], $0x80, s29, s12, $0xb8;
	[tilespmem:$0x1D000] =	vst v63  }
0xa3: {  	_ =	swait.ge [sflag:s10], $0x4000  }
0xa4: {  	[sflag:s10] =	ssyncset.done $0x0  }
0xa5: {  	[sflag:s10] =	ssyncadd.s32 $0xFFFFC000  }
0xa6: {  	_ =	swait.ge [sflag:s14], $0x4000  }
0xa7: {  	[sflag:s14] =	ssyncset.done $0x0  }
0xa8: {  	[sflag:s14] =	ssyncadd.s32 $0xFFFFC000  }
0xa9: {  	[tilespmem:s13], [sflag:$0x1] =	stream.indirect.gather [hbm4b:s4+s12], $0x80, s30, s12, $0xb8;
	[tilespmem:$0x1D000] =	vst v63  }
0xaa: {  	_ = 	snop  }
0xab: {  	[spmem:s2] =	stream.indirect.scatter.add.f32 [tilespmem:s15], [sflag:$0x2], $0x80, s31, s12, $0xb8;
	[tilespmem:$0x1D000] =	vst v63  }
0xac: {  	_ =	swait.ge [sflag:s10], $0x4000  }
0xad: {  	[sflag:s10] =	ssyncset.done $0x0  }
0xae: {  	[sflag:s10] =	ssyncadd.s32 $0xFFFFC000  }
0xaf: {  	_ =	swait.ge [sflag:s14], $0x4000  }
0xb0: {  	[sflag:s14] =	ssyncset.done $0x0  }
0xb1: {  	[sflag:s14] =	ssyncadd.s32 $0xFFFFC000  }
0xb2: {  	[tilespmem:s15], [sflag:$0x1] =	stream.indirect.gather [hbm4b:s4+s12], $0x80, s1, s12, $0xb8;
	[tilespmem:$0x1D000] =	vst v63  }
0xb3: {  	_ = 	snop  }
0xb4: {  	[spmem:s2] =	stream.indirect.scatter.add.f32 [tilespmem:s13], [sflag:$0x2], $0x80, s0, s12, $0xb8;
	[tilespmem:$0x1D000] =	vst v63  }
0xb5: {  	_ =	swait.ge [sflag:s10], $0x4000  }
0xb6: {  	[sflag:s10] =	ssyncset.done $0x0  }
0xb7: {  	[sflag:s10] =	ssyncadd.s32 $0xFFFFC000  }
0xb8: {  	_ =	swait.ge [sflag:s14], $0x4000  }
0xb9: {  	[sflag:s14] =	ssyncset.done $0x0  }
0xba: {  	[sflag:s14] =	ssyncadd.s32 $0xFFFFC000  }
0xbb: {  	[spmem:s2] =	stream.indirect.scatter.add.f32 [tilespmem:s15], [sflag:$0x2], $0x80, s5, s12, $0xb8;
	[tilespmem:$0x1D000] =	vst v63  }
0xbc: {  	s8 =	simm.s32 $0x100;
	_ =	swait.ge [sflag:s10], $0x4000  }
0xbd: {  	s6 =	simm.s32 $0x200;
	s9 =	rddreg [dreg:$0x5];
	[sflag:s10] =	ssyncset.done $0x0  }
.LBB2_2:
0xbe: {  	[sflag:s10] =	ssyncadd.s32 $0xFFFFC000;
	s9 =	sadd.s32 s8, s9  }
0xbf: {  	[tilespmem:s3], [sflag:$0x2] =	stream.linear.gather [hbm4b:s9+s3], $0x800, $0x38;
	[tilespmem:$0x1D000] =	vst v63  }
0xc0: {  	_ =	swait.ge [sflag:s10], $0x800  }
0xc1: {  	s9 =	rddreg [dreg:$0x4];
	[sflag:s10] =	ssyncset.done $0x0  }
0xc2: {  	[sflag:s10] =	ssyncadd.s32 $0xFFFFF800;
	s9 =	sadd.s32 s8, s9  }
0xc3: {  	[tilespmem:s11], [sflag:$0x2] =	stream.linear.gather [hbm4b:s9+s3], $0x800, $0x38;
	[tilespmem:$0x1D000] =	vst v63  }
0xc4: {  	_ =	swait.ge [sflag:s10], $0x800  }
0xc5: {  	[sflag:s10] =	ssyncset.done $0x0  }
0xc6: {  	[sflag:s10] =	ssyncadd.s32 $0xFFFFF800  }
0xc7: {  	[tilespmem:s13], [sflag:$0x1] =	stream.indirect.gather [hbm4b:s4+s12], $0x80, s3, s12, $0xb8;
	[tilespmem:$0x1D000] =	vst v63  }
0xc8: {  	_ =	swait.ge [sflag:s14], $0x4000  }
0xc9: {  	[sflag:s14] =	ssyncset.done $0x0  }
0xca: {  	[sflag:s14] =	ssyncadd.s32 $0xFFFFC000  }
0xcb: {  	[tilespmem:s15], [sflag:$0x1] =	stream.indirect.gather [hbm4b:s4+s12], $0x80, s12, s12, $0xb8;
	[tilespmem:$0x1D000] =	vst v63  }
0xcc: {  	_ = 	snop  }
0xcd: {  	[spmem:s2] =	stream.indirect.scatter.add.f32 [tilespmem:s13], [sflag:$0x2], $0x80, s11, s12, $0xb8;
	[tilespmem:$0x1D000] =	vst v63  }
0xce: {  	_ =	swait.ge [sflag:s10], $0x4000  }
0xcf: {  	[sflag:s10] =	ssyncset.done $0x0  }
0xd0: {  	[sflag:s10] =	ssyncadd.s32 $0xFFFFC000  }
0xd1: {  	_ =	swait.ge [sflag:s14], $0x4000  }
0xd2: {  	s7 =	smov.u32 s6;
	[sflag:s14] =	ssyncset.done $0x0  }
0xd3: {  	s8 =	smov.u32 s7;
	s7 =	rddreg [dreg:$0x6];
	[sflag:s14] =	ssyncadd.s32 $0xFFFFC000  }
0xd4: {  	[tilespmem:s13], [sflag:$0x1] =	stream.indirect.gather [hbm4b:s4+s12], $0x80, s7, s12, $0xb8;
	[tilespmem:$0x1D000] =	vst v63  }
0xd5: {  	s9 =	rddreg [dreg:$0x7]  }
0xd6: {  	[spmem:s2] =	stream.indirect.scatter.add.f32 [tilespmem:s15], [sflag:$0x2], $0x80, s9, s12, $0xb8;
	[tilespmem:$0x1D000] =	vst v63  }
0xd7: {  	_ =	swait.ge [sflag:s10], $0x4000  }
0xd8: {  	[sflag:s10] =	ssyncset.done $0x0  }
0xd9: {  	[sflag:s10] =	ssyncadd.s32 $0xFFFFC000  }
0xda: {  	_ =	swait.ge [sflag:s14], $0x4000  }
0xdb: {  	[sflag:s14] =	ssyncset.done $0x0  }
0xdc: {  	s7 =	rddreg [dreg:$0x8];
	[sflag:s14] =	ssyncadd.s32 $0xFFFFC000  }
0xdd: {  	[tilespmem:s15], [sflag:$0x1] =	stream.indirect.gather [hbm4b:s4+s12], $0x80, s7, s12, $0xb8;
	[tilespmem:$0x1D000] =	vst v63  }
0xde: {  	s9 =	rddreg [dreg:$0x9]  }
0xdf: {  	[spmem:s2] =	stream.indirect.scatter.add.f32 [tilespmem:s13], [sflag:$0x2], $0x80, s9, s12, $0xb8;
	[tilespmem:$0x1D000] =	vst v63  }
0xe0: {  	_ =	swait.ge [sflag:s10], $0x4000  }
0xe1: {  	[sflag:s10] =	ssyncset.done $0x0  }
0xe2: {  	[sflag:s10] =	ssyncadd.s32 $0xFFFFC000  }
0xe3: {  	_ =	swait.ge [sflag:s14], $0x4000  }
0xe4: {  	[sflag:s14] =	ssyncset.done $0x0  }
0xe5: {  	s7 =	rddreg [dreg:$0xa];
	[sflag:s14] =	ssyncadd.s32 $0xFFFFC000  }
0xe6: {  	[tilespmem:s13], [sflag:$0x1] =	stream.indirect.gather [hbm4b:s4+s12], $0x80, s7, s12, $0xb8;
	[tilespmem:$0x1D000] =	vst v63  }
0xe7: {  	s9 =	rddreg [dreg:$0xb]  }
0xe8: {  	[spmem:s2] =	stream.indirect.scatter.add.f32 [tilespmem:s15], [sflag:$0x2], $0x80, s9, s12, $0xb8;
	[tilespmem:$0x1D000] =	vst v63  }
0xe9: {  	_ =	swait.ge [sflag:s10], $0x4000  }
0xea: {  	[sflag:s10] =	ssyncset.done $0x0  }
0xeb: {  	[sflag:s10] =	ssyncadd.s32 $0xFFFFC000  }
0xec: {  	_ =	swait.ge [sflag:s14], $0x4000  }
0xed: {  	[sflag:s14] =	ssyncset.done $0x0  }
0xee: {  	s7 =	rddreg [dreg:$0xc];
	[sflag:s14] =	ssyncadd.s32 $0xFFFFC000  }
0xef: {  	[tilespmem:s15], [sflag:$0x1] =	stream.indirect.gather [hbm4b:s4+s12], $0x80, s7, s12, $0xb8;
	[tilespmem:$0x1D000] =	vst v63  }
0xf0: {  	s9 =	rddreg [dreg:$0xd]  }
0xf1: {  	[spmem:s2] =	stream.indirect.scatter.add.f32 [tilespmem:s13], [sflag:$0x2], $0x80, s9, s12, $0xb8;
	[tilespmem:$0x1D000] =	vst v63  }
0xf2: {  	_ =	swait.ge [sflag:s10], $0x4000  }
0xf3: {  	[sflag:s10] =	ssyncset.done $0x0  }
0xf4: {  	[sflag:s10] =	ssyncadd.s32 $0xFFFFC000  }
0xf5: {  	_ =	swait.ge [sflag:s14], $0x4000  }
0xf6: {  	[sflag:s14] =	ssyncset.done $0x0  }
0xf7: {  	s7 =	rddreg [dreg:$0xe];
	[sflag:s14] =	ssyncadd.s32 $0xFFFFC000  }
0xf8: {  	[tilespmem:s13], [sflag:$0x1] =	stream.indirect.gather [hbm4b:s4+s12], $0x80, s7, s12, $0xb8;
	[tilespmem:$0x1D000] =	vst v63  }
0xf9: {  	s9 =	rddreg [dreg:$0xf]  }
0xfa: {  	[spmem:s2] =	stream.indirect.scatter.add.f32 [tilespmem:s15], [sflag:$0x2], $0x80, s9, s12, $0xb8;
	[tilespmem:$0x1D000] =	vst v63  }
0xfb: {  	_ =	swait.ge [sflag:s10], $0x4000  }
0xfc: {  	[sflag:s10] =	ssyncset.done $0x0  }
0xfd: {  	[sflag:s10] =	ssyncadd.s32 $0xFFFFC000  }
0xfe: {  	_ =	swait.ge [sflag:s14], $0x4000  }
0xff: {  	[sflag:s14] =	ssyncset.done $0x0  }
0x100: {  	s9 =	rddreg [dreg:$0x10];
	[sflag:s14] =	ssyncadd.s32 $0xFFFFC000  }
0x101: {  	[tilespmem:s15], [sflag:$0x1] =	stream.indirect.gather [hbm4b:s4+s12], $0x80, s9, s12, $0xb8;
	[tilespmem:$0x1D000] =	vst v63  }
0x102: {  	_ = 	snop  }
0x103: {  	[spmem:s2] =	stream.indirect.scatter.add.f32 [tilespmem:s13], [sflag:$0x2], $0x80, s16, s12, $0xb8;
	[tilespmem:$0x1D000] =	vst v63  }
0x104: {  	_ =	swait.ge [sflag:s10], $0x4000  }
0x105: {  	[sflag:s10] =	ssyncset.done $0x0  }
0x106: {  	[sflag:s10] =	ssyncadd.s32 $0xFFFFC000  }
0x107: {  	_ =	swait.ge [sflag:s14], $0x4000  }
0x108: {  	[sflag:s14] =	ssyncset.done $0x0  }
0x109: {  	[sflag:s14] =	ssyncadd.s32 $0xFFFFC000  }
0x10a: {  	[tilespmem:s13], [sflag:$0x1] =	stream.indirect.gather [hbm4b:s4+s12], $0x80, s17, s12, $0xb8;
	[tilespmem:$0x1D000] =	vst v63  }
0x10b: {  	_ = 	snop  }
0x10c: {  	[spmem:s2] =	stream.indirect.scatter.add.f32 [tilespmem:s15], [sflag:$0x2], $0x80, s18, s12, $0xb8;
	[tilespmem:$0x1D000] =	vst v63  }
0x10d: {  	_ =	swait.ge [sflag:s10], $0x4000  }
0x10e: {  	[sflag:s10] =	ssyncset.done $0x0  }
0x10f: {  	[sflag:s10] =	ssyncadd.s32 $0xFFFFC000  }
0x110: {  	_ =	swait.ge [sflag:s14], $0x4000  }
0x111: {  	[sflag:s14] =	ssyncset.done $0x0  }
0x112: {  	[sflag:s14] =	ssyncadd.s32 $0xFFFFC000  }
0x113: {  	[tilespmem:s15], [sflag:$0x1] =	stream.indirect.gather [hbm4b:s4+s12], $0x80, s19, s12, $0xb8;
	[tilespmem:$0x1D000] =	vst v63  }
0x114: {  	_ = 	snop  }
0x115: {  	[spmem:s2] =	stream.indirect.scatter.add.f32 [tilespmem:s13], [sflag:$0x2], $0x80, s20, s12, $0xb8;
	[tilespmem:$0x1D000] =	vst v63  }
0x116: {  	_ =	swait.ge [sflag:s10], $0x4000  }
0x117: {  	[sflag:s10] =	ssyncset.done $0x0  }
0x118: {  	[sflag:s10] =	ssyncadd.s32 $0xFFFFC000  }
0x119: {  	_ =	swait.ge [sflag:s14], $0x4000  }
0x11a: {  	[sflag:s14] =	ssyncset.done $0x0  }
0x11b: {  	[sflag:s14] =	ssyncadd.s32 $0xFFFFC000  }
0x11c: {  	[tilespmem:s13], [sflag:$0x1] =	stream.indirect.gather [hbm4b:s4+s12], $0x80, s21, s12, $0xb8;
	[tilespmem:$0x1D000] =	vst v63  }
0x11d: {  	_ = 	snop  }
0x11e: {  	[spmem:s2] =	stream.indirect.scatter.add.f32 [tilespmem:s15], [sflag:$0x2], $0x80, s22, s12, $0xb8;
	[tilespmem:$0x1D000] =	vst v63  }
0x11f: {  	_ =	swait.ge [sflag:s10], $0x4000  }
0x120: {  	[sflag:s10] =	ssyncset.done $0x0  }
0x121: {  	[sflag:s10] =	ssyncadd.s32 $0xFFFFC000  }
0x122: {  	_ =	swait.ge [sflag:s14], $0x4000  }
0x123: {  	[sflag:s14] =	ssyncset.done $0x0  }
0x124: {  	[sflag:s14] =	ssyncadd.s32 $0xFFFFC000  }
0x125: {  	[tilespmem:s15], [sflag:$0x1] =	stream.indirect.gather [hbm4b:s4+s12], $0x80, s23, s12, $0xb8;
	[tilespmem:$0x1D000] =	vst v63  }
0x126: {  	_ = 	snop  }
0x127: {  	[spmem:s2] =	stream.indirect.scatter.add.f32 [tilespmem:s13], [sflag:$0x2], $0x80, s24, s12, $0xb8;
	[tilespmem:$0x1D000] =	vst v63  }
0x128: {  	_ =	swait.ge [sflag:s10], $0x4000  }
0x129: {  	[sflag:s10] =	ssyncset.done $0x0  }
0x12a: {  	[sflag:s10] =	ssyncadd.s32 $0xFFFFC000  }
0x12b: {  	_ =	swait.ge [sflag:s14], $0x4000  }
0x12c: {  	[sflag:s14] =	ssyncset.done $0x0  }
0x12d: {  	[sflag:s14] =	ssyncadd.s32 $0xFFFFC000  }
0x12e: {  	[tilespmem:s13], [sflag:$0x1] =	stream.indirect.gather [hbm4b:s4+s12], $0x80, s25, s12, $0xb8;
	[tilespmem:$0x1D000] =	vst v63  }
0x12f: {  	_ = 	snop  }
0x130: {  	[spmem:s2] =	stream.indirect.scatter.add.f32 [tilespmem:s15], [sflag:$0x2], $0x80, s26, s12, $0xb8;
	[tilespmem:$0x1D000] =	vst v63  }
0x131: {  	_ =	swait.ge [sflag:s10], $0x4000  }
0x132: {  	[sflag:s10] =	ssyncset.done $0x0  }
0x133: {  	[sflag:s10] =	ssyncadd.s32 $0xFFFFC000  }
0x134: {  	_ =	swait.ge [sflag:s14], $0x4000  }
0x135: {  	[sflag:s14] =	ssyncset.done $0x0  }
0x136: {  	[sflag:s14] =	ssyncadd.s32 $0xFFFFC000  }
0x137: {  	[tilespmem:s15], [sflag:$0x1] =	stream.indirect.gather [hbm4b:s4+s12], $0x80, s28, s12, $0xb8;
	[tilespmem:$0x1D000] =	vst v63  }
0x138: {  	_ = 	snop  }
0x139: {  	[spmem:s2] =	stream.indirect.scatter.add.f32 [tilespmem:s13], [sflag:$0x2], $0x80, s29, s12, $0xb8;
	[tilespmem:$0x1D000] =	vst v63  }
0x13a: {  	_ =	swait.ge [sflag:s10], $0x4000  }
0x13b: {  	[sflag:s10] =	ssyncset.done $0x0  }
0x13c: {  	[sflag:s10] =	ssyncadd.s32 $0xFFFFC000  }
0x13d: {  	_ =	swait.ge [sflag:s14], $0x4000  }
0x13e: {  	[sflag:s14] =	ssyncset.done $0x0  }
0x13f: {  	[sflag:s14] =	ssyncadd.s32 $0xFFFFC000  }
0x140: {  	[tilespmem:s13], [sflag:$0x1] =	stream.indirect.gather [hbm4b:s4+s12], $0x80, s30, s12, $0xb8;
	[tilespmem:$0x1D000] =	vst v63  }
0x141: {  	_ = 	snop  }
0x142: {  	[spmem:s2] =	stream.indirect.scatter.add.f32 [tilespmem:s15], [sflag:$0x2], $0x80, s31, s12, $0xb8;
	[tilespmem:$0x1D000] =	vst v63  }
0x143: {  	_ =	swait.ge [sflag:s10], $0x4000  }
0x144: {  	[sflag:s10] =	ssyncset.done $0x0  }
0x145: {  	[sflag:s10] =	ssyncadd.s32 $0xFFFFC000  }
0x146: {  	_ =	swait.ge [sflag:s14], $0x4000  }
0x147: {  	[sflag:s14] =	ssyncset.done $0x0  }
0x148: {  	[sflag:s14] =	ssyncadd.s32 $0xFFFFC000  }
0x149: {  	[tilespmem:s15], [sflag:$0x1] =	stream.indirect.gather [hbm4b:s4+s12], $0x80, s1, s12, $0xb8;
	[tilespmem:$0x1D000] =	vst v63  }
0x14a: {  	_ = 	snop  }
0x14b: {  	[spmem:s2] =	stream.indirect.scatter.add.f32 [tilespmem:s13], [sflag:$0x2], $0x80, s0, s12, $0xb8;
	[tilespmem:$0x1D000] =	vst v63  }
0x14c: {  	_ =	swait.ge [sflag:s10], $0x4000  }
0x14d: {  	[sflag:s10] =	ssyncset.done $0x0  }
0x14e: {  	[sflag:s10] =	ssyncadd.s32 $0xFFFFC000  }
0x14f: {  	p0 =	sne.s32 s6, $0x400;
	_ =	swait.ge [sflag:s14], $0x4000  }
.Ltmp0:
0x150: {  	[sflag:s14] =	ssyncset.done $0x0;
	(pc) =	sbr.rel @p0 .LBB2_2-.Ltmp0, $4  }
0x151: {  	[sflag:s14] =	ssyncadd.s32 $0xFFFFC000  }
0x152: {  	[spmem:s2] =	stream.indirect.scatter.add.f32 [tilespmem:s15], [sflag:$0x2], $0x80, s5, s12, $0xb8;
	[tilespmem:$0x1D000] =	vst v63  }
0x153: {  	_ =	swait.ge [sflag:s10], $0x4000  }
0x154: {  	s6 =	sadd.s32 $0x100, s6;
	s9 =	rddreg [dreg:$0x5];
	[sflag:s10] =	ssyncset.done $0x0  }
0x155: {  	[sflag:s10] =	ssyncadd.s32 $0xFFFFC000;
	s6 =	sadd.s32 s8, s9  }
0x156: {  	[tilespmem:s3], [sflag:$0x2] =	stream.linear.gather [hbm4b:s6+s3], $0x800, $0x38;
	[tilespmem:$0x1D000] =	vst v63  }
0x157: {  	_ =	swait.ge [sflag:s10], $0x800  }
0x158: {  	s7 =	rddreg [dreg:$0x4];
	[sflag:s10] =	ssyncset.done $0x0  }
0x159: {  	[sflag:s10] =	ssyncadd.s32 $0xFFFFF800;
	s6 =	sadd.s32 s8, s7  }
0x15a: {  	[tilespmem:s11], [sflag:$0x2] =	stream.linear.gather [hbm4b:s6+s3], $0x800, $0x38;
	[tilespmem:$0x1D000] =	vst v63  }
0x15b: {  	_ =	swait.ge [sflag:s10], $0x800  }
0x15c: {  	[sflag:s10] =	ssyncset.done $0x0  }
0x15d: {  	[sflag:s10] =	ssyncadd.s32 $0xFFFFF800  }
0x15e: {  	[tilespmem:s13], [sflag:$0x1] =	stream.indirect.gather [hbm4b:s4+s12], $0x80, s3, s12, $0xb8;
	[tilespmem:$0x1D000] =	vst v63  }
0x15f: {  	_ =	swait.ge [sflag:s14], $0x4000  }
0x160: {  	[sflag:s14] =	ssyncset.done $0x0  }
0x161: {  	[sflag:s14] =	ssyncadd.s32 $0xFFFFC000  }
0x162: {  	[tilespmem:s15], [sflag:$0x1] =	stream.indirect.gather [hbm4b:s4+s12], $0x80, s12, s12, $0xb8;
	[tilespmem:$0x1D000] =	vst v63  }
0x163: {  	_ = 	snop  }
0x164: {  	[spmem:s2] =	stream.indirect.scatter.add.f32 [tilespmem:s13], [sflag:$0x2], $0x80, s11, s12, $0xb8;
	[tilespmem:$0x1D000] =	vst v63  }
0x165: {  	_ =	swait.ge [sflag:s10], $0x4000  }
0x166: {  	[sflag:s10] =	ssyncset.done $0x0  }
0x167: {  	[sflag:s10] =	ssyncadd.s32 $0xFFFFC000  }
0x168: {  	_ =	swait.ge [sflag:s14], $0x4000  }
0x169: {  	[sflag:s14] =	ssyncset.done $0x0  }
0x16a: {  	s9 =	rddreg [dreg:$0x6];
	[sflag:s14] =	ssyncadd.s32 $0xFFFFC000  }
0x16b: {  	[tilespmem:s13], [sflag:$0x1] =	stream.indirect.gather [hbm4b:s4+s12], $0x80, s9, s12, $0xb8;
	[tilespmem:$0x1D000] =	vst v63  }
0x16c: {  	s7 =	rddreg [dreg:$0x7]  }
0x16d: {  	[spmem:s2] =	stream.indirect.scatter.add.f32 [tilespmem:s15], [sflag:$0x2], $0x80, s7, s12, $0xb8;
	[tilespmem:$0x1D000] =	vst v63  }
0x16e: {  	_ =	swait.ge [sflag:s10], $0x4000  }
0x16f: {  	[sflag:s10] =	ssyncset.done $0x0  }
0x170: {  	[sflag:s10] =	ssyncadd.s32 $0xFFFFC000  }
0x171: {  	_ =	swait.ge [sflag:s14], $0x4000  }
0x172: {  	[sflag:s14] =	ssyncset.done $0x0  }
0x173: {  	s8 =	rddreg [dreg:$0x8];
	[sflag:s14] =	ssyncadd.s32 $0xFFFFC000  }
0x174: {  	[tilespmem:s15], [sflag:$0x1] =	stream.indirect.gather [hbm4b:s4+s12], $0x80, s8, s12, $0xb8;
	[tilespmem:$0x1D000] =	vst v63  }
0x175: {  	s9 =	rddreg [dreg:$0x9]  }
0x176: {  	[spmem:s2] =	stream.indirect.scatter.add.f32 [tilespmem:s13], [sflag:$0x2], $0x80, s9, s12, $0xb8;
	[tilespmem:$0x1D000] =	vst v63  }
0x177: {  	_ =	swait.ge [sflag:s10], $0x4000  }
0x178: {  	[sflag:s10] =	ssyncset.done $0x0  }
0x179: {  	[sflag:s10] =	ssyncadd.s32 $0xFFFFC000  }
0x17a: {  	_ =	swait.ge [sflag:s14], $0x4000  }
0x17b: {  	[sflag:s14] =	ssyncset.done $0x0  }
0x17c: {  	s8 =	rddreg [dreg:$0xa];
	[sflag:s14] =	ssyncadd.s32 $0xFFFFC000  }
0x17d: {  	[tilespmem:s13], [sflag:$0x1] =	stream.indirect.gather [hbm4b:s4+s12], $0x80, s8, s12, $0xb8;
	[tilespmem:$0x1D000] =	vst v63  }
0x17e: {  	s9 =	rddreg [dreg:$0xb]  }
0x17f: {  	[spmem:s2] =	stream.indirect.scatter.add.f32 [tilespmem:s15], [sflag:$0x2], $0x80, s9, s12, $0xb8;
	[tilespmem:$0x1D000] =	vst v63  }
0x180: {  	_ =	swait.ge [sflag:s10], $0x4000  }
0x181: {  	[sflag:s10] =	ssyncset.done $0x0  }
0x182: {  	[sflag:s10] =	ssyncadd.s32 $0xFFFFC000  }
0x183: {  	_ =	swait.ge [sflag:s14], $0x4000  }
0x184: {  	[sflag:s14] =	ssyncset.done $0x0  }
0x185: {  	s8 =	rddreg [dreg:$0xc];
	[sflag:s14] =	ssyncadd.s32 $0xFFFFC000  }
0x186: {  	[tilespmem:s15], [sflag:$0x1] =	stream.indirect.gather [hbm4b:s4+s12], $0x80, s8, s12, $0xb8;
	[tilespmem:$0x1D000] =	vst v63  }
0x187: {  	s9 =	rddreg [dreg:$0xd]  }
0x188: {  	[spmem:s2] =	stream.indirect.scatter.add.f32 [tilespmem:s13], [sflag:$0x2], $0x80, s9, s12, $0xb8;
	[tilespmem:$0x1D000] =	vst v63  }
0x189: {  	_ =	swait.ge [sflag:s10], $0x4000  }
0x18a: {  	[sflag:s10] =	ssyncset.done $0x0  }
0x18b: {  	[sflag:s10] =	ssyncadd.s32 $0xFFFFC000  }
0x18c: {  	_ =	swait.ge [sflag:s14], $0x4000  }
0x18d: {  	[sflag:s14] =	ssyncset.done $0x0  }
0x18e: {  	s8 =	rddreg [dreg:$0xe];
	[sflag:s14] =	ssyncadd.s32 $0xFFFFC000  }
0x18f: {  	[tilespmem:s13], [sflag:$0x1] =	stream.indirect.gather [hbm4b:s4+s12], $0x80, s8, s12, $0xb8;
	[tilespmem:$0x1D000] =	vst v63  }
0x190: {  	s9 =	rddreg [dreg:$0xf]  }
0x191: {  	[spmem:s2] =	stream.indirect.scatter.add.f32 [tilespmem:s15], [sflag:$0x2], $0x80, s9, s12, $0xb8;
	[tilespmem:$0x1D000] =	vst v63  }
0x192: {  	_ =	swait.ge [sflag:s10], $0x4000  }
0x193: {  	[sflag:s10] =	ssyncset.done $0x0  }
0x194: {  	[sflag:s10] =	ssyncadd.s32 $0xFFFFC000  }
0x195: {  	_ =	swait.ge [sflag:s14], $0x4000  }
0x196: {  	[sflag:s14] =	ssyncset.done $0x0  }
0x197: {  	s8 =	rddreg [dreg:$0x10];
	[sflag:s14] =	ssyncadd.s32 $0xFFFFC000  }
0x198: {  	[tilespmem:s15], [sflag:$0x1] =	stream.indirect.gather [hbm4b:s4+s12], $0x80, s8, s12, $0xb8;
	[tilespmem:$0x1D000] =	vst v63  }
0x199: {  	_ = 	snop  }
0x19a: {  	[spmem:s2] =	stream.indirect.scatter.add.f32 [tilespmem:s13], [sflag:$0x2], $0x80, s16, s12, $0xb8;
	[tilespmem:$0x1D000] =	vst v63  }
0x19b: {  	_ =	swait.ge [sflag:s10], $0x4000  }
0x19c: {  	[sflag:s10] =	ssyncset.done $0x0  }
0x19d: {  	[sflag:s10] =	ssyncadd.s32 $0xFFFFC000  }
0x19e: {  	_ =	swait.ge [sflag:s14], $0x4000  }
0x19f: {  	[sflag:s14] =	ssyncset.done $0x0  }
0x1a0: {  	[sflag:s14] =	ssyncadd.s32 $0xFFFFC000  }
0x1a1: {  	[tilespmem:s13], [sflag:$0x1] =	stream.indirect.gather [hbm4b:s4+s12], $0x80, s17, s12, $0xb8;
	[tilespmem:$0x1D000] =	vst v63  }
0x1a2: {  	_ = 	snop  }
0x1a3: {  	[spmem:s2] =	stream.indirect.scatter.add.f32 [tilespmem:s15], [sflag:$0x2], $0x80, s18, s12, $0xb8;
	[tilespmem:$0x1D000] =	vst v63  }
0x1a4: {  	_ =	swait.ge [sflag:s10], $0x4000  }
0x1a5: {  	[sflag:s10] =	ssyncset.done $0x0  }
0x1a6: {  	[sflag:s10] =	ssyncadd.s32 $0xFFFFC000  }
0x1a7: {  	_ =	swait.ge [sflag:s14], $0x4000  }
0x1a8: {  	[sflag:s14] =	ssyncset.done $0x0  }
0x1a9: {  	[sflag:s14] =	ssyncadd.s32 $0xFFFFC000  }
0x1aa: {  	[tilespmem:s15], [sflag:$0x1] =	stream.indirect.gather [hbm4b:s4+s12], $0x80, s19, s12, $0xb8;
	[tilespmem:$0x1D000] =	vst v63  }
0x1ab: {  	_ = 	snop  }
0x1ac: {  	[spmem:s2] =	stream.indirect.scatter.add.f32 [tilespmem:s13], [sflag:$0x2], $0x80, s20, s12, $0xb8;
	[tilespmem:$0x1D000] =	vst v63  }
0x1ad: {  	_ =	swait.ge [sflag:s10], $0x4000  }
0x1ae: {  	[sflag:s10] =	ssyncset.done $0x0  }
0x1af: {  	[sflag:s10] =	ssyncadd.s32 $0xFFFFC000  }
0x1b0: {  	_ =	swait.ge [sflag:s14], $0x4000  }
0x1b1: {  	[sflag:s14] =	ssyncset.done $0x0  }
0x1b2: {  	[sflag:s14] =	ssyncadd.s32 $0xFFFFC000  }
0x1b3: {  	[tilespmem:s13], [sflag:$0x1] =	stream.indirect.gather [hbm4b:s4+s12], $0x80, s21, s12, $0xb8;
	[tilespmem:$0x1D000] =	vst v63  }
0x1b4: {  	_ = 	snop  }
0x1b5: {  	[spmem:s2] =	stream.indirect.scatter.add.f32 [tilespmem:s15], [sflag:$0x2], $0x80, s22, s12, $0xb8;
	[tilespmem:$0x1D000] =	vst v63  }
0x1b6: {  	_ =	swait.ge [sflag:s10], $0x4000  }
0x1b7: {  	[sflag:s10] =	ssyncset.done $0x0  }
0x1b8: {  	[sflag:s10] =	ssyncadd.s32 $0xFFFFC000  }
0x1b9: {  	_ =	swait.ge [sflag:s14], $0x4000  }
0x1ba: {  	[sflag:s14] =	ssyncset.done $0x0  }
0x1bb: {  	[sflag:s14] =	ssyncadd.s32 $0xFFFFC000  }
0x1bc: {  	[tilespmem:s15], [sflag:$0x1] =	stream.indirect.gather [hbm4b:s4+s12], $0x80, s23, s12, $0xb8;
	[tilespmem:$0x1D000] =	vst v63  }
0x1bd: {  	_ = 	snop  }
0x1be: {  	[spmem:s2] =	stream.indirect.scatter.add.f32 [tilespmem:s13], [sflag:$0x2], $0x80, s24, s12, $0xb8;
	[tilespmem:$0x1D000] =	vst v63  }
0x1bf: {  	_ =	swait.ge [sflag:s10], $0x4000  }
0x1c0: {  	[sflag:s10] =	ssyncset.done $0x0  }
0x1c1: {  	[sflag:s10] =	ssyncadd.s32 $0xFFFFC000  }
0x1c2: {  	_ =	swait.ge [sflag:s14], $0x4000  }
0x1c3: {  	[sflag:s14] =	ssyncset.done $0x0  }
0x1c4: {  	[sflag:s14] =	ssyncadd.s32 $0xFFFFC000  }
0x1c5: {  	[tilespmem:s13], [sflag:$0x1] =	stream.indirect.gather [hbm4b:s4+s12], $0x80, s25, s12, $0xb8;
	[tilespmem:$0x1D000] =	vst v63  }
0x1c6: {  	_ = 	snop  }
0x1c7: {  	[spmem:s2] =	stream.indirect.scatter.add.f32 [tilespmem:s15], [sflag:$0x2], $0x80, s26, s12, $0xb8;
	[tilespmem:$0x1D000] =	vst v63  }
0x1c8: {  	_ =	swait.ge [sflag:s10], $0x4000  }
0x1c9: {  	[sflag:s10] =	ssyncset.done $0x0  }
0x1ca: {  	[sflag:s10] =	ssyncadd.s32 $0xFFFFC000  }
0x1cb: {  	_ =	swait.ge [sflag:s14], $0x4000  }
0x1cc: {  	[sflag:s14] =	ssyncset.done $0x0  }
0x1cd: {  	[sflag:s14] =	ssyncadd.s32 $0xFFFFC000  }
0x1ce: {  	[tilespmem:s15], [sflag:$0x1] =	stream.indirect.gather [hbm4b:s4+s12], $0x80, s28, s12, $0xb8;
	[tilespmem:$0x1D000] =	vst v63  }
0x1cf: {  	_ = 	snop  }
0x1d0: {  	[spmem:s2] =	stream.indirect.scatter.add.f32 [tilespmem:s13], [sflag:$0x2], $0x80, s29, s12, $0xb8;
	[tilespmem:$0x1D000] =	vst v63  }
0x1d1: {  	_ =	swait.ge [sflag:s10], $0x4000  }
0x1d2: {  	[sflag:s10] =	ssyncset.done $0x0  }
0x1d3: {  	[sflag:s10] =	ssyncadd.s32 $0xFFFFC000  }
0x1d4: {  	_ =	swait.ge [sflag:s14], $0x4000  }
0x1d5: {  	[sflag:s14] =	ssyncset.done $0x0  }
0x1d6: {  	[sflag:s14] =	ssyncadd.s32 $0xFFFFC000  }
0x1d7: {  	[tilespmem:s13], [sflag:$0x1] =	stream.indirect.gather [hbm4b:s4+s12], $0x80, s30, s12, $0xb8;
	[tilespmem:$0x1D000] =	vst v63  }
0x1d8: {  	_ = 	snop  }
0x1d9: {  	[spmem:s2] =	stream.indirect.scatter.add.f32 [tilespmem:s15], [sflag:$0x2], $0x80, s31, s12, $0xb8;
	[tilespmem:$0x1D000] =	vst v63  }
0x1da: {  	_ =	swait.ge [sflag:s10], $0x4000  }
0x1db: {  	[sflag:s10] =	ssyncset.done $0x0  }
0x1dc: {  	[sflag:s10] =	ssyncadd.s32 $0xFFFFC000  }
0x1dd: {  	_ =	swait.ge [sflag:s14], $0x4000  }
0x1de: {  	[sflag:s14] =	ssyncset.done $0x0  }
0x1df: {  	[sflag:s14] =	ssyncadd.s32 $0xFFFFC000  }
0x1e0: {  	[tilespmem:s15], [sflag:$0x1] =	stream.indirect.gather [hbm4b:s4+s12], $0x80, s1, s12, $0xb8;
	[tilespmem:$0x1D000] =	vst v63  }
0x1e1: {  	_ = 	snop  }
0x1e2: {  	[spmem:s2] =	stream.indirect.scatter.add.f32 [tilespmem:s13], [sflag:$0x2], $0x80, s0, s12, $0xb8;
	[tilespmem:$0x1D000] =	vst v63  }
0x1e3: {  	_ =	swait.ge [sflag:s10], $0x4000  }
0x1e4: {  	[sflag:s10] =	ssyncset.done $0x0  }
0x1e5: {  	[sflag:s10] =	ssyncadd.s32 $0xFFFFC000  }
0x1e6: {  	_ =	swait.ge [sflag:s14], $0x4000  }
0x1e7: {  	[sflag:s14] =	ssyncset.done $0x0  }
0x1e8: {  	[sflag:s14] =	ssyncadd.s32 $0xFFFFC000  }
0x1e9: {  	[spmem:s2] =	stream.indirect.scatter.add.f32 [tilespmem:s15], [sflag:$0x2], $0x80, s5, s12, $0xb8;
	[tilespmem:$0x1D000] =	vst v63  }
0x1ea: {  	_ =	swait.ge [sflag:s10], $0x4000  }
0x1eb: {  	[sflag:s10] =	ssyncset.done $0x0  }
0x1ec: {  	[sflag:s10] =	ssyncadd.s32 $0xFFFFC000  }
0x1ed: {  	[bflag:$0x0] =	sbarrier.arrive $0xFFFF  }
0x1ee: {  	s7 =	rddreg [dreg:$0x12]  }
0x1ef: {  	s9 =	rddreg [dreg:$0x13]  }
0x1f0: {  	s8 =	rddreg [dreg:$0x15]  }
0x1f1: {  	[hbm:s9], [sflag:s7] =	dma.local [spmem:s8], $0x2800  }
0x1f2: {  	_ =	swait.ge [sflag:s10], $0x2800  }
0x1f3: {  	s6 =	rddreg [dreg:$0x16]  }
0x1f4: {  	s9 =	sadd.s32 $0x1, s6;
	s6 =	rddreg [dreg:$0x14]  }
0x1f5: {  	p0 =	sne.s32 s9, s6  }
.Ltmp1:
0x1f6: {  	_ = 	snop;
	(pc) =	sbr.rel @p0 .LBB2_1-.Ltmp1, $3  }
0x1f7: {  	_ =	sdelay $0x1  }
0x1f8: {  	[sflag:s10] =	ssyncset.done $0x0  }
0x1f9: {  	[sflag:s10] =	ssyncadd.s32 $0xFFFFD800  }
0x1fa: {  	_ =	sfence.sel $0x180000  }
0x1fb: {  	[bflag:$0x0] =	sbarrier.arrive $0xFFFF  }
0x1fc: {  	_ =	strace $0x9000004A  }
0x1fd: {  	s0 =	stileid.u32;
	[bflag:$0x2] =	sbarrier.arrive $0xFFFF  }
0x1fe: {  	p0 =	sne.s32 s0, $0x0;
	s0 =	rddreg [dreg:$0x3]  }
0x1ff: {  	s0 =	sadd.s32 @!p0 $0x100000, s0  }
0x200: {  	[sflag:s0] =	ssyncadd.tile.s32 @!p0 $0x1;
	_ =	shalt  }
.Lfunc_end2:
_tile_overlayer_lowered:
.L_overlay_start_2:
0x201: {  	(tag) =	ssettag $0x2  }
0x202: {  	s0 =	rddreg [dreg:$0x0];
	s2 =	stileid.u32  }
0x203: {  	s1 =	rddreg [dreg:$0x1];
	p0 =	sne.s32 s2, $0x0  }
0x204: {  	s3 =	rddreg [dreg:$0x2];
	[bflag:$0x3] =	sbarrier.arrive $0xFFFF;
	s2 =	simm.s32 @!p0 $0x1C02  }
0x205: {  	[timem:s3], [sflag:s2] =	dma.local @!p0 [hbm:s0], s1  }
0x206: {  	s0 =	simm.s32 @!p0 $0x2  }
0x207: {  	_ =	swait.ge @!p0 [sflag:s0], s1  }
0x208: {  	s1 =	ssub.s32 @!p0 $0x0, s1;
	[sflag:s0] =	ssyncset.done @!p0 $0x0  }
0x209: {  	[sflag:s0] =	ssyncadd.s32 @!p0 s1  }
0x20a: {  	[bflag:$0x3] =	sbarrier.arrive $0xFFFF  }
0x20b: {  	_ =	shalt  }

// kernel: kernel.14.cloned.1.call-start
scs
__scs_entry_jumppad:
0x0: {  	(pc) =	sbr.rel $0x88, $3  }
0x1: {  	(tag) =	ssettag $0x0;
	lr =	simm.s32 $0x1  }
0x2: {  	[smem:$0x3F99] =	sst lr;
	_ =	strace $0xD0000000  }
0x3: {  	_ = 	snop  }
0x4: {  	_ = 	snop  }
0x5: {  	_ = 	snop  }
0x6: {  	_ = 	snop  }
0x7: {  	_ = 	snop  }
__scs_overlays_trampoline_lowered:
0x8: {  	[smem:$0x3FA8] =	sst s0  }
0x9: {  	[smem:$0x3FA9] =	sst s1  }
0xa: {  	[smem:$0x3FAA] =	sst s2  }
0xb: {  	[smem:$0x3FAB] =	sst s3  }
0xc: {  	[smem:$0x3FAC] =	sst s4  }
0xd: {  	[smem:$0x3FAD] =	sst s5  }
0xe: {  	[smem:$0x3FAE] =	sst s6  }
0xf: {  	[smem:$0x3FAF] =	sst s7  }
0x10: {  	[smem:$0x3FB0] =	sst s8  }
0x11: {  	[smem:$0x3FB1] =	sst s9;
	s0 =	simm.s32 @!p0 $0x0  }
0x12: {  	s1 =	sld [smem:$0x3F97];
	s0 =	simm.s32 @p0 $0x1  }
0x13: {  	[smem:$0x3FB2] =	sst s0;
	s0 =	simm.s32 @!p1 $0x0  }
0x14: {  	s2 =	sld [smem:$0x3F96];
	s0 =	simm.s32 @p1 $0x1  }
0x15: {  	[smem:$0x3FB3] =	sst s0;
	s0 =	simm.s32 @!p2 $0x0  }
0x16: {  	s3 =	sld [smem:$0x3FDB];
	s0 =	simm.s32 @p2 $0x1  }
0x17: {  	s4 =	simm.s32 $0x1BF5;
	[smem:$0x3FB5] =	sst s0  }
0x18: {  	s0 =	sld [smem:$0x3F98];
	_ =	swait.ge [sflag:s4], $0x0  }
0x19: {  	s7 =	sld [smem:$0x3F99]  }
0x1a: {  	s8 =	sadd.s32 $0xFFFFE003, lr  }
0x1b: {  	s9 =	sadd.s32 $0xFFFFFEF7, lr;
	s5 =	simm.s32 $0xFFFFFFFF;
	p2 =	slt.u32 s8, $0xFFFFF086  }
0x1c: {  	p1 =	slt.u32 s9, $0xF7A;
	s5 =	simm.s32 @!p2 $0x0  }
0x1d: {  	s5 =	simm.s32 @p1 $0x1;
	p0 =	seq.s32 s7, s2  }
0x1e: {  	s7 =	smul.u32 @!p0 $0xF7A, s2;
	p2 =	seq.s32 @!p0 s5, $0x0  }
0x1f: {  	s9 =	smul.u32 $0xF7A, s1;
	s8 =	simm.s32 @!p0 $0x1BF5;
	p2 =	por !p2, p0  }
0x20: {  	[sflag:s8] =	ssyncset.s32 @!p0 $0xFFFFF086;
	s6 =	sadd.s32 @!p0 s3, s7;
	s7 =	simm.s32 @!p0 $0x108  }
0x21: {  	s3 =	sadd.s32 s3, s9;
	s6 =	sadd.s32 @!p0 $0x88, s6;
	s7 =	simm.s32 @p2 $0x1082  }
0x22: {  	[simem:s7], [sflag:s8] =	dma.local @!p0 [hbm:s6], $0xF7A  }
0x23: {  	s9 =	sor.u32 $0xD0000000, s2;
	s6 =	simm.s32 $0x108;
	_ =	swait.ge @!p0 [sflag:s8], $0x0  }
0x24: {  	s3 =	sadd.s32 $0x88, s3;
	s6 =	simm.s32 @!p1 $0x1082;
	[sflag:s4] =	ssyncset.s32 $0xFFFFF086  }
0x25: {  	[simem:s6], [sflag:s4] =	dma.local [hbm:s3], $0xF7A  }
0x26: {  	[smem:$0x3F99] =	sst s1;
	(tag) =	ssettag s2;
	_ =	strace s9  }
0x27: {  	s1 =	sld [smem:$0x3FA9]  }
0x28: {  	s2 =	sld [smem:$0x3FAA]  }
0x29: {  	s4 =	sld [smem:$0x3FAC]  }
0x2a: {  	p0 =	seq.s32 s5, $0x0;
	s5 =	sld [smem:$0x3FAD]  }
0x2b: {  	s6 =	sld [smem:$0x3FAE]  }
0x2c: {  	s7 =	sld [smem:$0x3FAF]  }
0x2d: {  	s3 =	simm.s32 $0x108;
	s8 =	sld [smem:$0x3FB0]  }
0x2e: {  	s3 =	simm.s32 @!p0 $0x1082;
	s9 =	sld [smem:$0x3FB1]  }
0x2f: {  	lr =	sadd.s32 s0, s3;
	s0 =	sld [smem:$0x3FA8]  }
0x30: {  	s3 =	sld [smem:$0x3FAB]  }
0x31: {  	[smem:$0x3FB4] =	sst s10  }
0x32: {  	s10 =	sld [smem:$0x3FB2];
	_ =	sdelay $0x3  }
0x33: {  	p0 =	seq.s32 s10, $0x1;
	s10 =	sld [smem:$0x3FB4];
	_ =	sdelay $0x3  }
0x34: {  	[smem:$0x3FB4] =	sst s10  }
0x35: {  	s10 =	sld [smem:$0x3FB3];
	_ =	sdelay $0x3  }
0x36: {  	p1 =	seq.s32 s10, $0x1;
	s10 =	sld [smem:$0x3FB4];
	_ =	sdelay $0x3  }
0x37: {  	[smem:$0x3FB4] =	sst s10  }
0x38: {  	s10 =	sld [smem:$0x3FB5]  }
0x39: {  	_ = 	snop;
	(pc) =	sbr.ind lr, $3  }
0x3a: {  	_ = 	snop  }
0x3b: {  	_ = 	snop  }
0x3c: {  	p2 =	seq.s32 s10, $0x1;
	s10 =	sld [smem:$0x3FB4]  }
0x3d: {  	_ =	shalt  }
0x3e: {  	_ =	shalt  }
0x3f: {  	_ =	shalt  }
0x40: {  	_ =	shalt  }
0x41: {  	_ =	shalt  }
0x42: {  	_ =	shalt  }
0x43: {  	_ =	shalt  }
0x44: {  	_ =	shalt  }
0x45: {  	_ =	shalt  }
0x46: {  	_ =	shalt  }
0x47: {  	_ =	shalt  }
0x48: {  	_ =	shalt  }
0x49: {  	_ =	shalt  }
0x4a: {  	_ =	shalt  }
0x4b: {  	_ =	shalt  }
0x4c: {  	_ =	shalt  }
0x4d: {  	_ =	shalt  }
0x4e: {  	_ =	shalt  }
0x4f: {  	_ =	shalt  }
0x50: {  	_ =	shalt  }
0x51: {  	_ =	shalt  }
0x52: {  	_ =	shalt  }
0x53: {  	_ =	shalt  }
0x54: {  	_ =	shalt  }
0x55: {  	_ =	shalt  }
0x56: {  	_ =	shalt  }
0x57: {  	_ =	shalt  }
0x58: {  	_ =	shalt  }
0x59: {  	_ =	shalt  }
0x5a: {  	_ =	shalt  }
0x5b: {  	_ =	shalt  }
0x5c: {  	_ =	shalt  }
0x5d: {  	_ =	shalt  }
0x5e: {  	_ =	shalt  }
0x5f: {  	_ =	shalt  }
0x60: {  	_ =	shalt  }
0x61: {  	_ =	shalt  }
0x62: {  	_ =	shalt  }
0x63: {  	_ =	shalt  }
0x64: {  	_ =	shalt  }
0x65: {  	_ =	shalt  }
0x66: {  	_ =	shalt  }
0x67: {  	_ =	shalt  }
0x68: {  	_ =	shalt  }
0x69: {  	_ =	shalt  }
0x6a: {  	_ =	shalt  }
0x6b: {  	_ =	shalt  }
0x6c: {  	_ =	shalt  }
0x6d: {  	_ =	shalt  }
0x6e: {  	_ =	shalt  }
0x6f: {  	_ =	shalt  }
0x70: {  	_ =	shalt  }
0x71: {  	_ =	shalt  }
0x72: {  	_ =	shalt  }
0x73: {  	_ =	shalt  }
0x74: {  	_ =	shalt  }
0x75: {  	_ =	shalt  }
0x76: {  	_ =	shalt  }
0x77: {  	_ =	shalt  }
0x78: {  	_ =	shalt  }
0x79: {  	_ =	shalt  }
0x7a: {  	_ =	shalt  }
0x7b: {  	_ =	shalt  }
0x7c: {  	_ =	shalt  }
0x7d: {  	_ =	shalt  }
0x7e: {  	_ =	shalt  }
0x7f: {  	_ =	shalt  }
0x80: {  	_ =	shalt  }
0x81: {  	_ =	shalt  }
0x82: {  	_ =	shalt  }
0x83: {  	_ =	shalt  }
0x84: {  	_ =	shalt  }
0x85: {  	_ =	shalt  }
0x86: {  	_ =	shalt  }
0x87: {  	_ =	shalt  }
.Lfunc_end0:
.L_simem_size_0:
called_computation.2_lowered:
.L_overlay_start_0:
0x88: {  	s2 =	sld [smem:$0x3FD9]  }
0x89: {  	s3 =	sld [smem:$0x3FFE];
	_ =	sdelay $0x1  }
0x8a: {  	s1 =	srdreg.scid  }
0x8b: {  	s0 =	sand.u32 $0x1, s1  }
0x8c: {  	s17 =	sshll.u32 s0, $0xA;
	s2 =	sadd.s32 s3, s2  }
0x8d: {  	s2 =	sadd.s32 s2, s17  }
0x8e: {  	[smem:$0x3FC0] =	sst s2  }
0x8f: {  	_ = 	snop  }
0x90: {  	s2 =	sld [smem:$0x3FD0];
	(tm) =	ssettm $0x1  }
0x91: {  	s18 =	sld [smem:$0x3FFB];
	_ =	sdelay $0x3  }
0x92: {  	_ =	strace s18  }
0x93: {  	s3 =	sld [smem:$0x3FFC];
	_ =	sdelay $0x3  }
0x94: {  	_ =	strace s3  }
0x95: {  	s3 =	sld [smem:$0x3FFD];
	_ =	sdelay $0x3  }
0x96: {  	_ =	strace s3  }
0x97: {  	_ =	strace $0x8FFFFFFF  }
0x98: {  	s19 =	sld [smem:$0x3FDB];
	_ =	sdelay $0x1  }
0x99: {  	s4 =	simm.s32 $_scs_section_size  }
0x9a: {  	s5 =	simm.s32 $_size__tile_overlayer_lowered;
	s6 =	simm.s32 $_tile_overlayer_lowered  }
0x9b: {  	s22 =	simm.s32 $0x1BFF;
	s21 =	sshll.u32 s6, $0x1;
	s3 =	sadd.s32 s4, s19  }
0x9c: {  	s7 =	simm.s32 $0x0;
	s20 =	sshll.u32 s5, $0x1;
	s5 =	sadd.s32 s21, s3  }
0x9d: {  	[timem:s7], [sflag:s22] =	dma.local [hbm:s5], s20  }
0x9e: {  	_ =	swait.ge [sflag:s22], s20  }
0x9f: {  	s4 =	ssub.s32 $0x0, s20;
	[sflag:s22] =	ssyncset.done $0x0  }
0xa0: {  	[sflag:s22] =	ssyncadd.s32 s4;
	_ =	sdelay $0x1  }
0xa1: {  	s23 =	simm.s32 $0x1B8B  }
0xa2: {  	_ =	swait.ge [sflag:s23], $0x1  }
0xa3: {  	[sflag:s23] =	ssyncset.done $0x0  }
0xa4: {  	s25 =	simm.s32 $0x1B8E;
	s24 =	sld [smem:$0x3FFE];
	[sflag:s23] =	ssyncadd.s32 $0xFFFFFFFF  }
0xa5: {  	s26 =	simm.s32 $execute0_lowered;
	[smem:$0x3FD2] =	sst s25  }
0xa6: {  	s5 =	sshll.u32 s26, $0x1;
	_ =	strace $0x8000004C;
	[dreg:$0x1] =	wrdreg $0xFFFFFFFF  }
0xa7: {  	s28 =	simm.s32 $_size_execute0_lowered;
	s3 =	sadd.s32 s3, s5;
	[dreg:$0x0] =	wrdreg $0x0  }
0xa8: {  	s5 =	sshll.u32 s28, $0x1;
	[dreg:$0x2] =	wrdreg s3  }
0xa9: {  	[dreg:$0x3] =	wrdreg s5  }
0xaa: {  	[dreg:$0x4] =	wrdreg $0xC0  }
0xab: {  	_ =	task [dreg:s7], $0x5FFFF  }
0xac: {  	[dreg:$0x1] =	wrdreg $0xFFFFFFFF  }
0xad: {  	[dreg:$0x0] =	wrdreg $0x60  }
0xae: {  	[dreg:$0x2] =	wrdreg s24  }
0xaf: {  	[dreg:$0x3] =	wrdreg s2  }
0xb0: {  	[dreg:$0x4] =	wrdreg $0x90000  }
0xb1: {  	[dreg:$0x5] =	wrdreg $0x9  }
0xb2: {  	_ =	task.clear_ibuf [dreg:s7], $0x6FFFF;
	_ =	strace $0x9000004C  }
0xb3: {  	s29 =	simm.s32 $0x9;
	_ =	strace $0x8000004E  }
0xb4: {  	_ =	swait.ge [sflag:s29], $0x1  }
0xb5: {  	[sflag:s29] =	ssyncadd.s32 $0xFFFFFFFF  }
0xb6: {  	_ =	strace $0x9000004E  }
0xb7: {  	_ =	sfence  }
0xb8: {  	s30 =	sld [smem:$0x0];
	_ =	sdelay $0x2  }
0xb9: {  	s31 =	sshll.u32 s1, $0xD;
	s1 =	sshrl.u32 s1, $0x2  }
0xba: {  	s3 =	sand.u32 $0x4000, s31;
	s1 =	sadd.s32 s1, s30  }
0xbb: {  	s0 =	sor.u32 s3, s0;
	s1 =	sshll.u32 s1, $0x11  }
0xbc: {  	s0 =	sor.u32 s1, s0  }
0xbd: {  	s0 =	sadd.s32 $0x8F2B, s0  }
0xbe: {  	[sflag:s0] =	ssyncadd.remote.s32 $0x1  }
0xbf: {  	_ =	sfence.sel $0xFFFF  }
0xc0: {  	[dreg:$0x0] =	wrdreg $0xFFFFFFFF;
	(pc) =	sbr.abs _section_cstart, $3  }
0xc1: {  	[dreg:$0x1] =	wrdreg $0xFFFFFFFF  }
0xc2: {  	_ =	task.clear_ibuf [dreg:s7], $0x2FFFF;
	_ =	strace $0x9FFFFFFF  }
0xc3: {  	(tm) =	ssettm $0x7FFFFFFF  }
tec
execute0_lowered:
.L_overlay_start_1:
0x0: {  	(tag) =	ssettag $0x1  }
0x1: {  	s0 =	rddreg [dreg:$0x0];
	s1 =	srdreg.scid  }
0x2: {  	s5 =	rddreg [dreg:$0x1];
	s11 =	stileid.u32  }
0x3: {  	s2 =	rddreg [dreg:$0x2];
	s3 =	simm.s32 $0x0;
	s15 =	simm.s32 $0x100  }
0x4: {  	s17 =	simm.s32 $0x880;
	[smem:$0x7FF] =	sst s3;
	s10 =	sadd.s32 $0x34200, s0  }
0x5: {  	s18 =	simm.s32 $0x180;
	_ =	strace $0x8000004D;
	[dreg:$0x11] =	wrdreg s10  }
0x6: {  	s19 =	simm.s32 $0x900;
	s20 =	simm.s32 $0x200;
	[dreg:$0x6] =	wrdreg s15  }
0x7: {  	s21 =	simm.s32 $0x980;
	s22 =	simm.s32 $0x280;
	[dreg:$0x7] =	wrdreg s17  }
0x8: {  	s23 =	simm.s32 $0xA00;
	s24 =	simm.s32 $0x300;
	[dreg:$0x8] =	wrdreg s18  }
0x9: {  	s25 =	simm.s32 $0xA80;
	s28 =	simm.s32 $0x680;
	[dreg:$0x9] =	wrdreg s19  }
0xa: {  	s29 =	simm.s32 $0xE00;
	s30 =	simm.s32 $0x700;
	[dreg:$0xa] =	wrdreg s20  }
0xb: {  	s31 =	simm.s32 $0xE80;
	s6 =	smul.u32 $0x2800, s11;
	[dreg:$0xb] =	wrdreg s21  }
0xc: {  	s1 =	sand.u32 $0x1, s1;
	s8 =	smul.u32 $0x14000, s11;
	[dreg:$0xc] =	wrdreg s22  }
0xd: {  	s12 =	smul.u32 $0x50000, s11;
	s16 =	sshll.u32 s11, $0x6;
	[dreg:$0xd] =	wrdreg s23  }
0xe: {  	s11 =	simm.s32 $0x800;
	s4 =	smul.u32 $0x28000, s1;
	[dreg:$0xe] =	wrdreg s24  }
0xf: {  	s26 =	smul.u32 $0x140000, s1;
	s1 =	ssub.s32 $0x2, s1;
	[dreg:$0xf] =	wrdreg s25  }
0x10: {  	s15 =	simm.s32 $0x5000;
	s17 =	simm.s32 $0x400;
	s18 =	simm.s32 $0xB80  }
0x11: {  	s19 =	simm.s32 $0x480;
	s20 =	simm.s32 $0xC00;
	s21 =	simm.s32 $0x500  }
0x12: {  	s22 =	simm.s32 $0xC80;
	s23 =	simm.s32 $0x580;
	s24 =	simm.s32 $0xD00  }
0x13: {  	s25 =	simm.s32 $0x600;
	s10 =	sshrl.u32 s1, $0x1;
	s13 =	sshrl.u32 s12, $0x2  }
0x14: {  	s12 =	simm.s32 $0x80;
	s4 =	sadd.s32 s6, s4;
	s6 =	sadd.s32 s8, s26  }
0x15: {  	s1 =	ssub.s32 s1, s10;
	s10 =	simm.s32 $0x2;
	s26 =	simm.s32 $0x380  }
0x16: {  	s7 =	sshrl.u32 s4, $0x3;
	s4 =	sadd.s32 $0xC200, s0;
	s6 =	sshrl.u32 s6, $0x3  }
0x17: {  	s1 =	smax.u32 s1, $0x1;
	[dreg:$0x10] =	wrdreg s26;
	s26 =	simm.s32 $0xD80  }
0x18: {  	s9 =	sadd.s32 s7, s0;
	s0 =	sadd.s32 s6, s0;
	s5 =	sadd.s32 s7, s5  }
0x19: {  	s6 =	sadd.s32 s13, s2;
	s7 =	sor.u32 $0x1C02, s16;
	[dreg:$0x14] =	wrdreg s1  }
0x1a: {  	s13 =	simm.s32 $0x1000;
	s16 =	simm.s32 $0xB00;
	[dreg:$0x4] =	wrdreg s5  }
0x1b: {  	s1 =	simm.s32 $0x780;
	s14 =	sadd.s32 $0x2200, s9;
	[dreg:$0x12] =	wrdreg s7  }
0x1c: {  	s0 =	sadd.s32 $0x36A00, s0;
	s8 =	sshrl.u32 s6, $0x3;
	[dreg:$0x5] =	wrdreg s14  }
0x1d: {  	s5 =	simm.s32 $0xF80;
	s9 =	simm.s32 $0x0;
	[dreg:$0x13] =	wrdreg s0  }
0x1e: {  	s14 =	simm.s32 $0x1;
	s0 =	simm.s32 $0xF00;
	[dreg:$0x15] =	wrdreg s8  }
.LBB2_1:
0x1f: {  	[dreg:$0x16] =	wrdreg s9  }
0x20: {  	s6 =	rddreg [dreg:$0x11]  }
0x21: {  	[spmem:s8], [sflag:s7] =	dma.local [hbm:s6], $0x2800  }
0x22: {  	_ =	swait.ge [sflag:s10], $0x2800  }
0x23: {  	[sflag:s10] =	ssyncset.done $0x0  }
0x24: {  	[sflag:s10] =	ssyncadd.s32 $0xFFFFD800  }
0x25: {  	[bflag:$0x0] =	sbarrier.arrive $0xFFFF  }
0x26: {  	s7 =	rddreg [dreg:$0x5]  }
0x27: {  	s6 =	sadd.s32 $0x0, s7  }
0x28: {  	[tilespmem:s3], [sflag:$0x2] =	stream.linear.gather [hbm4b:s6+s3], $0x800, $0x38;
	[tilespmem:$0x1D000] =	vst v63  }
0x29: {  	_ =	swait.ge [sflag:s10], $0x800  }
0x2a: {  	s8 =	rddreg [dreg:$0x4];
	[sflag:s10] =	ssyncset.done $0x0  }
0x2b: {  	[sflag:s10] =	ssyncadd.s32 $0xFFFFF800;
	s6 =	sadd.s32 $0x0, s8  }
0x2c: {  	[tilespmem:s11], [sflag:$0x2] =	stream.linear.gather [hbm4b:s6+s3], $0x800, $0x38;
	[tilespmem:$0x1D000] =	vst v63  }
0x2d: {  	_ =	swait.ge [sflag:s10], $0x800  }
0x2e: {  	[sflag:s10] =	ssyncset.done $0x0  }
0x2f: {  	[sflag:s10] =	ssyncadd.s32 $0xFFFFF800  }
0x30: {  	[tilespmem:s13], [sflag:$0x1] =	stream.indirect.gather [hbm4b:s4+s12], $0x80, s3, s12, $0xb8;
	[tilespmem:$0x1D000] =	vst v63  }
0x31: {  	_ =	swait.ge [sflag:s14], $0x4000  }
0x32: {  	[sflag:s14] =	ssyncset.done $0x0  }
0x33: {  	[sflag:s14] =	ssyncadd.s32 $0xFFFFC000  }
0x34: {  	[tilespmem:s15], [sflag:$0x1] =	stream.indirect.gather [hbm4b:s4+s12], $0x80, s12, s12, $0xb8;
	[tilespmem:$0x1D000] =	vst v63  }
0x35: {  	_ = 	snop  }
0x36: {  	[spmem:s2] =	stream.indirect.scatter.add.f32 [tilespmem:s13], [sflag:$0x2], $0x80, s11, s12, $0xb8;
	[tilespmem:$0x1D000] =	vst v63  }
0x37: {  	_ =	swait.ge [sflag:s10], $0x4000  }
0x38: {  	[sflag:s10] =	ssyncset.done $0x0  }
0x39: {  	[sflag:s10] =	ssyncadd.s32 $0xFFFFC000  }
0x3a: {  	_ =	swait.ge [sflag:s14], $0x4000  }
0x3b: {  	[sflag:s14] =	ssyncset.done $0x0  }
0x3c: {  	s9 =	rddreg [dreg:$0x6];
	[sflag:s14] =	ssyncadd.s32 $0xFFFFC000  }
0x3d: {  	[tilespmem:s13], [sflag:$0x1] =	stream.indirect.gather [hbm4b:s4+s12], $0x80, s9, s12, $0xb8;
	[tilespmem:$0x1D000] =	vst v63  }
0x3e: {  	s7 =	rddreg [dreg:$0x7]  }
0x3f: {  	[spmem:s2] =	stream.indirect.scatter.add.f32 [tilespmem:s15], [sflag:$0x2], $0x80, s7, s12, $0xb8;
	[tilespmem:$0x1D000] =	vst v63  }
0x40: {  	_ =	swait.ge [sflag:s10], $0x4000  }
0x41: {  	[sflag:s10] =	ssyncset.done $0x0  }
0x42: {  	[sflag:s10] =	ssyncadd.s32 $0xFFFFC000  }
0x43: {  	_ =	swait.ge [sflag:s14], $0x4000  }
0x44: {  	[sflag:s14] =	ssyncset.done $0x0  }
0x45: {  	s9 =	rddreg [dreg:$0x8];
	[sflag:s14] =	ssyncadd.s32 $0xFFFFC000  }
0x46: {  	[tilespmem:s15], [sflag:$0x1] =	stream.indirect.gather [hbm4b:s4+s12], $0x80, s9, s12, $0xb8;
	[tilespmem:$0x1D000] =	vst v63  }
0x47: {  	s7 =	rddreg [dreg:$0x9]  }
0x48: {  	[spmem:s2] =	stream.indirect.scatter.add.f32 [tilespmem:s13], [sflag:$0x2], $0x80, s7, s12, $0xb8;
	[tilespmem:$0x1D000] =	vst v63  }
0x49: {  	_ =	swait.ge [sflag:s10], $0x4000  }
0x4a: {  	[sflag:s10] =	ssyncset.done $0x0  }
0x4b: {  	[sflag:s10] =	ssyncadd.s32 $0xFFFFC000  }
0x4c: {  	_ =	swait.ge [sflag:s14], $0x4000  }
0x4d: {  	[sflag:s14] =	ssyncset.done $0x0  }
0x4e: {  	s9 =	rddreg [dreg:$0xa];
	[sflag:s14] =	ssyncadd.s32 $0xFFFFC000  }
0x4f: {  	[tilespmem:s13], [sflag:$0x1] =	stream.indirect.gather [hbm4b:s4+s12], $0x80, s9, s12, $0xb8;
	[tilespmem:$0x1D000] =	vst v63  }
0x50: {  	s7 =	rddreg [dreg:$0xb]  }
0x51: {  	[spmem:s2] =	stream.indirect.scatter.add.f32 [tilespmem:s15], [sflag:$0x2], $0x80, s7, s12, $0xb8;
	[tilespmem:$0x1D000] =	vst v63  }
0x52: {  	_ =	swait.ge [sflag:s10], $0x4000  }
0x53: {  	[sflag:s10] =	ssyncset.done $0x0  }
0x54: {  	[sflag:s10] =	ssyncadd.s32 $0xFFFFC000  }
0x55: {  	_ =	swait.ge [sflag:s14], $0x4000  }
0x56: {  	[sflag:s14] =	ssyncset.done $0x0  }
0x57: {  	s9 =	rddreg [dreg:$0xc];
	[sflag:s14] =	ssyncadd.s32 $0xFFFFC000  }
0x58: {  	[tilespmem:s15], [sflag:$0x1] =	stream.indirect.gather [hbm4b:s4+s12], $0x80, s9, s12, $0xb8;
	[tilespmem:$0x1D000] =	vst v63  }
0x59: {  	s7 =	rddreg [dreg:$0xd]  }
0x5a: {  	[spmem:s2] =	stream.indirect.scatter.add.f32 [tilespmem:s13], [sflag:$0x2], $0x80, s7, s12, $0xb8;
	[tilespmem:$0x1D000] =	vst v63  }
0x5b: {  	_ =	swait.ge [sflag:s10], $0x4000  }
0x5c: {  	[sflag:s10] =	ssyncset.done $0x0  }
0x5d: {  	[sflag:s10] =	ssyncadd.s32 $0xFFFFC000  }
0x5e: {  	_ =	swait.ge [sflag:s14], $0x4000  }
0x5f: {  	[sflag:s14] =	ssyncset.done $0x0  }
0x60: {  	s9 =	rddreg [dreg:$0xe];
	[sflag:s14] =	ssyncadd.s32 $0xFFFFC000  }
0x61: {  	[tilespmem:s13], [sflag:$0x1] =	stream.indirect.gather [hbm4b:s4+s12], $0x80, s9, s12, $0xb8;
	[tilespmem:$0x1D000] =	vst v63  }
0x62: {  	s7 =	rddreg [dreg:$0xf]  }
0x63: {  	[spmem:s2] =	stream.indirect.scatter.add.f32 [tilespmem:s15], [sflag:$0x2], $0x80, s7, s12, $0xb8;
	[tilespmem:$0x1D000] =	vst v63  }
0x64: {  	_ =	swait.ge [sflag:s10], $0x4000  }
0x65: {  	[sflag:s10] =	ssyncset.done $0x0  }
0x66: {  	[sflag:s10] =	ssyncadd.s32 $0xFFFFC000  }
0x67: {  	_ =	swait.ge [sflag:s14], $0x4000  }
0x68: {  	[sflag:s14] =	ssyncset.done $0x0  }
0x69: {  	s9 =	rddreg [dreg:$0x10];
	[sflag:s14] =	ssyncadd.s32 $0xFFFFC000  }
0x6a: {  	[tilespmem:s15], [sflag:$0x1] =	stream.indirect.gather [hbm4b:s4+s12], $0x80, s9, s12, $0xb8;
	[tilespmem:$0x1D000] =	vst v63  }
0x6b: {  	_ = 	snop  }
0x6c: {  	[spmem:s2] =	stream.indirect.scatter.add.f32 [tilespmem:s13], [sflag:$0x2], $0x80, s16, s12, $0xb8;
	[tilespmem:$0x1D000] =	vst v63  }
0x6d: {  	_ =	swait.ge [sflag:s10], $0x4000  }
0x6e: {  	[sflag:s10] =	ssyncset.done $0x0  }
0x6f: {  	[sflag:s10] =	ssyncadd.s32 $0xFFFFC000  }
0x70: {  	_ =	swait.ge [sflag:s14], $0x4000  }
0x71: {  	[sflag:s14] =	ssyncset.done $0x0  }
0x72: {  	[sflag:s14] =	ssyncadd.s32 $0xFFFFC000  }
0x73: {  	[tilespmem:s13], [sflag:$0x1] =	stream.indirect.gather [hbm4b:s4+s12], $0x80, s17, s12, $0xb8;
	[tilespmem:$0x1D000] =	vst v63  }
0x74: {  	_ = 	snop  }
0x75: {  	[spmem:s2] =	stream.indirect.scatter.add.f32 [tilespmem:s15], [sflag:$0x2], $0x80, s18, s12, $0xb8;
	[tilespmem:$0x1D000] =	vst v63  }
0x76: {  	_ =	swait.ge [sflag:s10], $0x4000  }
0x77: {  	[sflag:s10] =	ssyncset.done $0x0  }
0x78: {  	[sflag:s10] =	ssyncadd.s32 $0xFFFFC000  }
0x79: {  	_ =	swait.ge [sflag:s14], $0x4000  }
0x7a: {  	[sflag:s14] =	ssyncset.done $0x0  }
0x7b: {  	[sflag:s14] =	ssyncadd.s32 $0xFFFFC000  }
0x7c: {  	[tilespmem:s15], [sflag:$0x1] =	stream.indirect.gather [hbm4b:s4+s12], $0x80, s19, s12, $0xb8;
	[tilespmem:$0x1D000] =	vst v63  }
0x7d: {  	_ = 	snop  }
0x7e: {  	[spmem:s2] =	stream.indirect.scatter.add.f32 [tilespmem:s13], [sflag:$0x2], $0x80, s20, s12, $0xb8;
	[tilespmem:$0x1D000] =	vst v63  }
0x7f: {  	_ =	swait.ge [sflag:s10], $0x4000  }
0x80: {  	[sflag:s10] =	ssyncset.done $0x0  }
0x81: {  	[sflag:s10] =	ssyncadd.s32 $0xFFFFC000  }
0x82: {  	_ =	swait.ge [sflag:s14], $0x4000  }
0x83: {  	[sflag:s14] =	ssyncset.done $0x0  }
0x84: {  	[sflag:s14] =	ssyncadd.s32 $0xFFFFC000  }
0x85: {  	[tilespmem:s13], [sflag:$0x1] =	stream.indirect.gather [hbm4b:s4+s12], $0x80, s21, s12, $0xb8;
	[tilespmem:$0x1D000] =	vst v63  }
0x86: {  	_ = 	snop  }
0x87: {  	[spmem:s2] =	stream.indirect.scatter.add.f32 [tilespmem:s15], [sflag:$0x2], $0x80, s22, s12, $0xb8;
	[tilespmem:$0x1D000] =	vst v63  }
0x88: {  	_ =	swait.ge [sflag:s10], $0x4000  }
0x89: {  	[sflag:s10] =	ssyncset.done $0x0  }
0x8a: {  	[sflag:s10] =	ssyncadd.s32 $0xFFFFC000  }
0x8b: {  	_ =	swait.ge [sflag:s14], $0x4000  }
0x8c: {  	[sflag:s14] =	ssyncset.done $0x0  }
0x8d: {  	[sflag:s14] =	ssyncadd.s32 $0xFFFFC000  }
0x8e: {  	[tilespmem:s15], [sflag:$0x1] =	stream.indirect.gather [hbm4b:s4+s12], $0x80, s23, s12, $0xb8;
	[tilespmem:$0x1D000] =	vst v63  }
0x8f: {  	_ = 	snop  }
0x90: {  	[spmem:s2] =	stream.indirect.scatter.add.f32 [tilespmem:s13], [sflag:$0x2], $0x80, s24, s12, $0xb8;
	[tilespmem:$0x1D000] =	vst v63  }
0x91: {  	_ =	swait.ge [sflag:s10], $0x4000  }
0x92: {  	[sflag:s10] =	ssyncset.done $0x0  }
0x93: {  	[sflag:s10] =	ssyncadd.s32 $0xFFFFC000  }
0x94: {  	_ =	swait.ge [sflag:s14], $0x4000  }
0x95: {  	[sflag:s14] =	ssyncset.done $0x0  }
0x96: {  	[sflag:s14] =	ssyncadd.s32 $0xFFFFC000  }
0x97: {  	[tilespmem:s13], [sflag:$0x1] =	stream.indirect.gather [hbm4b:s4+s12], $0x80, s25, s12, $0xb8;
	[tilespmem:$0x1D000] =	vst v63  }
0x98: {  	_ = 	snop  }
0x99: {  	[spmem:s2] =	stream.indirect.scatter.add.f32 [tilespmem:s15], [sflag:$0x2], $0x80, s26, s12, $0xb8;
	[tilespmem:$0x1D000] =	vst v63  }
0x9a: {  	_ =	swait.ge [sflag:s10], $0x4000  }
0x9b: {  	[sflag:s10] =	ssyncset.done $0x0  }
0x9c: {  	[sflag:s10] =	ssyncadd.s32 $0xFFFFC000  }
0x9d: {  	_ =	swait.ge [sflag:s14], $0x4000  }
0x9e: {  	[sflag:s14] =	ssyncset.done $0x0  }
0x9f: {  	[sflag:s14] =	ssyncadd.s32 $0xFFFFC000  }
0xa0: {  	[tilespmem:s15], [sflag:$0x1] =	stream.indirect.gather [hbm4b:s4+s12], $0x80, s28, s12, $0xb8;
	[tilespmem:$0x1D000] =	vst v63  }
0xa1: {  	_ = 	snop  }
0xa2: {  	[spmem:s2] =	stream.indirect.scatter.add.f32 [tilespmem:s13], [sflag:$0x2], $0x80, s29, s12, $0xb8;
	[tilespmem:$0x1D000] =	vst v63  }
0xa3: {  	_ =	swait.ge [sflag:s10], $0x4000  }
0xa4: {  	[sflag:s10] =	ssyncset.done $0x0  }
0xa5: {  	[sflag:s10] =	ssyncadd.s32 $0xFFFFC000  }
0xa6: {  	_ =	swait.ge [sflag:s14], $0x4000  }
0xa7: {  	[sflag:s14] =	ssyncset.done $0x0  }
0xa8: {  	[sflag:s14] =	ssyncadd.s32 $0xFFFFC000  }
0xa9: {  	[tilespmem:s13], [sflag:$0x1] =	stream.indirect.gather [hbm4b:s4+s12], $0x80, s30, s12, $0xb8;
	[tilespmem:$0x1D000] =	vst v63  }
0xaa: {  	_ = 	snop  }
0xab: {  	[spmem:s2] =	stream.indirect.scatter.add.f32 [tilespmem:s15], [sflag:$0x2], $0x80, s31, s12, $0xb8;
	[tilespmem:$0x1D000] =	vst v63  }
0xac: {  	_ =	swait.ge [sflag:s10], $0x4000  }
0xad: {  	[sflag:s10] =	ssyncset.done $0x0  }
0xae: {  	[sflag:s10] =	ssyncadd.s32 $0xFFFFC000  }
0xaf: {  	_ =	swait.ge [sflag:s14], $0x4000  }
0xb0: {  	[sflag:s14] =	ssyncset.done $0x0  }
0xb1: {  	[sflag:s14] =	ssyncadd.s32 $0xFFFFC000  }
0xb2: {  	[tilespmem:s15], [sflag:$0x1] =	stream.indirect.gather [hbm4b:s4+s12], $0x80, s1, s12, $0xb8;
	[tilespmem:$0x1D000] =	vst v63  }
0xb3: {  	_ = 	snop  }
0xb4: {  	[spmem:s2] =	stream.indirect.scatter.add.f32 [tilespmem:s13], [sflag:$0x2], $0x80, s0, s12, $0xb8;
	[tilespmem:$0x1D000] =	vst v63  }
0xb5: {  	_ =	swait.ge [sflag:s10], $0x4000  }
0xb6: {  	[sflag:s10] =	ssyncset.done $0x0  }
0xb7: {  	[sflag:s10] =	ssyncadd.s32 $0xFFFFC000  }
0xb8: {  	_ =	swait.ge [sflag:s14], $0x4000  }
0xb9: {  	[sflag:s14] =	ssyncset.done $0x0  }
0xba: {  	[sflag:s14] =	ssyncadd.s32 $0xFFFFC000  }
0xbb: {  	[spmem:s2] =	stream.indirect.scatter.add.f32 [tilespmem:s15], [sflag:$0x2], $0x80, s5, s12, $0xb8;
	[tilespmem:$0x1D000] =	vst v63  }
0xbc: {  	s8 =	simm.s32 $0x100;
	_ =	swait.ge [sflag:s10], $0x4000  }
0xbd: {  	s6 =	simm.s32 $0x200;
	s9 =	rddreg [dreg:$0x5];
	[sflag:s10] =	ssyncset.done $0x0  }
.LBB2_2:
0xbe: {  	[sflag:s10] =	ssyncadd.s32 $0xFFFFC000;
	s9 =	sadd.s32 s8, s9  }
0xbf: {  	[tilespmem:s3], [sflag:$0x2] =	stream.linear.gather [hbm4b:s9+s3], $0x800, $0x38;
	[tilespmem:$0x1D000] =	vst v63  }
0xc0: {  	_ =	swait.ge [sflag:s10], $0x800  }
0xc1: {  	s9 =	rddreg [dreg:$0x4];
	[sflag:s10] =	ssyncset.done $0x0  }
0xc2: {  	[sflag:s10] =	ssyncadd.s32 $0xFFFFF800;
	s9 =	sadd.s32 s8, s9  }
0xc3: {  	[tilespmem:s11], [sflag:$0x2] =	stream.linear.gather [hbm4b:s9+s3], $0x800, $0x38;
	[tilespmem:$0x1D000] =	vst v63  }
0xc4: {  	_ =	swait.ge [sflag:s10], $0x800  }
0xc5: {  	[sflag:s10] =	ssyncset.done $0x0  }
0xc6: {  	[sflag:s10] =	ssyncadd.s32 $0xFFFFF800  }
0xc7: {  	[tilespmem:s13], [sflag:$0x1] =	stream.indirect.gather [hbm4b:s4+s12], $0x80, s3, s12, $0xb8;
	[tilespmem:$0x1D000] =	vst v63  }
0xc8: {  	_ =	swait.ge [sflag:s14], $0x4000  }
0xc9: {  	[sflag:s14] =	ssyncset.done $0x0  }
0xca: {  	[sflag:s14] =	ssyncadd.s32 $0xFFFFC000  }
0xcb: {  	[tilespmem:s15], [sflag:$0x1] =	stream.indirect.gather [hbm4b:s4+s12], $0x80, s12, s12, $0xb8;
	[tilespmem:$0x1D000] =	vst v63  }
0xcc: {  	_ = 	snop  }
0xcd: {  	[spmem:s2] =	stream.indirect.scatter.add.f32 [tilespmem:s13], [sflag:$0x2], $0x80, s11, s12, $0xb8;
	[tilespmem:$0x1D000] =	vst v63  }
0xce: {  	_ =	swait.ge [sflag:s10], $0x4000  }
0xcf: {  	[sflag:s10] =	ssyncset.done $0x0  }
0xd0: {  	[sflag:s10] =	ssyncadd.s32 $0xFFFFC000  }
0xd1: {  	_ =	swait.ge [sflag:s14], $0x4000  }
0xd2: {  	s7 =	smov.u32 s6;
	[sflag:s14] =	ssyncset.done $0x0  }
0xd3: {  	s8 =	smov.u32 s7;
	s7 =	rddreg [dreg:$0x6];
	[sflag:s14] =	ssyncadd.s32 $0xFFFFC000  }
0xd4: {  	[tilespmem:s13], [sflag:$0x1] =	stream.indirect.gather [hbm4b:s4+s12], $0x80, s7, s12, $0xb8;
	[tilespmem:$0x1D000] =	vst v63  }
0xd5: {  	s9 =	rddreg [dreg:$0x7]  }
0xd6: {  	[spmem:s2] =	stream.indirect.scatter.add.f32 [tilespmem:s15], [sflag:$0x2], $0x80, s9, s12, $0xb8;
	[tilespmem:$0x1D000] =	vst v63  }
0xd7: {  	_ =	swait.ge [sflag:s10], $0x4000  }
0xd8: {  	[sflag:s10] =	ssyncset.done $0x0  }
0xd9: {  	[sflag:s10] =	ssyncadd.s32 $0xFFFFC000  }
0xda: {  	_ =	swait.ge [sflag:s14], $0x4000  }
0xdb: {  	[sflag:s14] =	ssyncset.done $0x0  }
0xdc: {  	s7 =	rddreg [dreg:$0x8];
	[sflag:s14] =	ssyncadd.s32 $0xFFFFC000  }
0xdd: {  	[tilespmem:s15], [sflag:$0x1] =	stream.indirect.gather [hbm4b:s4+s12], $0x80, s7, s12, $0xb8;
	[tilespmem:$0x1D000] =	vst v63  }
0xde: {  	s9 =	rddreg [dreg:$0x9]  }
0xdf: {  	[spmem:s2] =	stream.indirect.scatter.add.f32 [tilespmem:s13], [sflag:$0x2], $0x80, s9, s12, $0xb8;
	[tilespmem:$0x1D000] =	vst v63  }
0xe0: {  	_ =	swait.ge [sflag:s10], $0x4000  }
0xe1: {  	[sflag:s10] =	ssyncset.done $0x0  }
0xe2: {  	[sflag:s10] =	ssyncadd.s32 $0xFFFFC000  }
0xe3: {  	_ =	swait.ge [sflag:s14], $0x4000  }
0xe4: {  	[sflag:s14] =	ssyncset.done $0x0  }
0xe5: {  	s7 =	rddreg [dreg:$0xa];
	[sflag:s14] =	ssyncadd.s32 $0xFFFFC000  }
0xe6: {  	[tilespmem:s13], [sflag:$0x1] =	stream.indirect.gather [hbm4b:s4+s12], $0x80, s7, s12, $0xb8;
	[tilespmem:$0x1D000] =	vst v63  }
0xe7: {  	s9 =	rddreg [dreg:$0xb]  }
0xe8: {  	[spmem:s2] =	stream.indirect.scatter.add.f32 [tilespmem:s15], [sflag:$0x2], $0x80, s9, s12, $0xb8;
	[tilespmem:$0x1D000] =	vst v63  }
0xe9: {  	_ =	swait.ge [sflag:s10], $0x4000  }
0xea: {  	[sflag:s10] =	ssyncset.done $0x0  }
0xeb: {  	[sflag:s10] =	ssyncadd.s32 $0xFFFFC000  }
0xec: {  	_ =	swait.ge [sflag:s14], $0x4000  }
0xed: {  	[sflag:s14] =	ssyncset.done $0x0  }
0xee: {  	s7 =	rddreg [dreg:$0xc];
	[sflag:s14] =	ssyncadd.s32 $0xFFFFC000  }
0xef: {  	[tilespmem:s15], [sflag:$0x1] =	stream.indirect.gather [hbm4b:s4+s12], $0x80, s7, s12, $0xb8;
	[tilespmem:$0x1D000] =	vst v63  }
0xf0: {  	s9 =	rddreg [dreg:$0xd]  }
0xf1: {  	[spmem:s2] =	stream.indirect.scatter.add.f32 [tilespmem:s13], [sflag:$0x2], $0x80, s9, s12, $0xb8;
	[tilespmem:$0x1D000] =	vst v63  }
0xf2: {  	_ =	swait.ge [sflag:s10], $0x4000  }
0xf3: {  	[sflag:s10] =	ssyncset.done $0x0  }
0xf4: {  	[sflag:s10] =	ssyncadd.s32 $0xFFFFC000  }
0xf5: {  	_ =	swait.ge [sflag:s14], $0x4000  }
0xf6: {  	[sflag:s14] =	ssyncset.done $0x0  }
0xf7: {  	s7 =	rddreg [dreg:$0xe];
	[sflag:s14] =	ssyncadd.s32 $0xFFFFC000  }
0xf8: {  	[tilespmem:s13], [sflag:$0x1] =	stream.indirect.gather [hbm4b:s4+s12], $0x80, s7, s12, $0xb8;
	[tilespmem:$0x1D000] =	vst v63  }
0xf9: {  	s9 =	rddreg [dreg:$0xf]  }
0xfa: {  	[spmem:s2] =	stream.indirect.scatter.add.f32 [tilespmem:s15], [sflag:$0x2], $0x80, s9, s12, $0xb8;
	[tilespmem:$0x1D000] =	vst v63  }
0xfb: {  	_ =	swait.ge [sflag:s10], $0x4000  }
0xfc: {  	[sflag:s10] =	ssyncset.done $0x0  }
0xfd: {  	[sflag:s10] =	ssyncadd.s32 $0xFFFFC000  }
0xfe: {  	_ =	swait.ge [sflag:s14], $0x4000  }
0xff: {  	[sflag:s14] =	ssyncset.done $0x0  }
0x100: {  	s9 =	rddreg [dreg:$0x10];
	[sflag:s14] =	ssyncadd.s32 $0xFFFFC000  }
0x101: {  	[tilespmem:s15], [sflag:$0x1] =	stream.indirect.gather [hbm4b:s4+s12], $0x80, s9, s12, $0xb8;
	[tilespmem:$0x1D000] =	vst v63  }
0x102: {  	_ = 	snop  }
0x103: {  	[spmem:s2] =	stream.indirect.scatter.add.f32 [tilespmem:s13], [sflag:$0x2], $0x80, s16, s12, $0xb8;
	[tilespmem:$0x1D000] =	vst v63  }
0x104: {  	_ =	swait.ge [sflag:s10], $0x4000  }
0x105: {  	[sflag:s10] =	ssyncset.done $0x0  }
0x106: {  	[sflag:s10] =	ssyncadd.s32 $0xFFFFC000  }
0x107: {  	_ =	swait.ge [sflag:s14], $0x4000  }
0x108: {  	[sflag:s14] =	ssyncset.done $0x0  }
0x109: {  	[sflag:s14] =	ssyncadd.s32 $0xFFFFC000  }
0x10a: {  	[tilespmem:s13], [sflag:$0x1] =	stream.indirect.gather [hbm4b:s4+s12], $0x80, s17, s12, $0xb8;
	[tilespmem:$0x1D000] =	vst v63  }
0x10b: {  	_ = 	snop  }
0x10c: {  	[spmem:s2] =	stream.indirect.scatter.add.f32 [tilespmem:s15], [sflag:$0x2], $0x80, s18, s12, $0xb8;
	[tilespmem:$0x1D000] =	vst v63  }
0x10d: {  	_ =	swait.ge [sflag:s10], $0x4000  }
0x10e: {  	[sflag:s10] =	ssyncset.done $0x0  }
0x10f: {  	[sflag:s10] =	ssyncadd.s32 $0xFFFFC000  }
0x110: {  	_ =	swait.ge [sflag:s14], $0x4000  }
0x111: {  	[sflag:s14] =	ssyncset.done $0x0  }
0x112: {  	[sflag:s14] =	ssyncadd.s32 $0xFFFFC000  }
0x113: {  	[tilespmem:s15], [sflag:$0x1] =	stream.indirect.gather [hbm4b:s4+s12], $0x80, s19, s12, $0xb8;
	[tilespmem:$0x1D000] =	vst v63  }
0x114: {  	_ = 	snop  }
0x115: {  	[spmem:s2] =	stream.indirect.scatter.add.f32 [tilespmem:s13], [sflag:$0x2], $0x80, s20, s12, $0xb8;
	[tilespmem:$0x1D000] =	vst v63  }
0x116: {  	_ =	swait.ge [sflag:s10], $0x4000  }
0x117: {  	[sflag:s10] =	ssyncset.done $0x0  }
0x118: {  	[sflag:s10] =	ssyncadd.s32 $0xFFFFC000  }
0x119: {  	_ =	swait.ge [sflag:s14], $0x4000  }
0x11a: {  	[sflag:s14] =	ssyncset.done $0x0  }
0x11b: {  	[sflag:s14] =	ssyncadd.s32 $0xFFFFC000  }
0x11c: {  	[tilespmem:s13], [sflag:$0x1] =	stream.indirect.gather [hbm4b:s4+s12], $0x80, s21, s12, $0xb8;
	[tilespmem:$0x1D000] =	vst v63  }
0x11d: {  	_ = 	snop  }
0x11e: {  	[spmem:s2] =	stream.indirect.scatter.add.f32 [tilespmem:s15], [sflag:$0x2], $0x80, s22, s12, $0xb8;
	[tilespmem:$0x1D000] =	vst v63  }
0x11f: {  	_ =	swait.ge [sflag:s10], $0x4000  }
0x120: {  	[sflag:s10] =	ssyncset.done $0x0  }
0x121: {  	[sflag:s10] =	ssyncadd.s32 $0xFFFFC000  }
0x122: {  	_ =	swait.ge [sflag:s14], $0x4000  }
0x123: {  	[sflag:s14] =	ssyncset.done $0x0  }
0x124: {  	[sflag:s14] =	ssyncadd.s32 $0xFFFFC000  }
0x125: {  	[tilespmem:s15], [sflag:$0x1] =	stream.indirect.gather [hbm4b:s4+s12], $0x80, s23, s12, $0xb8;
	[tilespmem:$0x1D000] =	vst v63  }
0x126: {  	_ = 	snop  }
0x127: {  	[spmem:s2] =	stream.indirect.scatter.add.f32 [tilespmem:s13], [sflag:$0x2], $0x80, s24, s12, $0xb8;
	[tilespmem:$0x1D000] =	vst v63  }
0x128: {  	_ =	swait.ge [sflag:s10], $0x4000  }
0x129: {  	[sflag:s10] =	ssyncset.done $0x0  }
0x12a: {  	[sflag:s10] =	ssyncadd.s32 $0xFFFFC000  }
0x12b: {  	_ =	swait.ge [sflag:s14], $0x4000  }
0x12c: {  	[sflag:s14] =	ssyncset.done $0x0  }
0x12d: {  	[sflag:s14] =	ssyncadd.s32 $0xFFFFC000  }
0x12e: {  	[tilespmem:s13], [sflag:$0x1] =	stream.indirect.gather [hbm4b:s4+s12], $0x80, s25, s12, $0xb8;
	[tilespmem:$0x1D000] =	vst v63  }
0x12f: {  	_ = 	snop  }
0x130: {  	[spmem:s2] =	stream.indirect.scatter.add.f32 [tilespmem:s15], [sflag:$0x2], $0x80, s26, s12, $0xb8;
	[tilespmem:$0x1D000] =	vst v63  }
0x131: {  	_ =	swait.ge [sflag:s10], $0x4000  }
0x132: {  	[sflag:s10] =	ssyncset.done $0x0  }
0x133: {  	[sflag:s10] =	ssyncadd.s32 $0xFFFFC000  }
0x134: {  	_ =	swait.ge [sflag:s14], $0x4000  }
0x135: {  	[sflag:s14] =	ssyncset.done $0x0  }
0x136: {  	[sflag:s14] =	ssyncadd.s32 $0xFFFFC000  }
0x137: {  	[tilespmem:s15], [sflag:$0x1] =	stream.indirect.gather [hbm4b:s4+s12], $0x80, s28, s12, $0xb8;
	[tilespmem:$0x1D000] =	vst v63  }
0x138: {  	_ = 	snop  }
0x139: {  	[spmem:s2] =	stream.indirect.scatter.add.f32 [tilespmem:s13], [sflag:$0x2], $0x80, s29, s12, $0xb8;
	[tilespmem:$0x1D000] =	vst v63  }
0x13a: {  	_ =	swait.ge [sflag:s10], $0x4000  }
0x13b: {  	[sflag:s10] =	ssyncset.done $0x0  }
0x13c: {  	[sflag:s10] =	ssyncadd.s32 $0xFFFFC000  }
0x13d: {  	_ =	swait.ge [sflag:s14], $0x4000  }
0x13e: {  	[sflag:s14] =	ssyncset.done $0x0  }
0x13f: {  	[sflag:s14] =	ssyncadd.s32 $0xFFFFC000  }
0x140: {  	[tilespmem:s13], [sflag:$0x1] =	stream.indirect.gather [hbm4b:s4+s12], $0x80, s30, s12, $0xb8;
	[tilespmem:$0x1D000] =	vst v63  }
0x141: {  	_ = 	snop  }
0x142: {  	[spmem:s2] =	stream.indirect.scatter.add.f32 [tilespmem:s15], [sflag:$0x2], $0x80, s31, s12, $0xb8;
	[tilespmem:$0x1D000] =	vst v63  }
0x143: {  	_ =	swait.ge [sflag:s10], $0x4000  }
0x144: {  	[sflag:s10] =	ssyncset.done $0x0  }
0x145: {  	[sflag:s10] =	ssyncadd.s32 $0xFFFFC000  }
0x146: {  	_ =	swait.ge [sflag:s14], $0x4000  }
0x147: {  	[sflag:s14] =	ssyncset.done $0x0  }
0x148: {  	[sflag:s14] =	ssyncadd.s32 $0xFFFFC000  }
0x149: {  	[tilespmem:s15], [sflag:$0x1] =	stream.indirect.gather [hbm4b:s4+s12], $0x80, s1, s12, $0xb8;
	[tilespmem:$0x1D000] =	vst v63  }
0x14a: {  	_ = 	snop  }
0x14b: {  	[spmem:s2] =	stream.indirect.scatter.add.f32 [tilespmem:s13], [sflag:$0x2], $0x80, s0, s12, $0xb8;
	[tilespmem:$0x1D000] =	vst v63  }
0x14c: {  	_ =	swait.ge [sflag:s10], $0x4000  }
0x14d: {  	[sflag:s10] =	ssyncset.done $0x0  }
0x14e: {  	[sflag:s10] =	ssyncadd.s32 $0xFFFFC000  }
0x14f: {  	p0 =	sne.s32 s6, $0x400;
	_ =	swait.ge [sflag:s14], $0x4000  }
.Ltmp0:
0x150: {  	[sflag:s14] =	ssyncset.done $0x0;
	(pc) =	sbr.rel @p0 .LBB2_2-.Ltmp0, $4  }
0x151: {  	[sflag:s14] =	ssyncadd.s32 $0xFFFFC000  }
0x152: {  	[spmem:s2] =	stream.indirect.scatter.add.f32 [tilespmem:s15], [sflag:$0x2], $0x80, s5, s12, $0xb8;
	[tilespmem:$0x1D000] =	vst v63  }
0x153: {  	_ =	swait.ge [sflag:s10], $0x4000  }
0x154: {  	s6 =	sadd.s32 $0x100, s6;
	s9 =	rddreg [dreg:$0x5];
	[sflag:s10] =	ssyncset.done $0x0  }
0x155: {  	[sflag:s10] =	ssyncadd.s32 $0xFFFFC000;
	s6 =	sadd.s32 s8, s9  }
0x156: {  	[tilespmem:s3], [sflag:$0x2] =	stream.linear.gather [hbm4b:s6+s3], $0x800, $0x38;
	[tilespmem:$0x1D000] =	vst v63  }
0x157: {  	_ =	swait.ge [sflag:s10], $0x800  }
0x158: {  	s7 =	rddreg [dreg:$0x4];
	[sflag:s10] =	ssyncset.done $0x0  }
0x159: {  	[sflag:s10] =	ssyncadd.s32 $0xFFFFF800;
	s6 =	sadd.s32 s8, s7  }
0x15a: {  	[tilespmem:s11], [sflag:$0x2] =	stream.linear.gather [hbm4b:s6+s3], $0x800, $0x38;
	[tilespmem:$0x1D000] =	vst v63  }
0x15b: {  	_ =	swait.ge [sflag:s10], $0x800  }
0x15c: {  	[sflag:s10] =	ssyncset.done $0x0  }
0x15d: {  	[sflag:s10] =	ssyncadd.s32 $0xFFFFF800  }
0x15e: {  	[tilespmem:s13], [sflag:$0x1] =	stream.indirect.gather [hbm4b:s4+s12], $0x80, s3, s12, $0xb8;
	[tilespmem:$0x1D000] =	vst v63  }
0x15f: {  	_ =	swait.ge [sflag:s14], $0x4000  }
0x160: {  	[sflag:s14] =	ssyncset.done $0x0  }
0x161: {  	[sflag:s14] =	ssyncadd.s32 $0xFFFFC000  }
0x162: {  	[tilespmem:s15], [sflag:$0x1] =	stream.indirect.gather [hbm4b:s4+s12], $0x80, s12, s12, $0xb8;
	[tilespmem:$0x1D000] =	vst v63  }
0x163: {  	_ = 	snop  }
0x164: {  	[spmem:s2] =	stream.indirect.scatter.add.f32 [tilespmem:s13], [sflag:$0x2], $0x80, s11, s12, $0xb8;
	[tilespmem:$0x1D000] =	vst v63  }
0x165: {  	_ =	swait.ge [sflag:s10], $0x4000  }
0x166: {  	[sflag:s10] =	ssyncset.done $0x0  }
0x167: {  	[sflag:s10] =	ssyncadd.s32 $0xFFFFC000  }
0x168: {  	_ =	swait.ge [sflag:s14], $0x4000  }
0x169: {  	[sflag:s14] =	ssyncset.done $0x0  }
0x16a: {  	s9 =	rddreg [dreg:$0x6];
	[sflag:s14] =	ssyncadd.s32 $0xFFFFC000  }
0x16b: {  	[tilespmem:s13], [sflag:$0x1] =	stream.indirect.gather [hbm4b:s4+s12], $0x80, s9, s12, $0xb8;
	[tilespmem:$0x1D000] =	vst v63  }
0x16c: {  	s7 =	rddreg [dreg:$0x7]  }
0x16d: {  	[spmem:s2] =	stream.indirect.scatter.add.f32 [tilespmem:s15], [sflag:$0x2], $0x80, s7, s12, $0xb8;
	[tilespmem:$0x1D000] =	vst v63  }
0x16e: {  	_ =	swait.ge [sflag:s10], $0x4000  }
0x16f: {  	[sflag:s10] =	ssyncset.done $0x0  }
0x170: {  	[sflag:s10] =	ssyncadd.s32 $0xFFFFC000  }
0x171: {  	_ =	swait.ge [sflag:s14], $0x4000  }
0x172: {  	[sflag:s14] =	ssyncset.done $0x0  }
0x173: {  	s8 =	rddreg [dreg:$0x8];
	[sflag:s14] =	ssyncadd.s32 $0xFFFFC000  }
0x174: {  	[tilespmem:s15], [sflag:$0x1] =	stream.indirect.gather [hbm4b:s4+s12], $0x80, s8, s12, $0xb8;
	[tilespmem:$0x1D000] =	vst v63  }
0x175: {  	s9 =	rddreg [dreg:$0x9]  }
0x176: {  	[spmem:s2] =	stream.indirect.scatter.add.f32 [tilespmem:s13], [sflag:$0x2], $0x80, s9, s12, $0xb8;
	[tilespmem:$0x1D000] =	vst v63  }
0x177: {  	_ =	swait.ge [sflag:s10], $0x4000  }
0x178: {  	[sflag:s10] =	ssyncset.done $0x0  }
0x179: {  	[sflag:s10] =	ssyncadd.s32 $0xFFFFC000  }
0x17a: {  	_ =	swait.ge [sflag:s14], $0x4000  }
0x17b: {  	[sflag:s14] =	ssyncset.done $0x0  }
0x17c: {  	s8 =	rddreg [dreg:$0xa];
	[sflag:s14] =	ssyncadd.s32 $0xFFFFC000  }
0x17d: {  	[tilespmem:s13], [sflag:$0x1] =	stream.indirect.gather [hbm4b:s4+s12], $0x80, s8, s12, $0xb8;
	[tilespmem:$0x1D000] =	vst v63  }
0x17e: {  	s9 =	rddreg [dreg:$0xb]  }
0x17f: {  	[spmem:s2] =	stream.indirect.scatter.add.f32 [tilespmem:s15], [sflag:$0x2], $0x80, s9, s12, $0xb8;
	[tilespmem:$0x1D000] =	vst v63  }
0x180: {  	_ =	swait.ge [sflag:s10], $0x4000  }
0x181: {  	[sflag:s10] =	ssyncset.done $0x0  }
0x182: {  	[sflag:s10] =	ssyncadd.s32 $0xFFFFC000  }
0x183: {  	_ =	swait.ge [sflag:s14], $0x4000  }
0x184: {  	[sflag:s14] =	ssyncset.done $0x0  }
0x185: {  	s8 =	rddreg [dreg:$0xc];
	[sflag:s14] =	ssyncadd.s32 $0xFFFFC000  }
0x186: {  	[tilespmem:s15], [sflag:$0x1] =	stream.indirect.gather [hbm4b:s4+s12], $0x80, s8, s12, $0xb8;
	[tilespmem:$0x1D000] =	vst v63  }
0x187: {  	s9 =	rddreg [dreg:$0xd]  }
0x188: {  	[spmem:s2] =	stream.indirect.scatter.add.f32 [tilespmem:s13], [sflag:$0x2], $0x80, s9, s12, $0xb8;
	[tilespmem:$0x1D000] =	vst v63  }
0x189: {  	_ =	swait.ge [sflag:s10], $0x4000  }
0x18a: {  	[sflag:s10] =	ssyncset.done $0x0  }
0x18b: {  	[sflag:s10] =	ssyncadd.s32 $0xFFFFC000  }
0x18c: {  	_ =	swait.ge [sflag:s14], $0x4000  }
0x18d: {  	[sflag:s14] =	ssyncset.done $0x0  }
0x18e: {  	s8 =	rddreg [dreg:$0xe];
	[sflag:s14] =	ssyncadd.s32 $0xFFFFC000  }
0x18f: {  	[tilespmem:s13], [sflag:$0x1] =	stream.indirect.gather [hbm4b:s4+s12], $0x80, s8, s12, $0xb8;
	[tilespmem:$0x1D000] =	vst v63  }
0x190: {  	s9 =	rddreg [dreg:$0xf]  }
0x191: {  	[spmem:s2] =	stream.indirect.scatter.add.f32 [tilespmem:s15], [sflag:$0x2], $0x80, s9, s12, $0xb8;
	[tilespmem:$0x1D000] =	vst v63  }
0x192: {  	_ =	swait.ge [sflag:s10], $0x4000  }
0x193: {  	[sflag:s10] =	ssyncset.done $0x0  }
0x194: {  	[sflag:s10] =	ssyncadd.s32 $0xFFFFC000  }
0x195: {  	_ =	swait.ge [sflag:s14], $0x4000  }
0x196: {  	[sflag:s14] =	ssyncset.done $0x0  }
0x197: {  	s8 =	rddreg [dreg:$0x10];
	[sflag:s14] =	ssyncadd.s32 $0xFFFFC000  }
0x198: {  	[tilespmem:s15], [sflag:$0x1] =	stream.indirect.gather [hbm4b:s4+s12], $0x80, s8, s12, $0xb8;
	[tilespmem:$0x1D000] =	vst v63  }
0x199: {  	_ = 	snop  }
0x19a: {  	[spmem:s2] =	stream.indirect.scatter.add.f32 [tilespmem:s13], [sflag:$0x2], $0x80, s16, s12, $0xb8;
	[tilespmem:$0x1D000] =	vst v63  }
0x19b: {  	_ =	swait.ge [sflag:s10], $0x4000  }
0x19c: {  	[sflag:s10] =	ssyncset.done $0x0  }
0x19d: {  	[sflag:s10] =	ssyncadd.s32 $0xFFFFC000  }
0x19e: {  	_ =	swait.ge [sflag:s14], $0x4000  }
0x19f: {  	[sflag:s14] =	ssyncset.done $0x0  }
0x1a0: {  	[sflag:s14] =	ssyncadd.s32 $0xFFFFC000  }
0x1a1: {  	[tilespmem:s13], [sflag:$0x1] =	stream.indirect.gather [hbm4b:s4+s12], $0x80, s17, s12, $0xb8;
	[tilespmem:$0x1D000] =	vst v63  }
0x1a2: {  	_ = 	snop  }
0x1a3: {  	[spmem:s2] =	stream.indirect.scatter.add.f32 [tilespmem:s15], [sflag:$0x2], $0x80, s18, s12, $0xb8;
	[tilespmem:$0x1D000] =	vst v63  }
0x1a4: {  	_ =	swait.ge [sflag:s10], $0x4000  }
0x1a5: {  	[sflag:s10] =	ssyncset.done $0x0  }
0x1a6: {  	[sflag:s10] =	ssyncadd.s32 $0xFFFFC000  }
0x1a7: {  	_ =	swait.ge [sflag:s14], $0x4000  }
0x1a8: {  	[sflag:s14] =	ssyncset.done $0x0  }
0x1a9: {  	[sflag:s14] =	ssyncadd.s32 $0xFFFFC000  }
0x1aa: {  	[tilespmem:s15], [sflag:$0x1] =	stream.indirect.gather [hbm4b:s4+s12], $0x80, s19, s12, $0xb8;
	[tilespmem:$0x1D000] =	vst v63  }
0x1ab: {  	_ = 	snop  }
0x1ac: {  	[spmem:s2] =	stream.indirect.scatter.add.f32 [tilespmem:s13], [sflag:$0x2], $0x80, s20, s12, $0xb8;
	[tilespmem:$0x1D000] =	vst v63  }
0x1ad: {  	_ =	swait.ge [sflag:s10], $0x4000  }
0x1ae: {  	[sflag:s10] =	ssyncset.done $0x0  }
0x1af: {  	[sflag:s10] =	ssyncadd.s32 $0xFFFFC000  }
0x1b0: {  	_ =	swait.ge [sflag:s14], $0x4000  }
0x1b1: {  	[sflag:s14] =	ssyncset.done $0x0  }
0x1b2: {  	[sflag:s14] =	ssyncadd.s32 $0xFFFFC000  }
0x1b3: {  	[tilespmem:s13], [sflag:$0x1] =	stream.indirect.gather [hbm4b:s4+s12], $0x80, s21, s12, $0xb8;
	[tilespmem:$0x1D000] =	vst v63  }
0x1b4: {  	_ = 	snop  }
0x1b5: {  	[spmem:s2] =	stream.indirect.scatter.add.f32 [tilespmem:s15], [sflag:$0x2], $0x80, s22, s12, $0xb8;
	[tilespmem:$0x1D000] =	vst v63  }
0x1b6: {  	_ =	swait.ge [sflag:s10], $0x4000  }
0x1b7: {  	[sflag:s10] =	ssyncset.done $0x0  }
0x1b8: {  	[sflag:s10] =	ssyncadd.s32 $0xFFFFC000  }
0x1b9: {  	_ =	swait.ge [sflag:s14], $0x4000  }
0x1ba: {  	[sflag:s14] =	ssyncset.done $0x0  }
0x1bb: {  	[sflag:s14] =	ssyncadd.s32 $0xFFFFC000  }
0x1bc: {  	[tilespmem:s15], [sflag:$0x1] =	stream.indirect.gather [hbm4b:s4+s12], $0x80, s23, s12, $0xb8;
	[tilespmem:$0x1D000] =	vst v63  }
0x1bd: {  	_ = 	snop  }
0x1be: {  	[spmem:s2] =	stream.indirect.scatter.add.f32 [tilespmem:s13], [sflag:$0x2], $0x80, s24, s12, $0xb8;
	[tilespmem:$0x1D000] =	vst v63  }
0x1bf: {  	_ =	swait.ge [sflag:s10], $0x4000  }
0x1c0: {  	[sflag:s10] =	ssyncset.done $0x0  }
0x1c1: {  	[sflag:s10] =	ssyncadd.s32 $0xFFFFC000  }
0x1c2: {  	_ =	swait.ge [sflag:s14], $0x4000  }
0x1c3: {  	[sflag:s14] =	ssyncset.done $0x0  }
0x1c4: {  	[sflag:s14] =	ssyncadd.s32 $0xFFFFC000  }
0x1c5: {  	[tilespmem:s13], [sflag:$0x1] =	stream.indirect.gather [hbm4b:s4+s12], $0x80, s25, s12, $0xb8;
	[tilespmem:$0x1D000] =	vst v63  }
0x1c6: {  	_ = 	snop  }
0x1c7: {  	[spmem:s2] =	stream.indirect.scatter.add.f32 [tilespmem:s15], [sflag:$0x2], $0x80, s26, s12, $0xb8;
	[tilespmem:$0x1D000] =	vst v63  }
0x1c8: {  	_ =	swait.ge [sflag:s10], $0x4000  }
0x1c9: {  	[sflag:s10] =	ssyncset.done $0x0  }
0x1ca: {  	[sflag:s10] =	ssyncadd.s32 $0xFFFFC000  }
0x1cb: {  	_ =	swait.ge [sflag:s14], $0x4000  }
0x1cc: {  	[sflag:s14] =	ssyncset.done $0x0  }
0x1cd: {  	[sflag:s14] =	ssyncadd.s32 $0xFFFFC000  }
0x1ce: {  	[tilespmem:s15], [sflag:$0x1] =	stream.indirect.gather [hbm4b:s4+s12], $0x80, s28, s12, $0xb8;
	[tilespmem:$0x1D000] =	vst v63  }
0x1cf: {  	_ = 	snop  }
0x1d0: {  	[spmem:s2] =	stream.indirect.scatter.add.f32 [tilespmem:s13], [sflag:$0x2], $0x80, s29, s12, $0xb8;
	[tilespmem:$0x1D000] =	vst v63  }
0x1d1: {  	_ =	swait.ge [sflag:s10], $0x4000  }
0x1d2: {  	[sflag:s10] =	ssyncset.done $0x0  }
0x1d3: {  	[sflag:s10] =	ssyncadd.s32 $0xFFFFC000  }
0x1d4: {  	_ =	swait.ge [sflag:s14], $0x4000  }
0x1d5: {  	[sflag:s14] =	ssyncset.done $0x0  }
0x1d6: {  	[sflag:s14] =	ssyncadd.s32 $0xFFFFC000  }
0x1d7: {  	[tilespmem:s13], [sflag:$0x1] =	stream.indirect.gather [hbm4b:s4+s12], $0x80, s30, s12, $0xb8;
	[tilespmem:$0x1D000] =	vst v63  }
0x1d8: {  	_ = 	snop  }
0x1d9: {  	[spmem:s2] =	stream.indirect.scatter.add.f32 [tilespmem:s15], [sflag:$0x2], $0x80, s31, s12, $0xb8;
	[tilespmem:$0x1D000] =	vst v63  }
0x1da: {  	_ =	swait.ge [sflag:s10], $0x4000  }
0x1db: {  	[sflag:s10] =	ssyncset.done $0x0  }
0x1dc: {  	[sflag:s10] =	ssyncadd.s32 $0xFFFFC000  }
0x1dd: {  	_ =	swait.ge [sflag:s14], $0x4000  }
0x1de: {  	[sflag:s14] =	ssyncset.done $0x0  }
0x1df: {  	[sflag:s14] =	ssyncadd.s32 $0xFFFFC000  }
0x1e0: {  	[tilespmem:s15], [sflag:$0x1] =	stream.indirect.gather [hbm4b:s4+s12], $0x80, s1, s12, $0xb8;
	[tilespmem:$0x1D000] =	vst v63  }
0x1e1: {  	_ = 	snop  }
0x1e2: {  	[spmem:s2] =	stream.indirect.scatter.add.f32 [tilespmem:s13], [sflag:$0x2], $0x80, s0, s12, $0xb8;
	[tilespmem:$0x1D000] =	vst v63  }
0x1e3: {  	_ =	swait.ge [sflag:s10], $0x4000  }
0x1e4: {  	[sflag:s10] =	ssyncset.done $0x0  }
0x1e5: {  	[sflag:s10] =	ssyncadd.s32 $0xFFFFC000  }
0x1e6: {  	_ =	swait.ge [sflag:s14], $0x4000  }
0x1e7: {  	[sflag:s14] =	ssyncset.done $0x0  }
0x1e8: {  	[sflag:s14] =	ssyncadd.s32 $0xFFFFC000  }
0x1e9: {  	[spmem:s2] =	stream.indirect.scatter.add.f32 [tilespmem:s15], [sflag:$0x2], $0x80, s5, s12, $0xb8;
	[tilespmem:$0x1D000] =	vst v63  }
0x1ea: {  	_ =	swait.ge [sflag:s10], $0x4000  }
0x1eb: {  	[sflag:s10] =	ssyncset.done $0x0  }
0x1ec: {  	[sflag:s10] =	ssyncadd.s32 $0xFFFFC000  }
0x1ed: {  	[bflag:$0x0] =	sbarrier.arrive $0xFFFF  }
0x1ee: {  	s7 =	rddreg [dreg:$0x12]  }
0x1ef: {  	s9 =	rddreg [dreg:$0x13]  }
0x1f0: {  	s8 =	rddreg [dreg:$0x15]  }
0x1f1: {  	[hbm:s9], [sflag:s7] =	dma.local [spmem:s8], $0x2800  }
0x1f2: {  	_ =	swait.ge [sflag:s10], $0x2800  }
0x1f3: {  	s6 =	rddreg [dreg:$0x16]  }
0x1f4: {  	s9 =	sadd.s32 $0x1, s6;
	s6 =	rddreg [dreg:$0x14]  }
0x1f5: {  	p0 =	sne.s32 s9, s6  }
.Ltmp1:
0x1f6: {  	_ = 	snop;
	(pc) =	sbr.rel @p0 .LBB2_1-.Ltmp1, $3  }
0x1f7: {  	_ =	sdelay $0x1  }
0x1f8: {  	[sflag:s10] =	ssyncset.done $0x0  }
0x1f9: {  	[sflag:s10] =	ssyncadd.s32 $0xFFFFD800  }
0x1fa: {  	_ =	sfence.sel $0x180000  }
0x1fb: {  	[bflag:$0x0] =	sbarrier.arrive $0xFFFF  }
0x1fc: {  	_ =	strace $0x9000004D  }
0x1fd: {  	s0 =	stileid.u32;
	[bflag:$0x2] =	sbarrier.arrive $0xFFFF  }
0x1fe: {  	p0 =	sne.s32 s0, $0x0;
	s0 =	rddreg [dreg:$0x3]  }
0x1ff: {  	s0 =	sadd.s32 @!p0 $0x100000, s0  }
0x200: {  	[sflag:s0] =	ssyncadd.tile.s32 @!p0 $0x1;
	_ =	shalt  }
.Lfunc_end2:
_tile_overlayer_lowered:
.L_overlay_start_2:
0x201: {  	(tag) =	ssettag $0x2  }
0x202: {  	s0 =	rddreg [dreg:$0x0];
	s2 =	stileid.u32  }
0x203: {  	s1 =	rddreg [dreg:$0x1];
	p0 =	sne.s32 s2, $0x0  }
0x204: {  	s3 =	rddreg [dreg:$0x2];
	[bflag:$0x3] =	sbarrier.arrive $0xFFFF;
	s2 =	simm.s32 @!p0 $0x1C02  }
0x205: {  	[timem:s3], [sflag:s2] =	dma.local @!p0 [hbm:s0], s1  }
0x206: {  	s0 =	simm.s32 @!p0 $0x2  }
0x207: {  	_ =	swait.ge @!p0 [sflag:s0], s1  }
0x208: {  	s1 =	ssub.s32 @!p0 $0x0, s1;
	[sflag:s0] =	ssyncset.done @!p0 $0x0  }
0x209: {  	[sflag:s0] =	ssyncadd.s32 @!p0 s1  }
0x20a: {  	[bflag:$0x3] =	sbarrier.arrive $0xFFFF  }
0x20b: {  	_ =	shalt  }

// kernel: kernel.8.cloned.1.call-start
scs
__scs_entry_jumppad:
0x0: {  	(pc) =	sbr.rel $0x88, $3  }
0x1: {  	(tag) =	ssettag $0x0;
	lr =	simm.s32 $0x1  }
0x2: {  	[smem:$0x3F99] =	sst lr;
	_ =	strace $0xD0000000  }
0x3: {  	_ = 	snop  }
0x4: {  	_ = 	snop  }
0x5: {  	_ = 	snop  }
0x6: {  	_ = 	snop  }
0x7: {  	_ = 	snop  }
__scs_overlays_trampoline_lowered:
0x8: {  	[smem:$0x3FA8] =	sst s0  }
0x9: {  	[smem:$0x3FA9] =	sst s1  }
0xa: {  	[smem:$0x3FAA] =	sst s2  }
0xb: {  	[smem:$0x3FAB] =	sst s3  }
0xc: {  	[smem:$0x3FAC] =	sst s4  }
0xd: {  	[smem:$0x3FAD] =	sst s5  }
0xe: {  	[smem:$0x3FAE] =	sst s6  }
0xf: {  	[smem:$0x3FAF] =	sst s7  }
0x10: {  	[smem:$0x3FB0] =	sst s8  }
0x11: {  	[smem:$0x3FB1] =	sst s9;
	s0 =	simm.s32 @!p0 $0x0  }
0x12: {  	s1 =	sld [smem:$0x3F97];
	s0 =	simm.s32 @p0 $0x1  }
0x13: {  	[smem:$0x3FB2] =	sst s0;
	s0 =	simm.s32 @!p1 $0x0  }
0x14: {  	s2 =	sld [smem:$0x3F96];
	s0 =	simm.s32 @p1 $0x1  }
0x15: {  	[smem:$0x3FB3] =	sst s0;
	s0 =	simm.s32 @!p2 $0x0  }
0x16: {  	s3 =	sld [smem:$0x3FDB];
	s0 =	simm.s32 @p2 $0x1  }
0x17: {  	s4 =	simm.s32 $0x1BF5;
	[smem:$0x3FB5] =	sst s0  }
0x18: {  	s0 =	sld [smem:$0x3F98];
	_ =	swait.ge [sflag:s4], $0x0  }
0x19: {  	s7 =	sld [smem:$0x3F99]  }
0x1a: {  	s8 =	sadd.s32 $0xFFFFE003, lr  }
0x1b: {  	s9 =	sadd.s32 $0xFFFFFEF7, lr;
	s5 =	simm.s32 $0xFFFFFFFF;
	p2 =	slt.u32 s8, $0xFFFFF086  }
0x1c: {  	p1 =	slt.u32 s9, $0xF7A;
	s5 =	simm.s32 @!p2 $0x0  }
0x1d: {  	s5 =	simm.s32 @p1 $0x1;
	p0 =	seq.s32 s7, s2  }
0x1e: {  	s7 =	smul.u32 @!p0 $0xF7A, s2;
	p2 =	seq.s32 @!p0 s5, $0x0  }
0x1f: {  	s9 =	smul.u32 $0xF7A, s1;
	s8 =	simm.s32 @!p0 $0x1BF5;
	p2 =	por !p2, p0  }
0x20: {  	[sflag:s8] =	ssyncset.s32 @!p0 $0xFFFFF086;
	s6 =	sadd.s32 @!p0 s3, s7;
	s7 =	simm.s32 @!p0 $0x108  }
0x21: {  	s3 =	sadd.s32 s3, s9;
	s6 =	sadd.s32 @!p0 $0x88, s6;
	s7 =	simm.s32 @p2 $0x1082  }
0x22: {  	[simem:s7], [sflag:s8] =	dma.local @!p0 [hbm:s6], $0xF7A  }
0x23: {  	s9 =	sor.u32 $0xD0000000, s2;
	s6 =	simm.s32 $0x108;
	_ =	swait.ge @!p0 [sflag:s8], $0x0  }
0x24: {  	s3 =	sadd.s32 $0x88, s3;
	s6 =	simm.s32 @!p1 $0x1082;
	[sflag:s4] =	ssyncset.s32 $0xFFFFF086  }
0x25: {  	[simem:s6], [sflag:s4] =	dma.local [hbm:s3], $0xF7A  }
0x26: {  	[smem:$0x3F99] =	sst s1;
	(tag) =	ssettag s2;
	_ =	strace s9  }
0x27: {  	s1 =	sld [smem:$0x3FA9]  }
0x28: {  	s2 =	sld [smem:$0x3FAA]  }
0x29: {  	s4 =	sld [smem:$0x3FAC]  }
0x2a: {  	p0 =	seq.s32 s5, $0x0;
	s5 =	sld [smem:$0x3FAD]  }
0x2b: {  	s6 =	sld [smem:$0x3FAE]  }
0x2c: {  	s7 =	sld [smem:$0x3FAF]  }
0x2d: {  	s3 =	simm.s32 $0x108;
	s8 =	sld [smem:$0x3FB0]  }
0x2e: {  	s3 =	simm.s32 @!p0 $0x1082;
	s9 =	sld [smem:$0x3FB1]  }
0x2f: {  	lr =	sadd.s32 s0, s3;
	s0 =	sld [smem:$0x3FA8]  }
0x30: {  	s3 =	sld [smem:$0x3FAB]  }
0x31: {  	[smem:$0x3FB4] =	sst s10  }
0x32: {  	s10 =	sld [smem:$0x3FB2];
	_ =	sdelay $0x3  }
0x33: {  	p0 =	seq.s32 s10, $0x1;
	s10 =	sld [smem:$0x3FB4];
	_ =	sdelay $0x3  }
0x34: {  	[smem:$0x3FB4] =	sst s10  }
0x35: {  	s10 =	sld [smem:$0x3FB3];
	_ =	sdelay $0x3  }
0x36: {  	p1 =	seq.s32 s10, $0x1;
	s10 =	sld [smem:$0x3FB4];
	_ =	sdelay $0x3  }
0x37: {  	[smem:$0x3FB4] =	sst s10  }
0x38: {  	s10 =	sld [smem:$0x3FB5]  }
0x39: {  	_ = 	snop;
	(pc) =	sbr.ind lr, $3  }
0x3a: {  	_ = 	snop  }
0x3b: {  	_ = 	snop  }
0x3c: {  	p2 =	seq.s32 s10, $0x1;
	s10 =	sld [smem:$0x3FB4]  }
0x3d: {  	_ =	shalt  }
0x3e: {  	_ =	shalt  }
0x3f: {  	_ =	shalt  }
0x40: {  	_ =	shalt  }
0x41: {  	_ =	shalt  }
0x42: {  	_ =	shalt  }
0x43: {  	_ =	shalt  }
0x44: {  	_ =	shalt  }
0x45: {  	_ =	shalt  }
0x46: {  	_ =	shalt  }
0x47: {  	_ =	shalt  }
0x48: {  	_ =	shalt  }
0x49: {  	_ =	shalt  }
0x4a: {  	_ =	shalt  }
0x4b: {  	_ =	shalt  }
0x4c: {  	_ =	shalt  }
0x4d: {  	_ =	shalt  }
0x4e: {  	_ =	shalt  }
0x4f: {  	_ =	shalt  }
0x50: {  	_ =	shalt  }
0x51: {  	_ =	shalt  }
0x52: {  	_ =	shalt  }
0x53: {  	_ =	shalt  }
0x54: {  	_ =	shalt  }
0x55: {  	_ =	shalt  }
0x56: {  	_ =	shalt  }
0x57: {  	_ =	shalt  }
0x58: {  	_ =	shalt  }
0x59: {  	_ =	shalt  }
0x5a: {  	_ =	shalt  }
0x5b: {  	_ =	shalt  }
0x5c: {  	_ =	shalt  }
0x5d: {  	_ =	shalt  }
0x5e: {  	_ =	shalt  }
0x5f: {  	_ =	shalt  }
0x60: {  	_ =	shalt  }
0x61: {  	_ =	shalt  }
0x62: {  	_ =	shalt  }
0x63: {  	_ =	shalt  }
0x64: {  	_ =	shalt  }
0x65: {  	_ =	shalt  }
0x66: {  	_ =	shalt  }
0x67: {  	_ =	shalt  }
0x68: {  	_ =	shalt  }
0x69: {  	_ =	shalt  }
0x6a: {  	_ =	shalt  }
0x6b: {  	_ =	shalt  }
0x6c: {  	_ =	shalt  }
0x6d: {  	_ =	shalt  }
0x6e: {  	_ =	shalt  }
0x6f: {  	_ =	shalt  }
0x70: {  	_ =	shalt  }
0x71: {  	_ =	shalt  }
0x72: {  	_ =	shalt  }
0x73: {  	_ =	shalt  }
0x74: {  	_ =	shalt  }
0x75: {  	_ =	shalt  }
0x76: {  	_ =	shalt  }
0x77: {  	_ =	shalt  }
0x78: {  	_ =	shalt  }
0x79: {  	_ =	shalt  }
0x7a: {  	_ =	shalt  }
0x7b: {  	_ =	shalt  }
0x7c: {  	_ =	shalt  }
0x7d: {  	_ =	shalt  }
0x7e: {  	_ =	shalt  }
0x7f: {  	_ =	shalt  }
0x80: {  	_ =	shalt  }
0x81: {  	_ =	shalt  }
0x82: {  	_ =	shalt  }
0x83: {  	_ =	shalt  }
0x84: {  	_ =	shalt  }
0x85: {  	_ =	shalt  }
0x86: {  	_ =	shalt  }
0x87: {  	_ =	shalt  }
.Lfunc_end0:
.L_simem_size_0:
called_computation_lowered:
.L_overlay_start_0:
0x88: {  	s2 =	sld [smem:$0x3FD9]  }
0x89: {  	s3 =	sld [smem:$0x3FFE];
	_ =	sdelay $0x1  }
0x8a: {  	s1 =	srdreg.scid  }
0x8b: {  	s0 =	sand.u32 $0x1, s1  }
0x8c: {  	s17 =	sshll.u32 s0, $0xA;
	s2 =	sadd.s32 s3, s2  }
0x8d: {  	s2 =	sadd.s32 s2, s17  }
0x8e: {  	[smem:$0x3FC0] =	sst s2  }
0x8f: {  	_ = 	snop  }
0x90: {  	s2 =	sld [smem:$0x3FD0];
	(tm) =	ssettm $0x1  }
0x91: {  	s18 =	sld [smem:$0x3FFB];
	_ =	sdelay $0x3  }
0x92: {  	_ =	strace s18  }
0x93: {  	s3 =	sld [smem:$0x3FFC];
	_ =	sdelay $0x3  }
0x94: {  	_ =	strace s3  }
0x95: {  	s3 =	sld [smem:$0x3FFD];
	_ =	sdelay $0x3  }
0x96: {  	_ =	strace s3  }
0x97: {  	_ =	strace $0x8FFFFFFF  }
0x98: {  	s19 =	sld [smem:$0x3FDB];
	_ =	sdelay $0x1  }
0x99: {  	s4 =	simm.s32 $_scs_section_size  }
0x9a: {  	s5 =	simm.s32 $_size__tile_overlayer_lowered;
	s6 =	simm.s32 $_tile_overlayer_lowered  }
0x9b: {  	s22 =	simm.s32 $0x1BFF;
	s21 =	sshll.u32 s6, $0x1;
	s3 =	sadd.s32 s4, s19  }
0x9c: {  	s7 =	simm.s32 $0x0;
	s20 =	sshll.u32 s5, $0x1;
	s5 =	sadd.s32 s21, s3  }
0x9d: {  	[timem:s7], [sflag:s22] =	dma.local [hbm:s5], s20  }
0x9e: {  	_ =	swait.ge [sflag:s22], s20  }
0x9f: {  	s4 =	ssub.s32 $0x0, s20;
	[sflag:s22] =	ssyncset.done $0x0  }
0xa0: {  	[sflag:s22] =	ssyncadd.s32 s4;
	_ =	sdelay $0x1  }
0xa1: {  	s23 =	simm.s32 $0x1B8B  }
0xa2: {  	_ =	swait.ge [sflag:s23], $0x1  }
0xa3: {  	[sflag:s23] =	ssyncset.done $0x0  }
0xa4: {  	s25 =	simm.s32 $0x1B8E;
	s24 =	sld [smem:$0x3FFE];
	[sflag:s23] =	ssyncadd.s32 $0xFFFFFFFF  }
0xa5: {  	s26 =	simm.s32 $execute0_lowered;
	[smem:$0x3FD2] =	sst s25  }
0xa6: {  	s5 =	sshll.u32 s26, $0x1;
	_ =	strace $0x80000046;
	[dreg:$0x1] =	wrdreg $0xFFFFFFFF  }
0xa7: {  	s28 =	simm.s32 $_size_execute0_lowered;
	s3 =	sadd.s32 s3, s5;
	[dreg:$0x0] =	wrdreg $0x0  }
0xa8: {  	s5 =	sshll.u32 s28, $0x1;
	[dreg:$0x2] =	wrdreg s3  }
0xa9: {  	[dreg:$0x3] =	wrdreg s5  }
0xaa: {  	[dreg:$0x4] =	wrdreg $0xC0  }
0xab: {  	_ =	task [dreg:s7], $0x5FFFF  }
0xac: {  	[dreg:$0x1] =	wrdreg $0xFFFFFFFF  }
0xad: {  	[dreg:$0x0] =	wrdreg $0x60  }
0xae: {  	[dreg:$0x2] =	wrdreg s24  }
0xaf: {  	[dreg:$0x3] =	wrdreg s2  }
0xb0: {  	[dreg:$0x4] =	wrdreg $0xA2800  }
0xb1: {  	[dreg:$0x5] =	wrdreg $0xCA800  }
0xb2: {  	[dreg:$0x6] =	wrdreg $0x9  }
0xb3: {  	_ =	task.clear_ibuf [dreg:s7], $0x7FFFF;
	_ =	strace $0x90000046  }
0xb4: {  	s29 =	simm.s32 $0x9;
	_ =	strace $0x80000048  }
0xb5: {  	_ =	swait.ge [sflag:s29], $0x1  }
0xb6: {  	[sflag:s29] =	ssyncadd.s32 $0xFFFFFFFF  }
0xb7: {  	_ =	strace $0x90000048  }
0xb8: {  	_ =	sfence  }
0xb9: {  	s30 =	sld [smem:$0x0];
	_ =	sdelay $0x2  }
0xba: {  	s31 =	sshll.u32 s1, $0xD;
	s1 =	sshrl.u32 s1, $0x2  }
0xbb: {  	s3 =	sand.u32 $0x4000, s31;
	s1 =	sadd.s32 s1, s30  }
0xbc: {  	s0 =	sor.u32 s3, s0;
	s1 =	sshll.u32 s1, $0x11  }
0xbd: {  	s0 =	sor.u32 s1, s0  }
0xbe: {  	s0 =	sadd.s32 $0x8F2B, s0  }
0xbf: {  	[sflag:s0] =	ssyncadd.remote.s32 $0x1  }
0xc0: {  	_ =	sfence.sel $0xFFFF  }
0xc1: {  	[dreg:$0x0] =	wrdreg $0xFFFFFFFF;
	(pc) =	sbr.abs _section_cstart, $3  }
0xc2: {  	[dreg:$0x1] =	wrdreg $0xFFFFFFFF  }
0xc3: {  	_ =	task.clear_ibuf [dreg:s7], $0x2FFFF;
	_ =	strace $0x9FFFFFFF  }
0xc4: {  	(tm) =	ssettm $0x7FFFFFFF  }
0xc5: {  	_ =	shalt  }
tec
execute0_lowered:
.L_overlay_start_1:
0x0: {  	(tag) =	ssettag $0x1  }
0x1: {  	s3 =	rddreg [dreg:$0x0]  }
0x2: {  	s4 =	rddreg [dreg:$0x1]  }
0x3: {  	s7 =	rddreg [dreg:$0x2]  }
0x4: {  	s9 =	rddreg [dreg:$0x3];
	s1 =	srdreg.scid  }
0x5: {  	s0 =	rddreg [dreg:$0x4];
	s2 =	simm.s32 $0x0;
	s15 =	simm.s32 $0x7800  }
0x6: {  	s16 =	simm.s32 $0x80;
	s17 =	simm.s32 $0x400;
	s18 =	simm.s32 $0xA000  }
0x7: {  	s19 =	simm.s32 $0x100;
	s5 =	sand.u32 $0x1, s1;
	s1 =	stileid.u32  }
0x8: {  	[smem:$0x7FF] =	sst s2;
	s6 =	sshll.u32 s5, $0x4;
	s8 =	smul.u32 $0x5000, s5  }
0x9: {  	s10 =	smul.u32 $0x500, s1;
	_ =	strace $0x80000047;
	s11 =	sshrl.u32 s1, $0x3  }
0xa: {  	s24 =	ssub.s32 $0x2, s5;
	s28 =	sshll.u32 s1, $0x7;
	s13 =	smul.u32 $0x5000, s1  }
0xb: {  	s6 =	sor.u32 s1, s6;
	s25 =	smul.u32 $0x14000, s11;
	s26 =	sshrl.u32 s24, $0x1  }
0xc: {  	s29 =	sand.u32 $0x380, s28;
	s6 =	smul.u32 $0x500, s6;
	s8 =	sadd.s32 s10, s8  }
0xd: {  	s14 =	ssub.s32 s24, s26;
	s31 =	sshrl.u32 s13, $0x2;
	s13 =	simm.s32 $0x2800  }
0xe: {  	s8 =	sshrl.u32 s8, $0x3;
	s30 =	sor.u32 s29, s25;
	s11 =	smax.u32 s14, $0x1  }
0xf: {  	s14 =	simm.s32 $0x5000;
	s23 =	sadd.s32 s6, s3;
	s12 =	sadd.s32 s8, s3  }
0x10: {  	s4 =	sadd.s32 s4, s6;
	s5 =	sadd.s32 s30, s7;
	s6 =	sadd.s32 s30, s9  }
0x11: {  	s7 =	sadd.s32 s31, s7;
	s9 =	sadd.s32 s31, s9;
	s3 =	sadd.s32 $0x2200, s23  }
0x12: {  	v0 =	vimm.f32 $0.0e+00;
	v1 =	vimm.f32 $1.000000000e+00;
	s8 =	sadd.s32 $0xC200, s12;
	s10 =	sadd.s32 $0xC210, s12;
	s12 =	simm.s32 $0x1  }
.LBB2_1:
0x13: {  	s20 =	simm.s32 $0x40;
	s21 =	simm.s32 $0x0  }
.LBB2_2:
0x14: {  	p0 =	sne.s32 s20, $0x9FC0;
	[tilespmem:s21+$0x5000] =	vst v0;
	s22 =	smov.u32 s20;
	s20 =	sadd.s32 $0x40, s20  }
.Ltmp0:
0x15: {  	[tilespmem:s21+$0x7800] =	vst v0;
	(pc) =	sbr.rel @p0 .LBB2_2-.Ltmp0, $2  }
0x16: {  	_ =	sdelay $0x2  }
0x17: {  	s21 =	sshra.s32 s22, $0x2  }
0x18: {  	[tilespmem:s21+$0x5000] =	vst v0  }
0x19: {  	[tilespmem:s21+$0x7800] =	vst v0;
	s20 =	simm.s32 $0x0  }
0x1a: {  	[tilespmem:s20], [sflag:$0x1] =	stream.linear.gather [hbm4b:s3+s20], $0x2800, $0x38;
	[tilespmem:$0xF280] =	vst v63  }
0x1b: {  	_ =	swait.ge [sflag:s12], $0x2800  }
0x1c: {  	[sflag:s12] =	ssyncset.done $0x0  }
0x1d: {  	[sflag:s12] =	ssyncadd.s32 $0xFFFFD800  }
0x1e: {  	[tilespmem:s13], [sflag:$0x1] =	stream.linear.gather [hbm4b:s4+s20], $0x2800, $0x38;
	[tilespmem:$0xF280] =	vst v63  }
0x1f: {  	_ =	swait.ge [sflag:s12], $0x2800  }
0x20: {  	[sflag:s12] =	ssyncset.done $0x0  }
0x21: {  	s21 =	simm.s32 $0x0;
	s20 =	simm.s32 $0x40;
	[sflag:s12] =	ssyncadd.s32 $0xFFFFD800  }
.LBB2_4:
0x22: {  	p0 =	sne.s32 s20, $0x9FC0;
	v2 =	vld [tilespmem:s21+$0x0];
	_ =	sdelay $0x7  }
0x23: {  	[tilespmem:v2+s14+$0x0] =	vst.idx.add.f32.msk $0xffff, v1  }
0x24: {  	v2 =	vld [tilespmem:s21+$0x2800];
	_ =	sdelay $0x3  }
.Ltmp1:
0x25: {  	(pc) =	sbr.rel @p0 .LBB2_4-.Ltmp1, $2  }
0x26: {  	_ =	sdelay $0x2  }
0x27: {  	s21 =	sshra.s32 s20, $0x2;
	s20 =	sadd.s32 $0x40, s20;
	[tilespmem:v2+s15+$0x0] =	vst.idx.add.f32.msk $0xffff, v1  }
0x28: {  	v2 =	vld [tilespmem:s21+$0x0];
	_ =	sdelay $0x7  }
0x29: {  	[tilespmem:v2+s14+$0x0] =	vst.idx.add.f32.msk $0xffff, v1  }
0x2a: {  	v2 =	vld [tilespmem:s21+$0x2800];
	_ =	sdelay $0x7  }
0x2b: {  	[tilespmem:v2+s15+$0x0] =	vst.idx.add.f32.msk $0xffff, v1  }
0x2c: {  	[spmem:s5] =	stream.strided.scatter [tilespmem:s14], [sflag:$0x1], $0x2800, s17, s16, $0x38;
	[tilespmem:$0xF280] =	vst v63  }
0x2d: {  	_ =	swait.ge [sflag:s12], $0x2800  }
0x2e: {  	[sflag:s12] =	ssyncset.done $0x0  }
0x2f: {  	[sflag:s12] =	ssyncadd.s32 $0xFFFFD800  }
0x30: {  	[spmem:s6] =	stream.strided.scatter [tilespmem:s15], [sflag:$0x1], $0x2800, s17, s16, $0x38;
	[tilespmem:$0xF280] =	vst v63  }
0x31: {  	_ =	swait.ge [sflag:s12], $0x2800  }
0x32: {  	[sflag:s12] =	ssyncset.done $0x0  }
0x33: {  	[sflag:s12] =	ssyncadd.s32 $0xFFFFD800  }
0x34: {  	s20 =	simm.s32 $0x0;
	[bflag:$0x0] =	sbarrier.arrive $0xFFFF  }
.LBB2_6:
0x35: {  	s21 =	sshrl.u32 s20, $0x3  }
0x36: {  	s21 =	smul.u32 $0x50000, s21;
	_ =	sdelay $0x1  }
0x37: {  	s22 =	sshll.u32 s20, $0x7;
	s21 =	sshra.s32 s21, $0x2  }
0x38: {  	s22 =	sand.u32 $0x380, s22;
	s21 =	sadd.s32 s21, s7  }
0x39: {  	s21 =	sadd.s32 s22, s21  }
0x3a: {  	[tilespmem:s18], [sflag:$0x1] =	stream.strided.gather [spmem:s21], $0x280, s17, s16, $0x38;
	[tilespmem:$0xF280] =	vst v63  }
0x3b: {  	_ =	swait.ge [sflag:s12], $0x280  }
0x3c: {  	p0 =	sne.s32 s20, $0x0;
	[sflag:s12] =	ssyncset.done $0x0  }
0x3d: {  	s21 =	simm.s32 @p0 $0x0;
	[sflag:s12] =	ssyncadd.s32 $0xFFFFFD80  }
0x3e: {  	v2 =	vld @p0 [tilespmem:s21+$0x5000]  }
0x3f: {  	v3 =	vld @p0 [tilespmem:s21+$0xA000];
	_ =	sdelay $0x4  }
0x40: {  	v2 =	vadd.f32 @p0 v3, v2;
	_ =	sdelay $0x1  }
0x41: {  	s22 =	simm.s32 @!p0 $0x0;
	[tilespmem:s21+$0x5000] =	vst @p0 v2  }
0x42: {  	s21 =	simm.s32 $0x40;
	v2 =	vld @!p0 [tilespmem:s22+$0xA000]  }
.LBB2_7:
0x43: {  	_ =	sdelay $0x2  }
0x44: {  	s23 =	smov.u32 s21;
	s21 =	sadd.s32 $0x40, s21  }
0x45: {  	s24 =	sshra.s32 @p0 s23, $0x2;
	p1 =	sne.s32 s21, $0xA00;
	[tilespmem:s22+$0x5000] =	vst @!p0 v2  }
0x46: {  	v2 =	vld @p0 [tilespmem:s24+$0x5000]  }
0x47: {  	v3 =	vld @p0 [tilespmem:s24+$0xA000];
	_ =	sdelay $0x3  }
.Ltmp2:
0x48: {  	(pc) =	sbr.rel @p1 .LBB2_7-.Ltmp2, $4  }
0x49: {  	v2 =	vadd.f32 @p0 v3, v2  }
0x4a: {  	s22 =	sshra.s32 @!p0 s23, $0x2  }
0x4b: {  	[tilespmem:s24+$0x5000] =	vst @p0 v2  }
0x4c: {  	v2 =	vld @!p0 [tilespmem:s22+$0xA000]  }
0x4d: {  	s20 =	sadd.s32 $0x1, s20  }
0x4e: {  	p1 =	sne.s32 s20, $0x10  }
.Ltmp3:
0x4f: {  	_ = 	snop;
	(pc) =	sbr.rel @p1 .LBB2_6-.Ltmp3, $2  }
0x50: {  	_ =	sdelay $0x2  }
0x51: {  	[tilespmem:s22+$0x5000] =	vst @!p0 v2  }
0x52: {  	[hbm4b:s8+s16] =	stream.strided.scatter [tilespmem:s14], [sflag:$0x1], $0x280, s19, s16, $0x38;
	[tilespmem:$0xF280] =	vst v63  }
0x53: {  	_ =	swait.ge [sflag:s12], $0x280  }
0x54: {  	[sflag:s12] =	ssyncset.done $0x0  }
0x55: {  	s20 =	simm.s32 $0x0;
	[sflag:s12] =	ssyncadd.s32 $0xFFFFFD80  }
.LBB2_10:
0x56: {  	s21 =	sshrl.u32 s20, $0x3  }
0x57: {  	s21 =	smul.u32 $0x50000, s21;
	_ =	sdelay $0x1  }
0x58: {  	s22 =	sshll.u32 s20, $0x7;
	s21 =	sshra.s32 s21, $0x2  }
0x59: {  	s22 =	sand.u32 $0x380, s22;
	s21 =	sadd.s32 s21, s9  }
0x5a: {  	s21 =	sadd.s32 s22, s21  }
0x5b: {  	[tilespmem:s18], [sflag:$0x1] =	stream.strided.gather [spmem:s21], $0x280, s17, s16, $0x38;
	[tilespmem:$0xF280] =	vst v63  }
0x5c: {  	_ =	swait.ge [sflag:s12], $0x280  }
0x5d: {  	p0 =	sne.s32 s20, $0x0;
	[sflag:s12] =	ssyncset.done $0x0  }
0x5e: {  	s21 =	simm.s32 @p0 $0x0;
	[sflag:s12] =	ssyncadd.s32 $0xFFFFFD80  }
0x5f: {  	v2 =	vld @p0 [tilespmem:s21+$0x7800]  }
0x60: {  	v3 =	vld @p0 [tilespmem:s21+$0xA000];
	_ =	sdelay $0x4  }
0x61: {  	v2 =	vadd.f32 @p0 v3, v2;
	_ =	sdelay $0x1  }
0x62: {  	s22 =	simm.s32 @!p0 $0x0;
	[tilespmem:s21+$0x7800] =	vst @p0 v2  }
0x63: {  	s21 =	simm.s32 $0x40;
	v2 =	vld @!p0 [tilespmem:s22+$0xA000]  }
.LBB2_11:
0x64: {  	_ =	sdelay $0x2  }
0x65: {  	s23 =	smov.u32 s21;
	s21 =	sadd.s32 $0x40, s21  }
0x66: {  	s24 =	sshra.s32 @p0 s23, $0x2;
	p1 =	sne.s32 s21, $0xA00;
	[tilespmem:s22+$0x7800] =	vst @!p0 v2  }
0x67: {  	v2 =	vld @p0 [tilespmem:s24+$0x7800]  }
0x68: {  	v3 =	vld @p0 [tilespmem:s24+$0xA000];
	_ =	sdelay $0x3  }
.Ltmp4:
0x69: {  	(pc) =	sbr.rel @p1 .LBB2_11-.Ltmp4, $4  }
0x6a: {  	v2 =	vadd.f32 @p0 v3, v2  }
0x6b: {  	s22 =	sshra.s32 @!p0 s23, $0x2  }
0x6c: {  	[tilespmem:s24+$0x7800] =	vst @p0 v2  }
0x6d: {  	v2 =	vld @!p0 [tilespmem:s22+$0xA000]  }
0x6e: {  	s20 =	sadd.s32 $0x1, s20  }
0x6f: {  	p1 =	sne.s32 s20, $0x10  }
.Ltmp5:
0x70: {  	_ = 	snop;
	(pc) =	sbr.rel @p1 .LBB2_10-.Ltmp5, $2  }
0x71: {  	_ =	sdelay $0x2  }
0x72: {  	[tilespmem:s22+$0x7800] =	vst @!p0 v2  }
0x73: {  	s2 =	sadd.s32 $0x1, s2  }
0x74: {  	p0 =	sne.s32 s2, s11  }
.Ltmp6:
0x75: {  	_ = 	snop;
	(pc) =	sbr.rel @p0 .LBB2_1-.Ltmp6, $4  }
0x76: {  	[hbm4b:s10+s16] =	stream.strided.scatter [tilespmem:s15], [sflag:$0x1], $0x280, s19, s16, $0x38;
	[tilespmem:$0xF280] =	vst v63  }
0x77: {  	_ =	swait.ge [sflag:s12], $0x280  }
0x78: {  	[sflag:s12] =	ssyncset.done $0x0  }
0x79: {  	[sflag:s12] =	ssyncadd.s32 $0xFFFFFD80  }
0x7a: {  	_ =	sfence.sel $0x180000  }
0x7b: {  	[bflag:$0x0] =	sbarrier.arrive $0xFFFF  }
0x7c: {  	p0 =	sne.s32 s1, $0x0;
	_ =	strace $0x90000047  }
0x7d: {  	s0 =	sadd.s32 @!p0 $0x100000, s0;
	[bflag:$0x2] =	sbarrier.arrive $0xFFFF  }
0x7e: {  	[sflag:s0] =	ssyncadd.tile.s32 @!p0 $0x1;
	_ =	shalt  }
.Lfunc_end2:
_tile_overlayer_lowered:
.L_overlay_start_2:
0x7f: {  	(tag) =	ssettag $0x2  }
0x80: {  	s0 =	rddreg [dreg:$0x0];
	s2 =	stileid.u32  }
0x81: {  	s1 =	rddreg [dreg:$0x1];
	p0 =	sne.s32 s2, $0x0  }
0x82: {  	s3 =	rddreg [dreg:$0x2];
	[bflag:$0x3] =	sbarrier.arrive $0xFFFF;
	s2 =	simm.s32 @!p0 $0x1C01  }
0x83: {  	[timem:s3], [sflag:s2] =	dma.local @!p0 [hbm:s0], s1  }
0x84: {  	s0 =	simm.s32 @!p0 $0x1  }
0x85: {  	_ =	swait.ge @!p0 [sflag:s0], s1  }
0x86: {  	s1 =	ssub.s32 @!p0 $0x0, s1;
	[sflag:s0] =	ssyncset.done @!p0 $0x0  }
0x87: {  	[sflag:s0] =	ssyncadd.s32 @!p0 s1  }
0x88: {  	[bflag:$0x3] =	sbarrier.arrive $0xFFFF  }
0x89: {  	_ =	shalt  }

</sc_bundles>
